<compile_context>
chip_gen: v7x
topology: tpu7x:2x2x1
jax: 0.10.2.dev20260603
libtpu: 0.0.44.dev20260713+nightly
codegen_flags: <defaults>
</compile_context>

<pallas_src>
import functools

import jax
import jax.numpy as jnp
from jax import lax
from jax.experimental import pallas as pl
from jax.experimental.pallas import tpu as pltpu
from jax.experimental.pallas import tpu_sc as plsc

B = 4096
S = 200
D = 64
NUM_CLASSES = 128

NC = 2
NS = 16
NW = NC * NS
B_PER_W = B // NW
SPLIT_A = 104
SPLIT_B = S - SPLIT_A
G_PER_W = 2 * B_PER_W
NBUF = 8
INV_S = 1.0 / S

_LENS = tuple(SPLIT_A if k % 2 == 0 else SPLIT_B for k in range(NBUF))


def _sc_pool_body(x_hbm, table_hbm, out_hbm, *refs):
    ibs = refs[:NBUF]
    bufs = refs[NBUF:2 * NBUF]
    out_v = refs[2 * NBUF]
    sems = refs[2 * NBUF + 1:2 * NBUF + 1 + NBUF]
    isems = refs[2 * NBUF + 1 + NBUF:]

    wid = lax.axis_index("s") * NC + lax.axis_index("c")

    def fetch_idx(g, k):
        item = wid * B_PER_W + g // 2
        pltpu.async_copy(x_hbm.at[item, pl.ds((k % 2) * SPLIT_A, _LENS[k])],
                         ibs[k], isems[k])

    def fire(k):
        pltpu.make_async_copy(x_hbm.at[0, pl.ds(0, _LENS[k])], ibs[k],
                              isems[k]).wait()
        pltpu.async_copy(table_hbm.at[ibs[k]], bufs[k], sems[k])

    def wait(k):
        pltpu.make_async_copy(table_hbm.at[ibs[k]], bufs[k], sems[k]).wait()

    for k in range(NBUF):
        fetch_idx(k, k)
    for k in range(NBUF):
        fire(k)

    def accumulate(buf, n_rows):
        def body(i, acc):
            a0, a1, a2, a3 = acc
            for u in range(4):
                r = i * 4 + u
                a0 = a0 + buf[r, pl.ds(0, 16)]
                a1 = a1 + buf[r, pl.ds(16, 16)]
                a2 = a2 + buf[r, pl.ds(32, 16)]
                a3 = a3 + buf[r, pl.ds(48, 16)]
            return a0, a1, a2, a3
        zero = jnp.zeros((16,), jnp.float32)
        return lax.fori_loop(0, n_rows // 4, body, (zero, zero, zero, zero))

    def outer(j, carry):
        g_base = j * NBUF
        for k in range(NBUF):
            g = g_base + k
            wait(k)

            @pl.when(j < (G_PER_W // NBUF) - 1)
            def _():
                fetch_idx(g + NBUF, k)

            a0, a1, a2, a3 = accumulate(bufs[k], _LENS[k])
            item = (g_base + k) // 2
            if k % 2 == 0:
                out_v[item, pl.ds(0, 16)] = a0
                out_v[item, pl.ds(16, 16)] = a1
                out_v[item, pl.ds(32, 16)] = a2
                out_v[item, pl.ds(48, 16)] = a3
            else:
                out_v[item, pl.ds(0, 16)] = (
                    out_v[item, pl.ds(0, 16)] + a0) * INV_S
                out_v[item, pl.ds(16, 16)] = (
                    out_v[item, pl.ds(16, 16)] + a1) * INV_S
                out_v[item, pl.ds(32, 16)] = (
                    out_v[item, pl.ds(32, 16)] + a2) * INV_S
                out_v[item, pl.ds(48, 16)] = (
                    out_v[item, pl.ds(48, 16)] + a3) * INV_S

            @pl.when(j < (G_PER_W // NBUF) - 1)
            def _():
                fire(k)
        return carry

    lax.fori_loop(0, G_PER_W // NBUF, outer, 0)

    pltpu.sync_copy(out_v, out_hbm.at[pl.ds(wid * B_PER_W, B_PER_W)])


@functools.lru_cache(maxsize=None)
def _make_sc_pool():
    return pl.kernel(
        _sc_pool_body,
        out_type=jax.ShapeDtypeStruct((B, NUM_CLASSES), jnp.float32),
        mesh=plsc.VectorSubcoreMesh(core_axis_name="c", subcore_axis_name="s",
                                    num_cores=NC, num_subcores=NS),
        compiler_params=pltpu.CompilerParams(use_tc_tiling_on_sc=False),
        scratch_types=(
            [pltpu.VMEM((_LENS[k],), jnp.int32) for k in range(NBUF)]
            + [pltpu.VMEM((_LENS[k], D), jnp.float32) for k in range(NBUF)]
            + [pltpu.VMEM((B_PER_W, NUM_CLASSES), jnp.float32)]
            + [pltpu.SemaphoreType.DMA] * (2 * NBUF)
        ),
    )


def _mm_body(p_ref, w_ref, b_ref, o_ref):
    o_ref[...] = jnp.dot(p_ref[:, :D], w_ref[...],
                         preferred_element_type=jnp.float32) + b_ref[...]


def _tc_matmul(pooled_pad, W, b):
    blk = 512
    return pl.pallas_call(
        _mm_body,
        grid=(B // blk,),
        in_specs=[
            pl.BlockSpec((blk, NUM_CLASSES), lambda i: (i, 0)),
            pl.BlockSpec((D, NUM_CLASSES), lambda i: (0, 0)),
            pl.BlockSpec((NUM_CLASSES,), lambda i: (0,)),
        ],
        out_specs=pl.BlockSpec((blk, NUM_CLASSES), lambda i: (i, 0)),
        out_shape=jax.ShapeDtypeStruct((B, NUM_CLASSES), jnp.float32),
    )(pooled_pad, W, b)


@jax.jit
def kernel(x, table, W, b):
    pooled_pad = _make_sc_pool()(x.astype(jnp.int32), table)
    return _tc_matmul(pooled_pad, W, b)

# --- scband reference (transcript-rebuilt; emitter-appended) ---
"""Pipeline reference for scband-fast-text-classifier-16226386444295 (READ-ONLY COPY).

The authoritative reference and input builder live on the scoring server;
editing this copy changes nothing except your own understanding.
"""

import jax, jax.numpy as jnp
import numpy as np

VOCAB = 100000
EMBED = 64
NUM_CLASSES = 128
BATCH = 4096
SEQ = 200

def setup_inputs(seed: int = 0) -> dict:
    key = jax.random.key(seed)
    k1, k2, k3, k4 = jax.random.split(key, 4)
    x = jax.random.randint(k1, (BATCH, SEQ), 0, VOCAB, dtype=jnp.int64 if jax.config.jax_enable_x64 else jnp.int32)
    table = jax.random.normal(k2, (VOCAB, EMBED), dtype=jnp.float32) * 0.02
    W = jax.random.normal(k3, (EMBED, NUM_CLASSES), dtype=jnp.float32) * (1.0 / np.sqrt(EMBED))
    b = jax.random.normal(k4, (NUM_CLASSES,), dtype=jnp.float32) * 0.01
    return {"x": x, "table": table, "W": W, "b": b}

def reference(x, table, W, b):
    # embedding lookup: [B, S, D]
    embeds = jnp.take(table, x, axis=0)
    # mean pool over sequence dim
    pooled = jnp.mean(embeds, axis=1)
    # linear layer
    out = pooled @ W + b
    return out

if __name__ == "__main__":
    import jax
    _d = setup_inputs()
    print(jax.jit(kernel)(*tuple(_d.values())))

</pallas_src>

<mosaic_0001>
#map = affine_map<(d0, d1) -> (0, 0)>
module attributes {stable_mosaic.version = 14 : i64} {
  func.func @_sc_pool_body(%arg0: i32, %arg1: i32, %arg2: memref<4096x200xi32, #tpu.memory_space<hbm>>, %arg3: memref<100000x64xf32, #tpu.memory_space<hbm>>, %arg4: memref<4096x128xf32, #tpu.memory_space<hbm>>, %arg5: memref<104xi32, #tpu.memory_space<vmem>>, %arg6: memref<96xi32, #tpu.memory_space<vmem>>, %arg7: memref<104xi32, #tpu.memory_space<vmem>>, %arg8: memref<96xi32, #tpu.memory_space<vmem>>, %arg9: memref<104xi32, #tpu.memory_space<vmem>>, %arg10: memref<96xi32, #tpu.memory_space<vmem>>, %arg11: memref<104xi32, #tpu.memory_space<vmem>>, %arg12: memref<96xi32, #tpu.memory_space<vmem>>, %arg13: memref<104x64xf32, #tpu.memory_space<vmem>>, %arg14: memref<96x64xf32, #tpu.memory_space<vmem>>, %arg15: memref<104x64xf32, #tpu.memory_space<vmem>>, %arg16: memref<96x64xf32, #tpu.memory_space<vmem>>, %arg17: memref<104x64xf32, #tpu.memory_space<vmem>>, %arg18: memref<96x64xf32, #tpu.memory_space<vmem>>, %arg19: memref<104x64xf32, #tpu.memory_space<vmem>>, %arg20: memref<96x64xf32, #tpu.memory_space<vmem>>, %arg21: memref<128x128xf32, #tpu.memory_space<vmem>>, %arg22: memref<!tpu.dma_semaphore, #tpu.memory_space<semaphore_mem>>, %arg23: memref<!tpu.dma_semaphore, #tpu.memory_space<semaphore_mem>>, %arg24: memref<!tpu.dma_semaphore, #tpu.memory_space<semaphore_mem>>, %arg25: memref<!tpu.dma_semaphore, #tpu.memory_space<semaphore_mem>>, %arg26: memref<!tpu.dma_semaphore, #tpu.memory_space<semaphore_mem>>, %arg27: memref<!tpu.dma_semaphore, #tpu.memory_space<semaphore_mem>>, %arg28: memref<!tpu.dma_semaphore, #tpu.memory_space<semaphore_mem>>, %arg29: memref<!tpu.dma_semaphore, #tpu.memory_space<semaphore_mem>>, %arg30: memref<!tpu.dma_semaphore, #tpu.memory_space<semaphore_mem>>, %arg31: memref<!tpu.dma_semaphore, #tpu.memory_space<semaphore_mem>>, %arg32: memref<!tpu.dma_semaphore, #tpu.memory_space<semaphore_mem>>, %arg33: memref<!tpu.dma_semaphore, #tpu.memory_space<semaphore_mem>>, %arg34: memref<!tpu.dma_semaphore, #tpu.memory_space<semaphore_mem>>, %arg35: memref<!tpu.dma_semaphore, #tpu.memory_space<semaphore_mem>>, %arg36: memref<!tpu.dma_semaphore, #tpu.memory_space<semaphore_mem>>, %arg37: memref<!tpu.dma_semaphore, #tpu.memory_space<semaphore_mem>>) attributes {dimension_semantics = [#tpu.dimension_semantics<core_parallel>, #tpu.dimension_semantics<subcore_parallel>], iteration_bounds = array<i64: 2, 16>, scalar_prefetch = 0 : i64, scratch_operands = 33 : i64, tpu.core_type = #tpu.core_type<sc_vector_subcore>, window_params = [{transform_indices = #map}, {transform_indices = #map}, {transform_indices = #map}]} {
    %mul3A = arith.constant 2 : i32
    %mul3A_0 = arith.muli %arg1, %mul3A : i32
    %add3A = arith.addi %mul3A_0, %arg0 : i32
    %mul3A_1 = arith.constant 128 : i32
    %mul3A_2 = arith.muli %add3A, %mul3A_1 : i32
    %add3A_3 = arith.constant 0 : i32
    %add3A_4 = arith.addi %mul3A_2, %add3A_3 : i32
    %dma_start3A = arith.constant 0 : i32
    %dma_start3A_5 = tpu.memref_slice %arg2[%add3A_4, %dma_start3A] : memref<4096x200xi32, #tpu.memory_space<hbm>> -> memref<1x104xi32, #tpu.memory_space<hbm>>
    %dma_start3A_6 = tpu.memref_squeeze %dma_start3A_5 : memref<1x104xi32, #tpu.memory_space<hbm>> -> memref<104xi32, #tpu.memory_space<hbm>>
    %dma_start3A_7 = arith.constant 0 : i32
    %dma_start3A_8 = tpu.memref_slice %arg2[%add3A_4, %dma_start3A_7] : memref<4096x200xi32, #tpu.memory_space<hbm>> -> memref<1x104xi32, #tpu.memory_space<hbm>>
    %dma_start3A_9 = tpu.memref_squeeze %dma_start3A_8 : memref<1x104xi32, #tpu.memory_space<hbm>> -> memref<104xi32, #tpu.memory_space<hbm>>
    tpu.enqueue_dma source(%dma_start3A_9 : memref<104xi32, #tpu.memory_space<hbm>>) target(%arg5 : memref<104xi32, #tpu.memory_space<vmem>>) target_semaphore(%arg30 : memref<!tpu.dma_semaphore, #tpu.memory_space<semaphore_mem>>)
    %mul3A_10 = arith.constant 128 : i32
    %mul3A_11 = arith.muli %add3A, %mul3A_10 : i32
    %add3A_12 = arith.constant 0 : i32
    %add3A_13 = arith.addi %mul3A_11, %add3A_12 : i32
    %dma_start3A_14 = arith.constant 104 : i32
    %dma_start3A_15 = tpu.memref_slice %arg2[%add3A_13, %dma_start3A_14] : memref<4096x200xi32, #tpu.memory_space<hbm>> -> memref<1x96xi32, #tpu.memory_space<hbm>>
    %dma_start3A_16 = tpu.memref_squeeze %dma_start3A_15 : memref<1x96xi32, #tpu.memory_space<hbm>> -> memref<96xi32, #tpu.memory_space<hbm>>
    %dma_start3A_17 = arith.constant 104 : i32
    %dma_start3A_18 = tpu.memref_slice %arg2[%add3A_13, %dma_start3A_17] : memref<4096x200xi32, #tpu.memory_space<hbm>> -> memref<1x96xi32, #tpu.memory_space<hbm>>
    %dma_start3A_19 = tpu.memref_squeeze %dma_start3A_18 : memref<1x96xi32, #tpu.memory_space<hbm>> -> memref<96xi32, #tpu.memory_space<hbm>>
    tpu.enqueue_dma source(%dma_start3A_19 : memref<96xi32, #tpu.memory_space<hbm>>) target(%arg6 : memref<96xi32, #tpu.memory_space<vmem>>) target_semaphore(%arg31 : memref<!tpu.dma_semaphore, #tpu.memory_space<semaphore_mem>>)
    %mul3A_20 = arith.constant 128 : i32
    %mul3A_21 = arith.muli %add3A, %mul3A_20 : i32
    %add3A_22 = arith.constant 1 : i32
    %add3A_23 = arith.addi %mul3A_21, %add3A_22 : i32
    %dma_start3A_24 = arith.constant 0 : i32
    %dma_start3A_25 = tpu.memref_slice %arg2[%add3A_23, %dma_start3A_24] : memref<4096x200xi32, #tpu.memory_space<hbm>> -> memref<1x104xi32, #tpu.memory_space<hbm>>
    %dma_start3A_26 = tpu.memref_squeeze %dma_start3A_25 : memref<1x104xi32, #tpu.memory_space<hbm>> -> memref<104xi32, #tpu.memory_space<hbm>>
    %dma_start3A_27 = arith.constant 0 : i32
    %dma_start3A_28 = tpu.memref_slice %arg2[%add3A_23, %dma_start3A_27] : memref<4096x200xi32, #tpu.memory_space<hbm>> -> memref<1x104xi32, #tpu.memory_space<hbm>>
    %dma_start3A_29 = tpu.memref_squeeze %dma_start3A_28 : memref<1x104xi32, #tpu.memory_space<hbm>> -> memref<104xi32, #tpu.memory_space<hbm>>
    tpu.enqueue_dma source(%dma_start3A_29 : memref<104xi32, #tpu.memory_space<hbm>>) target(%arg7 : memref<104xi32, #tpu.memory_space<vmem>>) target_semaphore(%arg32 : memref<!tpu.dma_semaphore, #tpu.memory_space<semaphore_mem>>)
    %mul3A_30 = arith.constant 128 : i32
    %mul3A_31 = arith.muli %add3A, %mul3A_30 : i32
    %add3A_32 = arith.constant 1 : i32
    %add3A_33 = arith.addi %mul3A_31, %add3A_32 : i32
    %dma_start3A_34 = arith.constant 104 : i32
    %dma_start3A_35 = tpu.memref_slice %arg2[%add3A_33, %dma_start3A_34] : memref<4096x200xi32, #tpu.memory_space<hbm>> -> memref<1x96xi32, #tpu.memory_space<hbm>>
    %dma_start3A_36 = tpu.memref_squeeze %dma_start3A_35 : memref<1x96xi32, #tpu.memory_space<hbm>> -> memref<96xi32, #tpu.memory_space<hbm>>
    %dma_start3A_37 = arith.constant 104 : i32
    %dma_start3A_38 = tpu.memref_slice %arg2[%add3A_33, %dma_start3A_37] : memref<4096x200xi32, #tpu.memory_space<hbm>> -> memref<1x96xi32, #tpu.memory_space<hbm>>
    %dma_start3A_39 = tpu.memref_squeeze %dma_start3A_38 : memref<1x96xi32, #tpu.memory_space<hbm>> -> memref<96xi32, #tpu.memory_space<hbm>>
    tpu.enqueue_dma source(%dma_start3A_39 : memref<96xi32, #tpu.memory_space<hbm>>) target(%arg8 : memref<96xi32, #tpu.memory_space<vmem>>) target_semaphore(%arg33 : memref<!tpu.dma_semaphore, #tpu.memory_space<semaphore_mem>>)
    %mul3A_40 = arith.constant 128 : i32
    %mul3A_41 = arith.muli %add3A, %mul3A_40 : i32
    %add3A_42 = arith.constant 2 : i32
    %add3A_43 = arith.addi %mul3A_41, %add3A_42 : i32
    %dma_start3A_44 = arith.constant 0 : i32
    %dma_start3A_45 = tpu.memref_slice %arg2[%add3A_43, %dma_start3A_44] : memref<4096x200xi32, #tpu.memory_space<hbm>> -> memref<1x104xi32, #tpu.memory_space<hbm>>
    %dma_start3A_46 = tpu.memref_squeeze %dma_start3A_45 : memref<1x104xi32, #tpu.memory_space<hbm>> -> memref<104xi32, #tpu.memory_space<hbm>>
    %dma_start3A_47 = arith.constant 0 : i32
    %dma_start3A_48 = tpu.memref_slice %arg2[%add3A_43, %dma_start3A_47] : memref<4096x200xi32, #tpu.memory_space<hbm>> -> memref<1x104xi32, #tpu.memory_space<hbm>>
    %dma_start3A_49 = tpu.memref_squeeze %dma_start3A_48 : memref<1x104xi32, #tpu.memory_space<hbm>> -> memref<104xi32, #tpu.memory_space<hbm>>
    tpu.enqueue_dma source(%dma_start3A_49 : memref<104xi32, #tpu.memory_space<hbm>>) target(%arg9 : memref<104xi32, #tpu.memory_space<vmem>>) target_semaphore(%arg34 : memref<!tpu.dma_semaphore, #tpu.memory_space<semaphore_mem>>)
    %mul3A_50 = arith.constant 128 : i32
    %mul3A_51 = arith.muli %add3A, %mul3A_50 : i32
    %add3A_52 = arith.constant 2 : i32
    %add3A_53 = arith.addi %mul3A_51, %add3A_52 : i32
    %dma_start3A_54 = arith.constant 104 : i32
    %dma_start3A_55 = tpu.memref_slice %arg2[%add3A_53, %dma_start3A_54] : memref<4096x200xi32, #tpu.memory_space<hbm>> -> memref<1x96xi32, #tpu.memory_space<hbm>>
    %dma_start3A_56 = tpu.memref_squeeze %dma_start3A_55 : memref<1x96xi32, #tpu.memory_space<hbm>> -> memref<96xi32, #tpu.memory_space<hbm>>
    %dma_start3A_57 = arith.constant 104 : i32
    %dma_start3A_58 = tpu.memref_slice %arg2[%add3A_53, %dma_start3A_57] : memref<4096x200xi32, #tpu.memory_space<hbm>> -> memref<1x96xi32, #tpu.memory_space<hbm>>
    %dma_start3A_59 = tpu.memref_squeeze %dma_start3A_58 : memref<1x96xi32, #tpu.memory_space<hbm>> -> memref<96xi32, #tpu.memory_space<hbm>>
    tpu.enqueue_dma source(%dma_start3A_59 : memref<96xi32, #tpu.memory_space<hbm>>) target(%arg10 : memref<96xi32, #tpu.memory_space<vmem>>) target_semaphore(%arg35 : memref<!tpu.dma_semaphore, #tpu.memory_space<semaphore_mem>>)
    %mul3A_60 = arith.constant 128 : i32
    %mul3A_61 = arith.muli %add3A, %mul3A_60 : i32
    %add3A_62 = arith.constant 3 : i32
    %add3A_63 = arith.addi %mul3A_61, %add3A_62 : i32
    %dma_start3A_64 = arith.constant 0 : i32
    %dma_start3A_65 = tpu.memref_slice %arg2[%add3A_63, %dma_start3A_64] : memref<4096x200xi32, #tpu.memory_space<hbm>> -> memref<1x104xi32, #tpu.memory_space<hbm>>
    %dma_start3A_66 = tpu.memref_squeeze %dma_start3A_65 : memref<1x104xi32, #tpu.memory_space<hbm>> -> memref<104xi32, #tpu.memory_space<hbm>>
    %dma_start3A_67 = arith.constant 0 : i32
    %dma_start3A_68 = tpu.memref_slice %arg2[%add3A_63, %dma_start3A_67] : memref<4096x200xi32, #tpu.memory_space<hbm>> -> memref<1x104xi32, #tpu.memory_space<hbm>>
    %dma_start3A_69 = tpu.memref_squeeze %dma_start3A_68 : memref<1x104xi32, #tpu.memory_space<hbm>> -> memref<104xi32, #tpu.memory_space<hbm>>
    tpu.enqueue_dma source(%dma_start3A_69 : memref<104xi32, #tpu.memory_space<hbm>>) target(%arg11 : memref<104xi32, #tpu.memory_space<vmem>>) target_semaphore(%arg36 : memref<!tpu.dma_semaphore, #tpu.memory_space<semaphore_mem>>)
    %mul3A_70 = arith.constant 128 : i32
    %mul3A_71 = arith.muli %add3A, %mul3A_70 : i32
    %add3A_72 = arith.constant 3 : i32
    %add3A_73 = arith.addi %mul3A_71, %add3A_72 : i32
    %dma_start3A_74 = arith.constant 104 : i32
    %dma_start3A_75 = tpu.memref_slice %arg2[%add3A_73, %dma_start3A_74] : memref<4096x200xi32, #tpu.memory_space<hbm>> -> memref<1x96xi32, #tpu.memory_space<hbm>>
    %dma_start3A_76 = tpu.memref_squeeze %dma_start3A_75 : memref<1x96xi32, #tpu.memory_space<hbm>> -> memref<96xi32, #tpu.memory_space<hbm>>
    %dma_start3A_77 = arith.constant 104 : i32
    %dma_start3A_78 = tpu.memref_slice %arg2[%add3A_73, %dma_start3A_77] : memref<4096x200xi32, #tpu.memory_space<hbm>> -> memref<1x96xi32, #tpu.memory_space<hbm>>
    %dma_start3A_79 = tpu.memref_squeeze %dma_start3A_78 : memref<1x96xi32, #tpu.memory_space<hbm>> -> memref<96xi32, #tpu.memory_space<hbm>>
    tpu.enqueue_dma source(%dma_start3A_79 : memref<96xi32, #tpu.memory_space<hbm>>) target(%arg12 : memref<96xi32, #tpu.memory_space<vmem>>) target_semaphore(%arg37 : memref<!tpu.dma_semaphore, #tpu.memory_space<semaphore_mem>>)
    %dma_wait3A = arith.constant 0 : i32
    %dma_wait3A_80 = arith.constant 0 : i32
    %dma_wait3A_81 = tpu.memref_slice %arg2[%dma_wait3A, %dma_wait3A_80] : memref<4096x200xi32, #tpu.memory_space<hbm>> -> memref<1x104xi32, #tpu.memory_space<hbm>>
    %dma_wait3A_82 = tpu.memref_squeeze %dma_wait3A_81 : memref<1x104xi32, #tpu.memory_space<hbm>> -> memref<104xi32, #tpu.memory_space<hbm>>
    %dma_wait3A_83 = arith.constant 0 : i32
    %dma_wait3A_84 = tpu.memref_slice %arg2[%dma_wait3A, %dma_wait3A_83] : memref<4096x200xi32, #tpu.memory_space<hbm>> -> memref<1x104xi32, #tpu.memory_space<hbm>>
    %dma_wait3A_85 = tpu.memref_squeeze %dma_wait3A_84 : memref<1x104xi32, #tpu.memory_space<hbm>> -> memref<104xi32, #tpu.memory_space<hbm>>
    tpu.wait_dma2 semaphore(%arg30 : memref<!tpu.dma_semaphore, #tpu.memory_space<semaphore_mem>>) src(%dma_wait3A_85 : memref<104xi32, #tpu.memory_space<hbm>>) dst(%arg5 : memref<104xi32, #tpu.memory_space<vmem>>)
    %dma_start3A_86 = arith.constant 0 : i32
    %dma_start3A_87 = arith.constant 0 : i32
    %dma_start3A_88 = tpu.memref_slice %arg3[%dma_start3A_86, %dma_start3A_87] : memref<100000x64xf32, #tpu.memory_space<hbm>> -> memref<100000x64xf32, #tpu.memory_space<hbm>>
    tpu.enqueue_indirect_dma source(%dma_start3A_88 : memref<100000x64xf32, #tpu.memory_space<hbm>>) target(%arg13 : memref<104x64xf32, #tpu.memory_space<vmem>>) offsets(%arg5 : memref<104xi32, #tpu.memory_space<vmem>>) semaphore(%arg22 : memref<!tpu.dma_semaphore, #tpu.memory_space<semaphore_mem>>)
    %dma_wait3A_89 = arith.constant 0 : i32
    %dma_wait3A_90 = arith.constant 0 : i32
    %dma_wait3A_91 = tpu.memref_slice %arg2[%dma_wait3A_89, %dma_wait3A_90] : memref<4096x200xi32, #tpu.memory_space<hbm>> -> memref<1x96xi32, #tpu.memory_space<hbm>>
    %dma_wait3A_92 = tpu.memref_squeeze %dma_wait3A_91 : memref<1x96xi32, #tpu.memory_space<hbm>> -> memref<96xi32, #tpu.memory_space<hbm>>
    %dma_wait3A_93 = arith.constant 0 : i32
    %dma_wait3A_94 = tpu.memref_slice %arg2[%dma_wait3A_89, %dma_wait3A_93] : memref<4096x200xi32, #tpu.memory_space<hbm>> -> memref<1x96xi32, #tpu.memory_space<hbm>>
    %dma_wait3A_95 = tpu.memref_squeeze %dma_wait3A_94 : memref<1x96xi32, #tpu.memory_space<hbm>> -> memref<96xi32, #tpu.memory_space<hbm>>
    tpu.wait_dma2 semaphore(%arg31 : memref<!tpu.dma_semaphore, #tpu.memory_space<semaphore_mem>>) src(%dma_wait3A_95 : memref<96xi32, #tpu.memory_space<hbm>>) dst(%arg6 : memref<96xi32, #tpu.memory_space<vmem>>)
    %dma_start3A_96 = arith.constant 0 : i32
    %dma_start3A_97 = arith.constant 0 : i32
    %dma_start3A_98 = tpu.memref_slice %arg3[%dma_start3A_96, %dma_start3A_97] : memref<100000x64xf32, #tpu.memory_space<hbm>> -> memref<100000x64xf32, #tpu.memory_space<hbm>>
    tpu.enqueue_indirect_dma source(%dma_start3A_98 : memref<100000x64xf32, #tpu.memory_space<hbm>>) target(%arg14 : memref<96x64xf32, #tpu.memory_space<vmem>>) offsets(%arg6 : memref<96xi32, #tpu.memory_space<vmem>>) semaphore(%arg23 : memref<!tpu.dma_semaphore, #tpu.memory_space<semaphore_mem>>)
    %dma_wait3A_99 = arith.constant 0 : i32
    %dma_wait3A_100 = arith.constant 0 : i32
    %dma_wait3A_101 = tpu.memref_slice %arg2[%dma_wait3A_99, %dma_wait3A_100] : memref<4096x200xi32, #tpu.memory_space<hbm>> -> memref<1x104xi32, #tpu.memory_space<hbm>>
    %dma_wait3A_102 = tpu.memref_squeeze %dma_wait3A_101 : memref<1x104xi32, #tpu.memory_space<hbm>> -> memref<104xi32, #tpu.memory_space<hbm>>
    %dma_wait3A_103 = arith.constant 0 : i32
    %dma_wait3A_104 = tpu.memref_slice %arg2[%dma_wait3A_99, %dma_wait3A_103] : memref<4096x200xi32, #tpu.memory_space<hbm>> -> memref<1x104xi32, #tpu.memory_space<hbm>>
    %dma_wait3A_105 = tpu.memref_squeeze %dma_wait3A_104 : memref<1x104xi32, #tpu.memory_space<hbm>> -> memref<104xi32, #tpu.memory_space<hbm>>
    tpu.wait_dma2 semaphore(%arg32 : memref<!tpu.dma_semaphore, #tpu.memory_space<semaphore_mem>>) src(%dma_wait3A_105 : memref<104xi32, #tpu.memory_space<hbm>>) dst(%arg7 : memref<104xi32, #tpu.memory_space<vmem>>)
    %dma_start3A_106 = arith.constant 0 : i32
    %dma_start3A_107 = arith.constant 0 : i32
    %dma_start3A_108 = tpu.memref_slice %arg3[%dma_start3A_106, %dma_start3A_107] : memref<100000x64xf32, #tpu.memory_space<hbm>> -> memref<100000x64xf32, #tpu.memory_space<hbm>>
    tpu.enqueue_indirect_dma source(%dma_start3A_108 : memref<100000x64xf32, #tpu.memory_space<hbm>>) target(%arg15 : memref<104x64xf32, #tpu.memory_space<vmem>>) offsets(%arg7 : memref<104xi32, #tpu.memory_space<vmem>>) semaphore(%arg24 : memref<!tpu.dma_semaphore, #tpu.memory_space<semaphore_mem>>)
    %dma_wait3A_109 = arith.constant 0 : i32
    %dma_wait3A_110 = arith.constant 0 : i32
    %dma_wait3A_111 = tpu.memref_slice %arg2[%dma_wait3A_109, %dma_wait3A_110] : memref<4096x200xi32, #tpu.memory_space<hbm>> -> memref<1x96xi32, #tpu.memory_space<hbm>>
    %dma_wait3A_112 = tpu.memref_squeeze %dma_wait3A_111 : memref<1x96xi32, #tpu.memory_space<hbm>> -> memref<96xi32, #tpu.memory_space<hbm>>
    %dma_wait3A_113 = arith.constant 0 : i32
    %dma_wait3A_114 = tpu.memref_slice %arg2[%dma_wait3A_109, %dma_wait3A_113] : memref<4096x200xi32, #tpu.memory_space<hbm>> -> memref<1x96xi32, #tpu.memory_space<hbm>>
    %dma_wait3A_115 = tpu.memref_squeeze %dma_wait3A_114 : memref<1x96xi32, #tpu.memory_space<hbm>> -> memref<96xi32, #tpu.memory_space<hbm>>
    tpu.wait_dma2 semaphore(%arg33 : memref<!tpu.dma_semaphore, #tpu.memory_space<semaphore_mem>>) src(%dma_wait3A_115 : memref<96xi32, #tpu.memory_space<hbm>>) dst(%arg8 : memref<96xi32, #tpu.memory_space<vmem>>)
    %dma_start3A_116 = arith.constant 0 : i32
    %dma_start3A_117 = arith.constant 0 : i32
    %dma_start3A_118 = tpu.memref_slice %arg3[%dma_start3A_116, %dma_start3A_117] : memref<100000x64xf32, #tpu.memory_space<hbm>> -> memref<100000x64xf32, #tpu.memory_space<hbm>>
    tpu.enqueue_indirect_dma source(%dma_start3A_118 : memref<100000x64xf32, #tpu.memory_space<hbm>>) target(%arg16 : memref<96x64xf32, #tpu.memory_space<vmem>>) offsets(%arg8 : memref<96xi32, #tpu.memory_space<vmem>>) semaphore(%arg25 : memref<!tpu.dma_semaphore, #tpu.memory_space<semaphore_mem>>)
    %dma_wait3A_119 = arith.constant 0 : i32
    %dma_wait3A_120 = arith.constant 0 : i32
    %dma_wait3A_121 = tpu.memref_slice %arg2[%dma_wait3A_119, %dma_wait3A_120] : memref<4096x200xi32, #tpu.memory_space<hbm>> -> memref<1x104xi32, #tpu.memory_space<hbm>>
    %dma_wait3A_122 = tpu.memref_squeeze %dma_wait3A_121 : memref<1x104xi32, #tpu.memory_space<hbm>> -> memref<104xi32, #tpu.memory_space<hbm>>
    %dma_wait3A_123 = arith.constant 0 : i32
    %dma_wait3A_124 = tpu.memref_slice %arg2[%dma_wait3A_119, %dma_wait3A_123] : memref<4096x200xi32, #tpu.memory_space<hbm>> -> memref<1x104xi32, #tpu.memory_space<hbm>>
    %dma_wait3A_125 = tpu.memref_squeeze %dma_wait3A_124 : memref<1x104xi32, #tpu.memory_space<hbm>> -> memref<104xi32, #tpu.memory_space<hbm>>
    tpu.wait_dma2 semaphore(%arg34 : memref<!tpu.dma_semaphore, #tpu.memory_space<semaphore_mem>>) src(%dma_wait3A_125 : memref<104xi32, #tpu.memory_space<hbm>>) dst(%arg9 : memref<104xi32, #tpu.memory_space<vmem>>)
    %dma_start3A_126 = arith.constant 0 : i32
    %dma_start3A_127 = arith.constant 0 : i32
    %dma_start3A_128 = tpu.memref_slice %arg3[%dma_start3A_126, %dma_start3A_127] : memref<100000x64xf32, #tpu.memory_space<hbm>> -> memref<100000x64xf32, #tpu.memory_space<hbm>>
    tpu.enqueue_indirect_dma source(%dma_start3A_128 : memref<100000x64xf32, #tpu.memory_space<hbm>>) target(%arg17 : memref<104x64xf32, #tpu.memory_space<vmem>>) offsets(%arg9 : memref<104xi32, #tpu.memory_space<vmem>>) semaphore(%arg26 : memref<!tpu.dma_semaphore, #tpu.memory_space<semaphore_mem>>)
    %dma_wait3A_129 = arith.constant 0 : i32
    %dma_wait3A_130 = arith.constant 0 : i32
    %dma_wait3A_131 = tpu.memref_slice %arg2[%dma_wait3A_129, %dma_wait3A_130] : memref<4096x200xi32, #tpu.memory_space<hbm>> -> memref<1x96xi32, #tpu.memory_space<hbm>>
    %dma_wait3A_132 = tpu.memref_squeeze %dma_wait3A_131 : memref<1x96xi32, #tpu.memory_space<hbm>> -> memref<96xi32, #tpu.memory_space<hbm>>
    %dma_wait3A_133 = arith.constant 0 : i32
    %dma_wait3A_134 = tpu.memref_slice %arg2[%dma_wait3A_129, %dma_wait3A_133] : memref<4096x200xi32, #tpu.memory_space<hbm>> -> memref<1x96xi32, #tpu.memory_space<hbm>>
    %dma_wait3A_135 = tpu.memref_squeeze %dma_wait3A_134 : memref<1x96xi32, #tpu.memory_space<hbm>> -> memref<96xi32, #tpu.memory_space<hbm>>
    tpu.wait_dma2 semaphore(%arg35 : memref<!tpu.dma_semaphore, #tpu.memory_space<semaphore_mem>>) src(%dma_wait3A_135 : memref<96xi32, #tpu.memory_space<hbm>>) dst(%arg10 : memref<96xi32, #tpu.memory_space<vmem>>)
    %dma_start3A_136 = arith.constant 0 : i32
    %dma_start3A_137 = arith.constant 0 : i32
    %dma_start3A_138 = tpu.memref_slice %arg3[%dma_start3A_136, %dma_start3A_137] : memref<100000x64xf32, #tpu.memory_space<hbm>> -> memref<100000x64xf32, #tpu.memory_space<hbm>>
    tpu.enqueue_indirect_dma source(%dma_start3A_138 : memref<100000x64xf32, #tpu.memory_space<hbm>>) target(%arg18 : memref<96x64xf32, #tpu.memory_space<vmem>>) offsets(%arg10 : memref<96xi32, #tpu.memory_space<vmem>>) semaphore(%arg27 : memref<!tpu.dma_semaphore, #tpu.memory_space<semaphore_mem>>)
    %dma_wait3A_139 = arith.constant 0 : i32
    %dma_wait3A_140 = arith.constant 0 : i32
    %dma_wait3A_141 = tpu.memref_slice %arg2[%dma_wait3A_139, %dma_wait3A_140] : memref<4096x200xi32, #tpu.memory_space<hbm>> -> memref<1x104xi32, #tpu.memory_space<hbm>>
    %dma_wait3A_142 = tpu.memref_squeeze %dma_wait3A_141 : memref<1x104xi32, #tpu.memory_space<hbm>> -> memref<104xi32, #tpu.memory_space<hbm>>
    %dma_wait3A_143 = arith.constant 0 : i32
    %dma_wait3A_144 = tpu.memref_slice %arg2[%dma_wait3A_139, %dma_wait3A_143] : memref<4096x200xi32, #tpu.memory_space<hbm>> -> memref<1x104xi32, #tpu.memory_space<hbm>>
    %dma_wait3A_145 = tpu.memref_squeeze %dma_wait3A_144 : memref<1x104xi32, #tpu.memory_space<hbm>> -> memref<104xi32, #tpu.memory_space<hbm>>
    tpu.wait_dma2 semaphore(%arg36 : memref<!tpu.dma_semaphore, #tpu.memory_space<semaphore_mem>>) src(%dma_wait3A_145 : memref<104xi32, #tpu.memory_space<hbm>>) dst(%arg11 : memref<104xi32, #tpu.memory_space<vmem>>)
    %dma_start3A_146 = arith.constant 0 : i32
    %dma_start3A_147 = arith.constant 0 : i32
    %dma_start3A_148 = tpu.memref_slice %arg3[%dma_start3A_146, %dma_start3A_147] : memref<100000x64xf32, #tpu.memory_space<hbm>> -> memref<100000x64xf32, #tpu.memory_space<hbm>>
    tpu.enqueue_indirect_dma source(%dma_start3A_148 : memref<100000x64xf32, #tpu.memory_space<hbm>>) target(%arg19 : memref<104x64xf32, #tpu.memory_space<vmem>>) offsets(%arg11 : memref<104xi32, #tpu.memory_space<vmem>>) semaphore(%arg28 : memref<!tpu.dma_semaphore, #tpu.memory_space<semaphore_mem>>)
    %dma_wait3A_149 = arith.constant 0 : i32
    %dma_wait3A_150 = arith.constant 0 : i32
    %dma_wait3A_151 = tpu.memref_slice %arg2[%dma_wait3A_149, %dma_wait3A_150] : memref<4096x200xi32, #tpu.memory_space<hbm>> -> memref<1x96xi32, #tpu.memory_space<hbm>>
    %dma_wait3A_152 = tpu.memref_squeeze %dma_wait3A_151 : memref<1x96xi32, #tpu.memory_space<hbm>> -> memref<96xi32, #tpu.memory_space<hbm>>
    %dma_wait3A_153 = arith.constant 0 : i32
    %dma_wait3A_154 = tpu.memref_slice %arg2[%dma_wait3A_149, %dma_wait3A_153] : memref<4096x200xi32, #tpu.memory_space<hbm>> -> memref<1x96xi32, #tpu.memory_space<hbm>>
    %dma_wait3A_155 = tpu.memref_squeeze %dma_wait3A_154 : memref<1x96xi32, #tpu.memory_space<hbm>> -> memref<96xi32, #tpu.memory_space<hbm>>
    tpu.wait_dma2 semaphore(%arg37 : memref<!tpu.dma_semaphore, #tpu.memory_space<semaphore_mem>>) src(%dma_wait3A_155 : memref<96xi32, #tpu.memory_space<hbm>>) dst(%arg12 : memref<96xi32, #tpu.memory_space<vmem>>)
    %dma_start3A_156 = arith.constant 0 : i32
    %dma_start3A_157 = arith.constant 0 : i32
    %dma_start3A_158 = tpu.memref_slice %arg3[%dma_start3A_156, %dma_start3A_157] : memref<100000x64xf32, #tpu.memory_space<hbm>> -> memref<100000x64xf32, #tpu.memory_space<hbm>>
    tpu.enqueue_indirect_dma source(%dma_start3A_158 : memref<100000x64xf32, #tpu.memory_space<hbm>>) target(%arg20 : memref<96x64xf32, #tpu.memory_space<vmem>>) offsets(%arg12 : memref<96xi32, #tpu.memory_space<vmem>>) semaphore(%arg29 : memref<!tpu.dma_semaphore, #tpu.memory_space<semaphore_mem>>)
    %scan3A = arith.constant 0 : i32
    %scan3A_159 = arith.constant 0 : i32
    %scan3A_160 = arith.constant 32 : i32
    %scan3A_161 = arith.addi %scan3A_159, %scan3A_160 : i32
    %scan3A_162 = arith.constant 1 : i32
    scf.for %scan3A_166 = %scan3A_159 to %scan3A_161 step %scan3A_162  : i32 {
      %mul3A_167 = arith.constant 8 : i32
      %mul3A_168 = arith.muli %scan3A_166, %mul3A_167 : i32
      %add3A_169 = arith.constant 0 : i32
      %add3A_170 = arith.addi %mul3A_168, %add3A_169 : i32
      %dma_wait3A_171 = arith.constant 0 : i32
      %dma_wait3A_172 = arith.constant 0 : i32
      %dma_wait3A_173 = tpu.memref_slice %arg3[%dma_wait3A_171, %dma_wait3A_172] : memref<100000x64xf32, #tpu.memory_space<hbm>> -> memref<100000x64xf32, #tpu.memory_space<hbm>>
      tpu.wait_indirect_dma semaphore(%arg22 : memref<!tpu.dma_semaphore, #tpu.memory_space<semaphore_mem>>) src(%dma_wait3A_173 : memref<100000x64xf32, #tpu.memory_space<hbm>>) dst(%arg13 : memref<104x64xf32, #tpu.memory_space<vmem>>)
      %lt3A = arith.constant 31 : i32
      %lt3A_174 = arith.cmpi slt, %scan3A_166, %lt3A : i32
      %convert_element_type3A = arith.extui %lt3A_174 : i1 to i32
      %cond3A = arith.constant 0 : i32
      %cond3A_175 = arith.cmpi ne, %convert_element_type3A, %cond3A : i32
      scf.if %cond3A_175 {
        %add3A_835 = arith.constant 8 : i32
        %add3A_836 = arith.addi %add3A_170, %add3A_835 : i32
        %mul3A_837 = arith.constant 128 : i32
        %mul3A_838 = arith.muli %add3A, %mul3A_837 : i32
        %jit3A_839 = arith.constant 2 : i32
        %div3A_840 = arith.divsi %add3A_836, %jit3A_839 : i32
        %sign3A_841 = arith.constant 0 : i32
        %sign3A_842 = arith.cmpi sgt, %add3A_836, %sign3A_841 : i32
        %sign3A_843 = arith.extui %sign3A_842 : i1 to i32
        %sign3A_844 = arith.constant 0 : i32
        %sign3A_845 = arith.cmpi slt, %add3A_836, %sign3A_844 : i32
        %sign3A_846 = arith.extui %sign3A_845 : i1 to i32
        %sign3A_847 = arith.subi %sign3A_843, %sign3A_846 : i32
        %sign3A_848 = arith.constant 0 : i32
        %sign3A_849 = arith.cmpi sgt, %jit3A_839, %sign3A_848 : i32
        %sign3A_850 = arith.extui %sign3A_849 : i1 to i32
        %sign3A_851 = arith.constant 0 : i32
        %sign3A_852 = arith.cmpi slt, %jit3A_839, %sign3A_851 : i32
        %sign3A_853 = arith.extui %sign3A_852 : i1 to i32
        %sign3A_854 = arith.subi %sign3A_850, %sign3A_853 : i32
        %ne3A_855 = arith.cmpi ne, %sign3A_847, %sign3A_854 : i32
        %rem3A_856 = arith.remsi %add3A_836, %jit3A_839 : i32
        %ne3A_857 = arith.constant 0 : i32
        %ne3A_858 = arith.cmpi ne, %rem3A_856, %ne3A_857 : i32
        %and3A_859 = arith.andi %ne3A_855, %ne3A_858 : i1
        %sub3A_860 = arith.constant 1 : i32
        %sub3A_861 = arith.subi %div3A_840, %sub3A_860 : i32
        %select_n3A_862 = arith.select %and3A_859, %sub3A_861, %div3A_840 : i32
        %add3A_863 = arith.addi %mul3A_838, %select_n3A_862 : i32
        %dma_start3A_864 = arith.constant 0 : i32
        %dma_start3A_865 = tpu.memref_slice %arg2[%add3A_863, %dma_start3A_864] : memref<4096x200xi32, #tpu.memory_space<hbm>> -> memref<1x104xi32, #tpu.memory_space<hbm>>
        %dma_start3A_866 = tpu.memref_squeeze %dma_start3A_865 : memref<1x104xi32, #tpu.memory_space<hbm>> -> memref<104xi32, #tpu.memory_space<hbm>>
        %dma_start3A_867 = arith.constant 0 : i32
        %dma_start3A_868 = tpu.memref_slice %arg2[%add3A_863, %dma_start3A_867] : memref<4096x200xi32, #tpu.memory_space<hbm>> -> memref<1x104xi32, #tpu.memory_space<hbm>>
        %dma_start3A_869 = tpu.memref_squeeze %dma_start3A_868 : memref<1x104xi32, #tpu.memory_space<hbm>> -> memref<104xi32, #tpu.memory_space<hbm>>
        tpu.enqueue_dma source(%dma_start3A_869 : memref<104xi32, #tpu.memory_space<hbm>>) target(%arg5 : memref<104xi32, #tpu.memory_space<vmem>>) target_semaphore(%arg30 : memref<!tpu.dma_semaphore, #tpu.memory_space<semaphore_mem>>)
      } else {
      }
      %broadcast_in_dim3A = arith.constant 0.000000e+00 : f32
      %broadcast_in_dim3A_176 = vector.broadcast %broadcast_in_dim3A : f32 to vector<16xf32>
      %scan3A_177 = arith.constant 0 : i32
      %scan3A_178 = arith.constant 26 : i32
      %scan3A_179 = arith.addi %scan3A_177, %scan3A_178 : i32
      %scan3A_180 = arith.constant 1 : i32
      %scan3A_181:4 = scf.for %scan3A_835 = %scan3A_177 to %scan3A_179 step %scan3A_180 iter_args(%scan3A_836 = %broadcast_in_dim3A_176, %scan3A_837 = %broadcast_in_dim3A_176, %scan3A_838 = %broadcast_in_dim3A_176, %scan3A_839 = %broadcast_in_dim3A_176) -> (vector<16xf32>, vector<16xf32>, vector<16xf32>, vector<16xf32>)  : i32 {
        %mul3A_840 = arith.constant 4 : i32
        %mul3A_841 = arith.muli %scan3A_835, %mul3A_840 : i32
        %add3A_842 = arith.constant 0 : i32
        %add3A_843 = arith.addi %mul3A_841, %add3A_842 : i32
        %get3A_844 = arith.index_cast %add3A_843 : i32 to index
        %get3A_845 = arith.constant 0 : index
        %get3A_846 = tpu.vector_load %arg13[%get3A_844, %get3A_845] {strides = array<i32>} : memref<104x64xf32, #tpu.memory_space<vmem>>, vector<1x16xf32>,
        %get3A_847 = vector.shape_cast %get3A_846 : vector<1x16xf32> to vector<16xf32>
        %add3A_848 = arith.addf %scan3A_836, %get3A_847 : vector<16xf32>
        %get3A_849 = arith.index_cast %add3A_843 : i32 to index
        %get3A_850 = arith.constant 16 : index
        %get3A_851 = tpu.vector_load %arg13[%get3A_849, %get3A_850] {strides = array<i32>} : memref<104x64xf32, #tpu.memory_space<vmem>>, vector<1x16xf32>,
        %get3A_852 = vector.shape_cast %get3A_851 : vector<1x16xf32> to vector<16xf32>
        %add3A_853 = arith.addf %scan3A_837, %get3A_852 : vector<16xf32>
        %get3A_854 = arith.index_cast %add3A_843 : i32 to index
        %get3A_855 = arith.constant 32 : index
        %get3A_856 = tpu.vector_load %arg13[%get3A_854, %get3A_855] {strides = array<i32>} : memref<104x64xf32, #tpu.memory_space<vmem>>, vector<1x16xf32>,
        %get3A_857 = vector.shape_cast %get3A_856 : vector<1x16xf32> to vector<16xf32>
        %add3A_858 = arith.addf %scan3A_838, %get3A_857 : vector<16xf32>
        %get3A_859 = arith.index_cast %add3A_843 : i32 to index
        %get3A_860 = arith.constant 48 : index
        %get3A_861 = tpu.vector_load %arg13[%get3A_859, %get3A_860] {strides = array<i32>} : memref<104x64xf32, #tpu.memory_space<vmem>>, vector<1x16xf32>,
        %get3A_862 = vector.shape_cast %get3A_861 : vector<1x16xf32> to vector<16xf32>
        %add3A_863 = arith.addf %scan3A_839, %get3A_862 : vector<16xf32>
        %mul3A_864 = arith.constant 4 : i32
        %mul3A_865 = arith.muli %scan3A_835, %mul3A_864 : i32
        %add3A_866 = arith.constant 1 : i32
        %add3A_867 = arith.addi %mul3A_865, %add3A_866 : i32
        %get3A_868 = arith.index_cast %add3A_867 : i32 to index
        %get3A_869 = arith.constant 0 : index
        %get3A_870 = tpu.vector_load %arg13[%get3A_868, %get3A_869] {strides = array<i32>} : memref<104x64xf32, #tpu.memory_space<vmem>>, vector<1x16xf32>,
        %get3A_871 = vector.shape_cast %get3A_870 : vector<1x16xf32> to vector<16xf32>
        %add3A_872 = arith.addf %add3A_848, %get3A_871 : vector<16xf32>
        %get3A_873 = arith.index_cast %add3A_867 : i32 to index
        %get3A_874 = arith.constant 16 : index
        %get3A_875 = tpu.vector_load %arg13[%get3A_873, %get3A_874] {strides = array<i32>} : memref<104x64xf32, #tpu.memory_space<vmem>>, vector<1x16xf32>,
        %get3A_876 = vector.shape_cast %get3A_875 : vector<1x16xf32> to vector<16xf32>
        %add3A_877 = arith.addf %add3A_853, %get3A_876 : vector<16xf32>
        %get3A_878 = arith.index_cast %add3A_867 : i32 to index
        %get3A_879 = arith.constant 32 : index
        %get3A_880 = tpu.vector_load %arg13[%get3A_878, %get3A_879] {strides = array<i32>} : memref<104x64xf32, #tpu.memory_space<vmem>>, vector<1x16xf32>,
        %get3A_881 = vector.shape_cast %get3A_880 : vector<1x16xf32> to vector<16xf32>
        %add3A_882 = arith.addf %add3A_858, %get3A_881 : vector<16xf32>
        %get3A_883 = arith.index_cast %add3A_867 : i32 to index
        %get3A_884 = arith.constant 48 : index
        %get3A_885 = tpu.vector_load %arg13[%get3A_883, %get3A_884] {strides = array<i32>} : memref<104x64xf32, #tpu.memory_space<vmem>>, vector<1x16xf32>,
        %get3A_886 = vector.shape_cast %get3A_885 : vector<1x16xf32> to vector<16xf32>
        %add3A_887 = arith.addf %add3A_863, %get3A_886 : vector<16xf32>
        %mul3A_888 = arith.constant 4 : i32
        %mul3A_889 = arith.muli %scan3A_835, %mul3A_888 : i32
        %add3A_890 = arith.constant 2 : i32
        %add3A_891 = arith.addi %mul3A_889, %add3A_890 : i32
        %get3A_892 = arith.index_cast %add3A_891 : i32 to index
        %get3A_893 = arith.constant 0 : index
        %get3A_894 = tpu.vector_load %arg13[%get3A_892, %get3A_893] {strides = array<i32>} : memref<104x64xf32, #tpu.memory_space<vmem>>, vector<1x16xf32>,
        %get3A_895 = vector.shape_cast %get3A_894 : vector<1x16xf32> to vector<16xf32>
        %add3A_896 = arith.addf %add3A_872, %get3A_895 : vector<16xf32>
        %get3A_897 = arith.index_cast %add3A_891 : i32 to index
        %get3A_898 = arith.constant 16 : index
        %get3A_899 = tpu.vector_load %arg13[%get3A_897, %get3A_898] {strides = array<i32>} : memref<104x64xf32, #tpu.memory_space<vmem>>, vector<1x16xf32>,
        %get3A_900 = vector.shape_cast %get3A_899 : vector<1x16xf32> to vector<16xf32>
        %add3A_901 = arith.addf %add3A_877, %get3A_900 : vector<16xf32>
        %get3A_902 = arith.index_cast %add3A_891 : i32 to index
        %get3A_903 = arith.constant 32 : index
        %get3A_904 = tpu.vector_load %arg13[%get3A_902, %get3A_903] {strides = array<i32>} : memref<104x64xf32, #tpu.memory_space<vmem>>, vector<1x16xf32>,
        %get3A_905 = vector.shape_cast %get3A_904 : vector<1x16xf32> to vector<16xf32>
        %add3A_906 = arith.addf %add3A_882, %get3A_905 : vector<16xf32>
        %get3A_907 = arith.index_cast %add3A_891 : i32 to index
        %get3A_908 = arith.constant 48 : index
        %get3A_909 = tpu.vector_load %arg13[%get3A_907, %get3A_908] {strides = array<i32>} : memref<104x64xf32, #tpu.memory_space<vmem>>, vector<1x16xf32>,
        %get3A_910 = vector.shape_cast %get3A_909 : vector<1x16xf32> to vector<16xf32>
        %add3A_911 = arith.addf %add3A_887, %get3A_910 : vector<16xf32>
        %mul3A_912 = arith.constant 4 : i32
        %mul3A_913 = arith.muli %scan3A_835, %mul3A_912 : i32
        %add3A_914 = arith.constant 3 : i32
        %add3A_915 = arith.addi %mul3A_913, %add3A_914 : i32
        %get3A_916 = arith.index_cast %add3A_915 : i32 to index
        %get3A_917 = arith.constant 0 : index
        %get3A_918 = tpu.vector_load %arg13[%get3A_916, %get3A_917] {strides = array<i32>} : memref<104x64xf32, #tpu.memory_space<vmem>>, vector<1x16xf32>,
        %get3A_919 = vector.shape_cast %get3A_918 : vector<1x16xf32> to vector<16xf32>
        %add3A_920 = arith.addf %add3A_896, %get3A_919 : vector<16xf32>
        %get3A_921 = arith.index_cast %add3A_915 : i32 to index
        %get3A_922 = arith.constant 16 : index
        %get3A_923 = tpu.vector_load %arg13[%get3A_921, %get3A_922] {strides = array<i32>} : memref<104x64xf32, #tpu.memory_space<vmem>>, vector<1x16xf32>,
        %get3A_924 = vector.shape_cast %get3A_923 : vector<1x16xf32> to vector<16xf32>
        %add3A_925 = arith.addf %add3A_901, %get3A_924 : vector<16xf32>
        %get3A_926 = arith.index_cast %add3A_915 : i32 to index
        %get3A_927 = arith.constant 32 : index
        %get3A_928 = tpu.vector_load %arg13[%get3A_926, %get3A_927] {strides = array<i32>} : memref<104x64xf32, #tpu.memory_space<vmem>>, vector<1x16xf32>,
        %get3A_929 = vector.shape_cast %get3A_928 : vector<1x16xf32> to vector<16xf32>
        %add3A_930 = arith.addf %add3A_906, %get3A_929 : vector<16xf32>
        %get3A_931 = arith.index_cast %add3A_915 : i32 to index
        %get3A_932 = arith.constant 48 : index
        %get3A_933 = tpu.vector_load %arg13[%get3A_931, %get3A_932] {strides = array<i32>} : memref<104x64xf32, #tpu.memory_space<vmem>>, vector<1x16xf32>,
        %get3A_934 = vector.shape_cast %get3A_933 : vector<1x16xf32> to vector<16xf32>
        %add3A_935 = arith.addf %add3A_911, %get3A_934 : vector<16xf32>
        scf.yield %add3A_920, %add3A_925, %add3A_930, %add3A_935 : vector<16xf32>, vector<16xf32>, vector<16xf32>, vector<16xf32>
      }
      %scan3A_182 = arith.constant 26 : i32
      %add3A_183 = arith.constant 0 : i32
      %add3A_184 = arith.addi %mul3A_168, %add3A_183 : i32
      %jit3A = arith.constant 2 : i32
      %div3A = arith.divsi %add3A_184, %jit3A : i32
      %sign3A = arith.constant 0 : i32
      %sign3A_185 = arith.cmpi sgt, %add3A_184, %sign3A : i32
      %sign3A_186 = arith.extui %sign3A_185 : i1 to i32
      %sign3A_187 = arith.constant 0 : i32
      %sign3A_188 = arith.cmpi slt, %add3A_184, %sign3A_187 : i32
      %sign3A_189 = arith.extui %sign3A_188 : i1 to i32
      %sign3A_190 = arith.subi %sign3A_186, %sign3A_189 : i32
      %sign3A_191 = arith.constant 0 : i32
      %sign3A_192 = arith.cmpi sgt, %jit3A, %sign3A_191 : i32
      %sign3A_193 = arith.extui %sign3A_192 : i1 to i32
      %sign3A_194 = arith.constant 0 : i32
      %sign3A_195 = arith.cmpi slt, %jit3A, %sign3A_194 : i32
      %sign3A_196 = arith.extui %sign3A_195 : i1 to i32
      %sign3A_197 = arith.subi %sign3A_193, %sign3A_196 : i32
      %ne3A = arith.cmpi ne, %sign3A_190, %sign3A_197 : i32
      %rem3A = arith.remsi %add3A_184, %jit3A : i32
      %ne3A_198 = arith.constant 0 : i32
      %ne3A_199 = arith.cmpi ne, %rem3A, %ne3A_198 : i32
      %and3A = arith.andi %ne3A, %ne3A_199 : i1
      %sub3A = arith.constant 1 : i32
      %sub3A_200 = arith.subi %div3A, %sub3A : i32
      %select_n3A = arith.select %and3A, %sub3A_200, %div3A : i32
      %swap3A = arith.index_cast %select_n3A : i32 to index
      %swap3A_201 = arith.constant 0 : index
      %swap3A_202 = tpu.vector_load %arg21[%swap3A, %swap3A_201] {strides = array<i32>} : memref<128x128xf32, #tpu.memory_space<vmem>>, vector<1x16xf32>,
      %swap3A_203 = vector.shape_cast %swap3A_202 : vector<1x16xf32> to vector<16xf32>
      %swap3A_204 = vector.shape_cast %scan3A_181#0 : vector<16xf32> to vector<1x16xf32>
      tpu.vector_store %arg21[%swap3A, %swap3A_201], %swap3A_204 {strides = array<i32>} : memref<128x128xf32, #tpu.memory_space<vmem>>, vector<1x16xf32>,
      %swap3A_205 = arith.index_cast %select_n3A : i32 to index
      %swap3A_206 = arith.constant 16 : index
      %swap3A_207 = tpu.vector_load %arg21[%swap3A_205, %swap3A_206] {strides = array<i32>} : memref<128x128xf32, #tpu.memory_space<vmem>>, vector<1x16xf32>,
      %swap3A_208 = vector.shape_cast %swap3A_207 : vector<1x16xf32> to vector<16xf32>
      %swap3A_209 = vector.shape_cast %scan3A_181#1 : vector<16xf32> to vector<1x16xf32>
      tpu.vector_store %arg21[%swap3A_205, %swap3A_206], %swap3A_209 {strides = array<i32>} : memref<128x128xf32, #tpu.memory_space<vmem>>, vector<1x16xf32>,
      %swap3A_210 = arith.index_cast %select_n3A : i32 to index
      %swap3A_211 = arith.constant 32 : index
      %swap3A_212 = tpu.vector_load %arg21[%swap3A_210, %swap3A_211] {strides = array<i32>} : memref<128x128xf32, #tpu.memory_space<vmem>>, vector<1x16xf32>,
      %swap3A_213 = vector.shape_cast %swap3A_212 : vector<1x16xf32> to vector<16xf32>
      %swap3A_214 = vector.shape_cast %scan3A_181#2 : vector<16xf32> to vector<1x16xf32>
      tpu.vector_store %arg21[%swap3A_210, %swap3A_211], %swap3A_214 {strides = array<i32>} : memref<128x128xf32, #tpu.memory_space<vmem>>, vector<1x16xf32>,
      %swap3A_215 = arith.index_cast %select_n3A : i32 to index
      %swap3A_216 = arith.constant 48 : index
      %swap3A_217 = tpu.vector_load %arg21[%swap3A_215, %swap3A_216] {strides = array<i32>} : memref<128x128xf32, #tpu.memory_space<vmem>>, vector<1x16xf32>,
      %swap3A_218 = vector.shape_cast %swap3A_217 : vector<1x16xf32> to vector<16xf32>
      %swap3A_219 = vector.shape_cast %scan3A_181#3 : vector<16xf32> to vector<1x16xf32>
      tpu.vector_store %arg21[%swap3A_215, %swap3A_216], %swap3A_219 {strides = array<i32>} : memref<128x128xf32, #tpu.memory_space<vmem>>, vector<1x16xf32>,
      %lt3A_220 = arith.constant 31 : i32
      %lt3A_221 = arith.cmpi slt, %scan3A_166, %lt3A_220 : i32
      %convert_element_type3A_222 = arith.extui %lt3A_221 : i1 to i32
      %cond3A_223 = arith.constant 0 : i32
      %cond3A_224 = arith.cmpi ne, %convert_element_type3A_222, %cond3A_223 : i32
      scf.if %cond3A_224 {
        %dma_wait3A_835 = arith.constant 0 : i32
        %dma_wait3A_836 = arith.constant 0 : i32
        %dma_wait3A_837 = tpu.memref_slice %arg2[%dma_wait3A_835, %dma_wait3A_836] : memref<4096x200xi32, #tpu.memory_space<hbm>> -> memref<1x104xi32, #tpu.memory_space<hbm>>
        %dma_wait3A_838 = tpu.memref_squeeze %dma_wait3A_837 : memref<1x104xi32, #tpu.memory_space<hbm>> -> memref<104xi32, #tpu.memory_space<hbm>>
        %dma_wait3A_839 = arith.constant 0 : i32
        %dma_wait3A_840 = tpu.memref_slice %arg2[%dma_wait3A_835, %dma_wait3A_839] : memref<4096x200xi32, #tpu.memory_space<hbm>> -> memref<1x104xi32, #tpu.memory_space<hbm>>
        %dma_wait3A_841 = tpu.memref_squeeze %dma_wait3A_840 : memref<1x104xi32, #tpu.memory_space<hbm>> -> memref<104xi32, #tpu.memory_space<hbm>>
        tpu.wait_dma2 semaphore(%arg30 : memref<!tpu.dma_semaphore, #tpu.memory_space<semaphore_mem>>) src(%dma_wait3A_841 : memref<104xi32, #tpu.memory_space<hbm>>) dst(%arg5 : memref<104xi32, #tpu.memory_space<vmem>>)
        %dma_start3A_842 = arith.constant 0 : i32
        %dma_start3A_843 = arith.constant 0 : i32
        %dma_start3A_844 = tpu.memref_slice %arg3[%dma_start3A_842, %dma_start3A_843] : memref<100000x64xf32, #tpu.memory_space<hbm>> -> memref<100000x64xf32, #tpu.memory_space<hbm>>
        tpu.enqueue_indirect_dma source(%dma_start3A_844 : memref<100000x64xf32, #tpu.memory_space<hbm>>) target(%arg13 : memref<104x64xf32, #tpu.memory_space<vmem>>) offsets(%arg5 : memref<104xi32, #tpu.memory_space<vmem>>) semaphore(%arg22 : memref<!tpu.dma_semaphore, #tpu.memory_space<semaphore_mem>>)
      } else {
      }
      %add3A_225 = arith.constant 1 : i32
      %add3A_226 = arith.addi %mul3A_168, %add3A_225 : i32
      %dma_wait3A_227 = arith.constant 0 : i32
      %dma_wait3A_228 = arith.constant 0 : i32
      %dma_wait3A_229 = tpu.memref_slice %arg3[%dma_wait3A_227, %dma_wait3A_228] : memref<100000x64xf32, #tpu.memory_space<hbm>> -> memref<100000x64xf32, #tpu.memory_space<hbm>>
      tpu.wait_indirect_dma semaphore(%arg23 : memref<!tpu.dma_semaphore, #tpu.memory_space<semaphore_mem>>) src(%dma_wait3A_229 : memref<100000x64xf32, #tpu.memory_space<hbm>>) dst(%arg14 : memref<96x64xf32, #tpu.memory_space<vmem>>)
      %lt3A_230 = arith.constant 31 : i32
      %lt3A_231 = arith.cmpi slt, %scan3A_166, %lt3A_230 : i32
      %convert_element_type3A_232 = arith.extui %lt3A_231 : i1 to i32
      %cond3A_233 = arith.constant 0 : i32
      %cond3A_234 = arith.cmpi ne, %convert_element_type3A_232, %cond3A_233 : i32
      scf.if %cond3A_234 {
        %add3A_835 = arith.constant 8 : i32
        %add3A_836 = arith.addi %add3A_226, %add3A_835 : i32
        %mul3A_837 = arith.constant 128 : i32
        %mul3A_838 = arith.muli %add3A, %mul3A_837 : i32
        %jit3A_839 = arith.constant 2 : i32
        %div3A_840 = arith.divsi %add3A_836, %jit3A_839 : i32
        %sign3A_841 = arith.constant 0 : i32
        %sign3A_842 = arith.cmpi sgt, %add3A_836, %sign3A_841 : i32
        %sign3A_843 = arith.extui %sign3A_842 : i1 to i32
        %sign3A_844 = arith.constant 0 : i32
        %sign3A_845 = arith.cmpi slt, %add3A_836, %sign3A_844 : i32
        %sign3A_846 = arith.extui %sign3A_845 : i1 to i32
        %sign3A_847 = arith.subi %sign3A_843, %sign3A_846 : i32
        %sign3A_848 = arith.constant 0 : i32
        %sign3A_849 = arith.cmpi sgt, %jit3A_839, %sign3A_848 : i32
        %sign3A_850 = arith.extui %sign3A_849 : i1 to i32
        %sign3A_851 = arith.constant 0 : i32
        %sign3A_852 = arith.cmpi slt, %jit3A_839, %sign3A_851 : i32
        %sign3A_853 = arith.extui %sign3A_852 : i1 to i32
        %sign3A_854 = arith.subi %sign3A_850, %sign3A_853 : i32
        %ne3A_855 = arith.cmpi ne, %sign3A_847, %sign3A_854 : i32
        %rem3A_856 = arith.remsi %add3A_836, %jit3A_839 : i32
        %ne3A_857 = arith.constant 0 : i32
        %ne3A_858 = arith.cmpi ne, %rem3A_856, %ne3A_857 : i32
        %and3A_859 = arith.andi %ne3A_855, %ne3A_858 : i1
        %sub3A_860 = arith.constant 1 : i32
        %sub3A_861 = arith.subi %div3A_840, %sub3A_860 : i32
        %select_n3A_862 = arith.select %and3A_859, %sub3A_861, %div3A_840 : i32
        %add3A_863 = arith.addi %mul3A_838, %select_n3A_862 : i32
        %dma_start3A_864 = arith.constant 104 : i32
        %dma_start3A_865 = tpu.memref_slice %arg2[%add3A_863, %dma_start3A_864] : memref<4096x200xi32, #tpu.memory_space<hbm>> -> memref<1x96xi32, #tpu.memory_space<hbm>>
        %dma_start3A_866 = tpu.memref_squeeze %dma_start3A_865 : memref<1x96xi32, #tpu.memory_space<hbm>> -> memref<96xi32, #tpu.memory_space<hbm>>
        %dma_start3A_867 = arith.constant 104 : i32
        %dma_start3A_868 = tpu.memref_slice %arg2[%add3A_863, %dma_start3A_867] : memref<4096x200xi32, #tpu.memory_space<hbm>> -> memref<1x96xi32, #tpu.memory_space<hbm>>
        %dma_start3A_869 = tpu.memref_squeeze %dma_start3A_868 : memref<1x96xi32, #tpu.memory_space<hbm>> -> memref<96xi32, #tpu.memory_space<hbm>>
        tpu.enqueue_dma source(%dma_start3A_869 : memref<96xi32, #tpu.memory_space<hbm>>) target(%arg6 : memref<96xi32, #tpu.memory_space<vmem>>) target_semaphore(%arg31 : memref<!tpu.dma_semaphore, #tpu.memory_space<semaphore_mem>>)
      } else {
      }
      %broadcast_in_dim3A_235 = arith.constant 0.000000e+00 : f32
      %broadcast_in_dim3A_236 = vector.broadcast %broadcast_in_dim3A_235 : f32 to vector<16xf32>
      %scan3A_237 = arith.constant 0 : i32
      %scan3A_238 = arith.constant 24 : i32
      %scan3A_239 = arith.addi %scan3A_237, %scan3A_238 : i32
      %scan3A_240 = arith.constant 1 : i32
      %scan3A_241:4 = scf.for %scan3A_835 = %scan3A_237 to %scan3A_239 step %scan3A_240 iter_args(%scan3A_836 = %broadcast_in_dim3A_236, %scan3A_837 = %broadcast_in_dim3A_236, %scan3A_838 = %broadcast_in_dim3A_236, %scan3A_839 = %broadcast_in_dim3A_236) -> (vector<16xf32>, vector<16xf32>, vector<16xf32>, vector<16xf32>)  : i32 {
        %mul3A_840 = arith.constant 4 : i32
        %mul3A_841 = arith.muli %scan3A_835, %mul3A_840 : i32
        %add3A_842 = arith.constant 0 : i32
        %add3A_843 = arith.addi %mul3A_841, %add3A_842 : i32
        %get3A_844 = arith.index_cast %add3A_843 : i32 to index
        %get3A_845 = arith.constant 0 : index
        %get3A_846 = tpu.vector_load %arg14[%get3A_844, %get3A_845] {strides = array<i32>} : memref<96x64xf32, #tpu.memory_space<vmem>>, vector<1x16xf32>,
        %get3A_847 = vector.shape_cast %get3A_846 : vector<1x16xf32> to vector<16xf32>
        %add3A_848 = arith.addf %scan3A_836, %get3A_847 : vector<16xf32>
        %get3A_849 = arith.index_cast %add3A_843 : i32 to index
        %get3A_850 = arith.constant 16 : index
        %get3A_851 = tpu.vector_load %arg14[%get3A_849, %get3A_850] {strides = array<i32>} : memref<96x64xf32, #tpu.memory_space<vmem>>, vector<1x16xf32>,
        %get3A_852 = vector.shape_cast %get3A_851 : vector<1x16xf32> to vector<16xf32>
        %add3A_853 = arith.addf %scan3A_837, %get3A_852 : vector<16xf32>
        %get3A_854 = arith.index_cast %add3A_843 : i32 to index
        %get3A_855 = arith.constant 32 : index
        %get3A_856 = tpu.vector_load %arg14[%get3A_854, %get3A_855] {strides = array<i32>} : memref<96x64xf32, #tpu.memory_space<vmem>>, vector<1x16xf32>,
        %get3A_857 = vector.shape_cast %get3A_856 : vector<1x16xf32> to vector<16xf32>
        %add3A_858 = arith.addf %scan3A_838, %get3A_857 : vector<16xf32>
        %get3A_859 = arith.index_cast %add3A_843 : i32 to index
        %get3A_860 = arith.constant 48 : index
        %get3A_861 = tpu.vector_load %arg14[%get3A_859, %get3A_860] {strides = array<i32>} : memref<96x64xf32, #tpu.memory_space<vmem>>, vector<1x16xf32>,
        %get3A_862 = vector.shape_cast %get3A_861 : vector<1x16xf32> to vector<16xf32>
        %add3A_863 = arith.addf %scan3A_839, %get3A_862 : vector<16xf32>
        %mul3A_864 = arith.constant 4 : i32
        %mul3A_865 = arith.muli %scan3A_835, %mul3A_864 : i32
        %add3A_866 = arith.constant 1 : i32
        %add3A_867 = arith.addi %mul3A_865, %add3A_866 : i32
        %get3A_868 = arith.index_cast %add3A_867 : i32 to index
        %get3A_869 = arith.constant 0 : index
        %get3A_870 = tpu.vector_load %arg14[%get3A_868, %get3A_869] {strides = array<i32>} : memref<96x64xf32, #tpu.memory_space<vmem>>, vector<1x16xf32>,
        %get3A_871 = vector.shape_cast %get3A_870 : vector<1x16xf32> to vector<16xf32>
        %add3A_872 = arith.addf %add3A_848, %get3A_871 : vector<16xf32>
        %get3A_873 = arith.index_cast %add3A_867 : i32 to index
        %get3A_874 = arith.constant 16 : index
        %get3A_875 = tpu.vector_load %arg14[%get3A_873, %get3A_874] {strides = array<i32>} : memref<96x64xf32, #tpu.memory_space<vmem>>, vector<1x16xf32>,
        %get3A_876 = vector.shape_cast %get3A_875 : vector<1x16xf32> to vector<16xf32>
        %add3A_877 = arith.addf %add3A_853, %get3A_876 : vector<16xf32>
        %get3A_878 = arith.index_cast %add3A_867 : i32 to index
        %get3A_879 = arith.constant 32 : index
        %get3A_880 = tpu.vector_load %arg14[%get3A_878, %get3A_879] {strides = array<i32>} : memref<96x64xf32, #tpu.memory_space<vmem>>, vector<1x16xf32>,
        %get3A_881 = vector.shape_cast %get3A_880 : vector<1x16xf32> to vector<16xf32>
        %add3A_882 = arith.addf %add3A_858, %get3A_881 : vector<16xf32>
        %get3A_883 = arith.index_cast %add3A_867 : i32 to index
        %get3A_884 = arith.constant 48 : index
        %get3A_885 = tpu.vector_load %arg14[%get3A_883, %get3A_884] {strides = array<i32>} : memref<96x64xf32, #tpu.memory_space<vmem>>, vector<1x16xf32>,
        %get3A_886 = vector.shape_cast %get3A_885 : vector<1x16xf32> to vector<16xf32>
        %add3A_887 = arith.addf %add3A_863, %get3A_886 : vector<16xf32>
        %mul3A_888 = arith.constant 4 : i32
        %mul3A_889 = arith.muli %scan3A_835, %mul3A_888 : i32
        %add3A_890 = arith.constant 2 : i32
        %add3A_891 = arith.addi %mul3A_889, %add3A_890 : i32
        %get3A_892 = arith.index_cast %add3A_891 : i32 to index
        %get3A_893 = arith.constant 0 : index
        %get3A_894 = tpu.vector_load %arg14[%get3A_892, %get3A_893] {strides = array<i32>} : memref<96x64xf32, #tpu.memory_space<vmem>>, vector<1x16xf32>,
        %get3A_895 = vector.shape_cast %get3A_894 : vector<1x16xf32> to vector<16xf32>
        %add3A_896 = arith.addf %add3A_872, %get3A_895 : vector<16xf32>
        %get3A_897 = arith.index_cast %add3A_891 : i32 to index
        %get3A_898 = arith.constant 16 : index
        %get3A_899 = tpu.vector_load %arg14[%get3A_897, %get3A_898] {strides = array<i32>} : memref<96x64xf32, #tpu.memory_space<vmem>>, vector<1x16xf32>,
        %get3A_900 = vector.shape_cast %get3A_899 : vector<1x16xf32> to vector<16xf32>
        %add3A_901 = arith.addf %add3A_877, %get3A_900 : vector<16xf32>
        %get3A_902 = arith.index_cast %add3A_891 : i32 to index
        %get3A_903 = arith.constant 32 : index
        %get3A_904 = tpu.vector_load %arg14[%get3A_902, %get3A_903] {strides = array<i32>} : memref<96x64xf32, #tpu.memory_space<vmem>>, vector<1x16xf32>,
        %get3A_905 = vector.shape_cast %get3A_904 : vector<1x16xf32> to vector<16xf32>
        %add3A_906 = arith.addf %add3A_882, %get3A_905 : vector<16xf32>
        %get3A_907 = arith.index_cast %add3A_891 : i32 to index
        %get3A_908 = arith.constant 48 : index
        %get3A_909 = tpu.vector_load %arg14[%get3A_907, %get3A_908] {strides = array<i32>} : memref<96x64xf32, #tpu.memory_space<vmem>>, vector<1x16xf32>,
        %get3A_910 = vector.shape_cast %get3A_909 : vector<1x16xf32> to vector<16xf32>
        %add3A_911 = arith.addf %add3A_887, %get3A_910 : vector<16xf32>
        %mul3A_912 = arith.constant 4 : i32
        %mul3A_913 = arith.muli %scan3A_835, %mul3A_912 : i32
        %add3A_914 = arith.constant 3 : i32
        %add3A_915 = arith.addi %mul3A_913, %add3A_914 : i32
        %get3A_916 = arith.index_cast %add3A_915 : i32 to index
        %get3A_917 = arith.constant 0 : index
        %get3A_918 = tpu.vector_load %arg14[%get3A_916, %get3A_917] {strides = array<i32>} : memref<96x64xf32, #tpu.memory_space<vmem>>, vector<1x16xf32>,
        %get3A_919 = vector.shape_cast %get3A_918 : vector<1x16xf32> to vector<16xf32>
        %add3A_920 = arith.addf %add3A_896, %get3A_919 : vector<16xf32>
        %get3A_921 = arith.index_cast %add3A_915 : i32 to index
        %get3A_922 = arith.constant 16 : index
        %get3A_923 = tpu.vector_load %arg14[%get3A_921, %get3A_922] {strides = array<i32>} : memref<96x64xf32, #tpu.memory_space<vmem>>, vector<1x16xf32>,
        %get3A_924 = vector.shape_cast %get3A_923 : vector<1x16xf32> to vector<16xf32>
        %add3A_925 = arith.addf %add3A_901, %get3A_924 : vector<16xf32>
        %get3A_926 = arith.index_cast %add3A_915 : i32 to index
        %get3A_927 = arith.constant 32 : index
        %get3A_928 = tpu.vector_load %arg14[%get3A_926, %get3A_927] {strides = array<i32>} : memref<96x64xf32, #tpu.memory_space<vmem>>, vector<1x16xf32>,
        %get3A_929 = vector.shape_cast %get3A_928 : vector<1x16xf32> to vector<16xf32>
        %add3A_930 = arith.addf %add3A_906, %get3A_929 : vector<16xf32>
        %get3A_931 = arith.index_cast %add3A_915 : i32 to index
        %get3A_932 = arith.constant 48 : index
        %get3A_933 = tpu.vector_load %arg14[%get3A_931, %get3A_932] {strides = array<i32>} : memref<96x64xf32, #tpu.memory_space<vmem>>, vector<1x16xf32>,
        %get3A_934 = vector.shape_cast %get3A_933 : vector<1x16xf32> to vector<16xf32>
        %add3A_935 = arith.addf %add3A_911, %get3A_934 : vector<16xf32>
        scf.yield %add3A_920, %add3A_925, %add3A_930, %add3A_935 : vector<16xf32>, vector<16xf32>, vector<16xf32>, vector<16xf32>
      }
      %scan3A_242 = arith.constant 24 : i32
      %add3A_243 = arith.constant 1 : i32
      %add3A_244 = arith.addi %mul3A_168, %add3A_243 : i32
      %jit3A_245 = arith.constant 2 : i32
      %div3A_246 = arith.divsi %add3A_244, %jit3A_245 : i32
      %sign3A_247 = arith.constant 0 : i32
      %sign3A_248 = arith.cmpi sgt, %add3A_244, %sign3A_247 : i32
      %sign3A_249 = arith.extui %sign3A_248 : i1 to i32
      %sign3A_250 = arith.constant 0 : i32
      %sign3A_251 = arith.cmpi slt, %add3A_244, %sign3A_250 : i32
      %sign3A_252 = arith.extui %sign3A_251 : i1 to i32
      %sign3A_253 = arith.subi %sign3A_249, %sign3A_252 : i32
      %sign3A_254 = arith.constant 0 : i32
      %sign3A_255 = arith.cmpi sgt, %jit3A_245, %sign3A_254 : i32
      %sign3A_256 = arith.extui %sign3A_255 : i1 to i32
      %sign3A_257 = arith.constant 0 : i32
      %sign3A_258 = arith.cmpi slt, %jit3A_245, %sign3A_257 : i32
      %sign3A_259 = arith.extui %sign3A_258 : i1 to i32
      %sign3A_260 = arith.subi %sign3A_256, %sign3A_259 : i32
      %ne3A_261 = arith.cmpi ne, %sign3A_253, %sign3A_260 : i32
      %rem3A_262 = arith.remsi %add3A_244, %jit3A_245 : i32
      %ne3A_263 = arith.constant 0 : i32
      %ne3A_264 = arith.cmpi ne, %rem3A_262, %ne3A_263 : i32
      %and3A_265 = arith.andi %ne3A_261, %ne3A_264 : i1
      %sub3A_266 = arith.constant 1 : i32
      %sub3A_267 = arith.subi %div3A_246, %sub3A_266 : i32
      %select_n3A_268 = arith.select %and3A_265, %sub3A_267, %div3A_246 : i32
      %get3A = arith.index_cast %select_n3A_268 : i32 to index
      %get3A_269 = arith.constant 0 : index
      %get3A_270 = tpu.vector_load %arg21[%get3A, %get3A_269] {strides = array<i32>} : memref<128x128xf32, #tpu.memory_space<vmem>>, vector<1x16xf32>,
      %get3A_271 = vector.shape_cast %get3A_270 : vector<1x16xf32> to vector<16xf32>
      %add3A_272 = arith.addf %get3A_271, %scan3A_241#0 : vector<16xf32>
      %mul3A_273 = arith.constant 5.000000e-03 : f32
      %mul3A_274 = vector.broadcast %mul3A_273 : f32 to vector<16xf32>
      %mul3A_275 = arith.mulf %add3A_272, %mul3A_274 : vector<16xf32>
      %swap3A_276 = arith.index_cast %select_n3A_268 : i32 to index
      %swap3A_277 = arith.constant 0 : index
      %swap3A_278 = tpu.vector_load %arg21[%swap3A_276, %swap3A_277] {strides = array<i32>} : memref<128x128xf32, #tpu.memory_space<vmem>>, vector<1x16xf32>,
      %swap3A_279 = vector.shape_cast %swap3A_278 : vector<1x16xf32> to vector<16xf32>
      %swap3A_280 = vector.shape_cast %mul3A_275 : vector<16xf32> to vector<1x16xf32>
      tpu.vector_store %arg21[%swap3A_276, %swap3A_277], %swap3A_280 {strides = array<i32>} : memref<128x128xf32, #tpu.memory_space<vmem>>, vector<1x16xf32>,
      %get3A_281 = arith.index_cast %select_n3A_268 : i32 to index
      %get3A_282 = arith.constant 16 : index
      %get3A_283 = tpu.vector_load %arg21[%get3A_281, %get3A_282] {strides = array<i32>} : memref<128x128xf32, #tpu.memory_space<vmem>>, vector<1x16xf32>,
      %get3A_284 = vector.shape_cast %get3A_283 : vector<1x16xf32> to vector<16xf32>
      %add3A_285 = arith.addf %get3A_284, %scan3A_241#1 : vector<16xf32>
      %mul3A_286 = arith.constant 5.000000e-03 : f32
      %mul3A_287 = vector.broadcast %mul3A_286 : f32 to vector<16xf32>
      %mul3A_288 = arith.mulf %add3A_285, %mul3A_287 : vector<16xf32>
      %swap3A_289 = arith.index_cast %select_n3A_268 : i32 to index
      %swap3A_290 = arith.constant 16 : index
      %swap3A_291 = tpu.vector_load %arg21[%swap3A_289, %swap3A_290] {strides = array<i32>} : memref<128x128xf32, #tpu.memory_space<vmem>>, vector<1x16xf32>,
      %swap3A_292 = vector.shape_cast %swap3A_291 : vector<1x16xf32> to vector<16xf32>
      %swap3A_293 = vector.shape_cast %mul3A_288 : vector<16xf32> to vector<1x16xf32>
      tpu.vector_store %arg21[%swap3A_289, %swap3A_290], %swap3A_293 {strides = array<i32>} : memref<128x128xf32, #tpu.memory_space<vmem>>, vector<1x16xf32>,
      %get3A_294 = arith.index_cast %select_n3A_268 : i32 to index
      %get3A_295 = arith.constant 32 : index
      %get3A_296 = tpu.vector_load %arg21[%get3A_294, %get3A_295] {strides = array<i32>} : memref<128x128xf32, #tpu.memory_space<vmem>>, vector<1x16xf32>,
      %get3A_297 = vector.shape_cast %get3A_296 : vector<1x16xf32> to vector<16xf32>
      %add3A_298 = arith.addf %get3A_297, %scan3A_241#2 : vector<16xf32>
      %mul3A_299 = arith.constant 5.000000e-03 : f32
      %mul3A_300 = vector.broadcast %mul3A_299 : f32 to vector<16xf32>
      %mul3A_301 = arith.mulf %add3A_298, %mul3A_300 : vector<16xf32>
      %swap3A_302 = arith.index_cast %select_n3A_268 : i32 to index
      %swap3A_303 = arith.constant 32 : index
      %swap3A_304 = tpu.vector_load %arg21[%swap3A_302, %swap3A_303] {strides = array<i32>} : memref<128x128xf32, #tpu.memory_space<vmem>>, vector<1x16xf32>,
      %swap3A_305 = vector.shape_cast %swap3A_304 : vector<1x16xf32> to vector<16xf32>
      %swap3A_306 = vector.shape_cast %mul3A_301 : vector<16xf32> to vector<1x16xf32>
      tpu.vector_store %arg21[%swap3A_302, %swap3A_303], %swap3A_306 {strides = array<i32>} : memref<128x128xf32, #tpu.memory_space<vmem>>, vector<1x16xf32>,
      %get3A_307 = arith.index_cast %select_n3A_268 : i32 to index
      %get3A_308 = arith.constant 48 : index
      %get3A_309 = tpu.vector_load %arg21[%get3A_307, %get3A_308] {strides = array<i32>} : memref<128x128xf32, #tpu.memory_space<vmem>>, vector<1x16xf32>,
      %get3A_310 = vector.shape_cast %get3A_309 : vector<1x16xf32> to vector<16xf32>
      %add3A_311 = arith.addf %get3A_310, %scan3A_241#3 : vector<16xf32>
      %mul3A_312 = arith.constant 5.000000e-03 : f32
      %mul3A_313 = vector.broadcast %mul3A_312 : f32 to vector<16xf32>
      %mul3A_314 = arith.mulf %add3A_311, %mul3A_313 : vector<16xf32>
      %swap3A_315 = arith.index_cast %select_n3A_268 : i32 to index
      %swap3A_316 = arith.constant 48 : index
      %swap3A_317 = tpu.vector_load %arg21[%swap3A_315, %swap3A_316] {strides = array<i32>} : memref<128x128xf32, #tpu.memory_space<vmem>>, vector<1x16xf32>,
      %swap3A_318 = vector.shape_cast %swap3A_317 : vector<1x16xf32> to vector<16xf32>
      %swap3A_319 = vector.shape_cast %mul3A_314 : vector<16xf32> to vector<1x16xf32>
      tpu.vector_store %arg21[%swap3A_315, %swap3A_316], %swap3A_319 {strides = array<i32>} : memref<128x128xf32, #tpu.memory_space<vmem>>, vector<1x16xf32>,
      %lt3A_320 = arith.constant 31 : i32
      %lt3A_321 = arith.cmpi slt, %scan3A_166, %lt3A_320 : i32
      %convert_element_type3A_322 = arith.extui %lt3A_321 : i1 to i32
      %cond3A_323 = arith.constant 0 : i32
      %cond3A_324 = arith.cmpi ne, %convert_element_type3A_322, %cond3A_323 : i32
      scf.if %cond3A_324 {
        %dma_wait3A_835 = arith.constant 0 : i32
        %dma_wait3A_836 = arith.constant 0 : i32
        %dma_wait3A_837 = tpu.memref_slice %arg2[%dma_wait3A_835, %dma_wait3A_836] : memref<4096x200xi32, #tpu.memory_space<hbm>> -> memref<1x96xi32, #tpu.memory_space<hbm>>
        %dma_wait3A_838 = tpu.memref_squeeze %dma_wait3A_837 : memref<1x96xi32, #tpu.memory_space<hbm>> -> memref<96xi32, #tpu.memory_space<hbm>>
        %dma_wait3A_839 = arith.constant 0 : i32
        %dma_wait3A_840 = tpu.memref_slice %arg2[%dma_wait3A_835, %dma_wait3A_839] : memref<4096x200xi32, #tpu.memory_space<hbm>> -> memref<1x96xi32, #tpu.memory_space<hbm>>
        %dma_wait3A_841 = tpu.memref_squeeze %dma_wait3A_840 : memref<1x96xi32, #tpu.memory_space<hbm>> -> memref<96xi32, #tpu.memory_space<hbm>>
        tpu.wait_dma2 semaphore(%arg31 : memref<!tpu.dma_semaphore, #tpu.memory_space<semaphore_mem>>) src(%dma_wait3A_841 : memref<96xi32, #tpu.memory_space<hbm>>) dst(%arg6 : memref<96xi32, #tpu.memory_space<vmem>>)
        %dma_start3A_842 = arith.constant 0 : i32
        %dma_start3A_843 = arith.constant 0 : i32
        %dma_start3A_844 = tpu.memref_slice %arg3[%dma_start3A_842, %dma_start3A_843] : memref<100000x64xf32, #tpu.memory_space<hbm>> -> memref<100000x64xf32, #tpu.memory_space<hbm>>
        tpu.enqueue_indirect_dma source(%dma_start3A_844 : memref<100000x64xf32, #tpu.memory_space<hbm>>) target(%arg14 : memref<96x64xf32, #tpu.memory_space<vmem>>) offsets(%arg6 : memref<96xi32, #tpu.memory_space<vmem>>) semaphore(%arg23 : memref<!tpu.dma_semaphore, #tpu.memory_space<semaphore_mem>>)
      } else {
      }
      %add3A_325 = arith.constant 2 : i32
      %add3A_326 = arith.addi %mul3A_168, %add3A_325 : i32
      %dma_wait3A_327 = arith.constant 0 : i32
      %dma_wait3A_328 = arith.constant 0 : i32
      %dma_wait3A_329 = tpu.memref_slice %arg3[%dma_wait3A_327, %dma_wait3A_328] : memref<100000x64xf32, #tpu.memory_space<hbm>> -> memref<100000x64xf32, #tpu.memory_space<hbm>>
      tpu.wait_indirect_dma semaphore(%arg24 : memref<!tpu.dma_semaphore, #tpu.memory_space<semaphore_mem>>) src(%dma_wait3A_329 : memref<100000x64xf32, #tpu.memory_space<hbm>>) dst(%arg15 : memref<104x64xf32, #tpu.memory_space<vmem>>)
      %lt3A_330 = arith.constant 31 : i32
      %lt3A_331 = arith.cmpi slt, %scan3A_166, %lt3A_330 : i32
      %convert_element_type3A_332 = arith.extui %lt3A_331 : i1 to i32
      %cond3A_333 = arith.constant 0 : i32
      %cond3A_334 = arith.cmpi ne, %convert_element_type3A_332, %cond3A_333 : i32
      scf.if %cond3A_334 {
        %add3A_835 = arith.constant 8 : i32
        %add3A_836 = arith.addi %add3A_326, %add3A_835 : i32
        %mul3A_837 = arith.constant 128 : i32
        %mul3A_838 = arith.muli %add3A, %mul3A_837 : i32
        %jit3A_839 = arith.constant 2 : i32
        %div3A_840 = arith.divsi %add3A_836, %jit3A_839 : i32
        %sign3A_841 = arith.constant 0 : i32
        %sign3A_842 = arith.cmpi sgt, %add3A_836, %sign3A_841 : i32
        %sign3A_843 = arith.extui %sign3A_842 : i1 to i32
        %sign3A_844 = arith.constant 0 : i32
        %sign3A_845 = arith.cmpi slt, %add3A_836, %sign3A_844 : i32
        %sign3A_846 = arith.extui %sign3A_845 : i1 to i32
        %sign3A_847 = arith.subi %sign3A_843, %sign3A_846 : i32
        %sign3A_848 = arith.constant 0 : i32
        %sign3A_849 = arith.cmpi sgt, %jit3A_839, %sign3A_848 : i32
        %sign3A_850 = arith.extui %sign3A_849 : i1 to i32
        %sign3A_851 = arith.constant 0 : i32
        %sign3A_852 = arith.cmpi slt, %jit3A_839, %sign3A_851 : i32
        %sign3A_853 = arith.extui %sign3A_852 : i1 to i32
        %sign3A_854 = arith.subi %sign3A_850, %sign3A_853 : i32
        %ne3A_855 = arith.cmpi ne, %sign3A_847, %sign3A_854 : i32
        %rem3A_856 = arith.remsi %add3A_836, %jit3A_839 : i32
        %ne3A_857 = arith.constant 0 : i32
        %ne3A_858 = arith.cmpi ne, %rem3A_856, %ne3A_857 : i32
        %and3A_859 = arith.andi %ne3A_855, %ne3A_858 : i1
        %sub3A_860 = arith.constant 1 : i32
        %sub3A_861 = arith.subi %div3A_840, %sub3A_860 : i32
        %select_n3A_862 = arith.select %and3A_859, %sub3A_861, %div3A_840 : i32
        %add3A_863 = arith.addi %mul3A_838, %select_n3A_862 : i32
        %dma_start3A_864 = arith.constant 0 : i32
        %dma_start3A_865 = tpu.memref_slice %arg2[%add3A_863, %dma_start3A_864] : memref<4096x200xi32, #tpu.memory_space<hbm>> -> memref<1x104xi32, #tpu.memory_space<hbm>>
        %dma_start3A_866 = tpu.memref_squeeze %dma_start3A_865 : memref<1x104xi32, #tpu.memory_space<hbm>> -> memref<104xi32, #tpu.memory_space<hbm>>
        %dma_start3A_867 = arith.constant 0 : i32
        %dma_start3A_868 = tpu.memref_slice %arg2[%add3A_863, %dma_start3A_867] : memref<4096x200xi32, #tpu.memory_space<hbm>> -> memref<1x104xi32, #tpu.memory_space<hbm>>
        %dma_start3A_869 = tpu.memref_squeeze %dma_start3A_868 : memref<1x104xi32, #tpu.memory_space<hbm>> -> memref<104xi32, #tpu.memory_space<hbm>>
        tpu.enqueue_dma source(%dma_start3A_869 : memref<104xi32, #tpu.memory_space<hbm>>) target(%arg7 : memref<104xi32, #tpu.memory_space<vmem>>) target_semaphore(%arg32 : memref<!tpu.dma_semaphore, #tpu.memory_space<semaphore_mem>>)
      } else {
      }
      %broadcast_in_dim3A_335 = arith.constant 0.000000e+00 : f32
      %broadcast_in_dim3A_336 = vector.broadcast %broadcast_in_dim3A_335 : f32 to vector<16xf32>
      %scan3A_337 = arith.constant 0 : i32
      %scan3A_338 = arith.constant 26 : i32
      %scan3A_339 = arith.addi %scan3A_337, %scan3A_338 : i32
      %scan3A_340 = arith.constant 1 : i32
      %scan3A_341:4 = scf.for %scan3A_835 = %scan3A_337 to %scan3A_339 step %scan3A_340 iter_args(%scan3A_836 = %broadcast_in_dim3A_336, %scan3A_837 = %broadcast_in_dim3A_336, %scan3A_838 = %broadcast_in_dim3A_336, %scan3A_839 = %broadcast_in_dim3A_336) -> (vector<16xf32>, vector<16xf32>, vector<16xf32>, vector<16xf32>)  : i32 {
        %mul3A_840 = arith.constant 4 : i32
        %mul3A_841 = arith.muli %scan3A_835, %mul3A_840 : i32
        %add3A_842 = arith.constant 0 : i32
        %add3A_843 = arith.addi %mul3A_841, %add3A_842 : i32
        %get3A_844 = arith.index_cast %add3A_843 : i32 to index
        %get3A_845 = arith.constant 0 : index
        %get3A_846 = tpu.vector_load %arg15[%get3A_844, %get3A_845] {strides = array<i32>} : memref<104x64xf32, #tpu.memory_space<vmem>>, vector<1x16xf32>,
        %get3A_847 = vector.shape_cast %get3A_846 : vector<1x16xf32> to vector<16xf32>
        %add3A_848 = arith.addf %scan3A_836, %get3A_847 : vector<16xf32>
        %get3A_849 = arith.index_cast %add3A_843 : i32 to index
        %get3A_850 = arith.constant 16 : index
        %get3A_851 = tpu.vector_load %arg15[%get3A_849, %get3A_850] {strides = array<i32>} : memref<104x64xf32, #tpu.memory_space<vmem>>, vector<1x16xf32>,
        %get3A_852 = vector.shape_cast %get3A_851 : vector<1x16xf32> to vector<16xf32>
        %add3A_853 = arith.addf %scan3A_837, %get3A_852 : vector<16xf32>
        %get3A_854 = arith.index_cast %add3A_843 : i32 to index
        %get3A_855 = arith.constant 32 : index
        %get3A_856 = tpu.vector_load %arg15[%get3A_854, %get3A_855] {strides = array<i32>} : memref<104x64xf32, #tpu.memory_space<vmem>>, vector<1x16xf32>,
        %get3A_857 = vector.shape_cast %get3A_856 : vector<1x16xf32> to vector<16xf32>
        %add3A_858 = arith.addf %scan3A_838, %get3A_857 : vector<16xf32>
        %get3A_859 = arith.index_cast %add3A_843 : i32 to index
        %get3A_860 = arith.constant 48 : index
        %get3A_861 = tpu.vector_load %arg15[%get3A_859, %get3A_860] {strides = array<i32>} : memref<104x64xf32, #tpu.memory_space<vmem>>, vector<1x16xf32>,
        %get3A_862 = vector.shape_cast %get3A_861 : vector<1x16xf32> to vector<16xf32>
        %add3A_863 = arith.addf %scan3A_839, %get3A_862 : vector<16xf32>
        %mul3A_864 = arith.constant 4 : i32
        %mul3A_865 = arith.muli %scan3A_835, %mul3A_864 : i32
        %add3A_866 = arith.constant 1 : i32
        %add3A_867 = arith.addi %mul3A_865, %add3A_866 : i32
        %get3A_868 = arith.index_cast %add3A_867 : i32 to index
        %get3A_869 = arith.constant 0 : index
        %get3A_870 = tpu.vector_load %arg15[%get3A_868, %get3A_869] {strides = array<i32>} : memref<104x64xf32, #tpu.memory_space<vmem>>, vector<1x16xf32>,
        %get3A_871 = vector.shape_cast %get3A_870 : vector<1x16xf32> to vector<16xf32>
        %add3A_872 = arith.addf %add3A_848, %get3A_871 : vector<16xf32>
        %get3A_873 = arith.index_cast %add3A_867 : i32 to index
        %get3A_874 = arith.constant 16 : index
        %get3A_875 = tpu.vector_load %arg15[%get3A_873, %get3A_874] {strides = array<i32>} : memref<104x64xf32, #tpu.memory_space<vmem>>, vector<1x16xf32>,
        %get3A_876 = vector.shape_cast %get3A_875 : vector<1x16xf32> to vector<16xf32>
        %add3A_877 = arith.addf %add3A_853, %get3A_876 : vector<16xf32>
        %get3A_878 = arith.index_cast %add3A_867 : i32 to index
        %get3A_879 = arith.constant 32 : index
        %get3A_880 = tpu.vector_load %arg15[%get3A_878, %get3A_879] {strides = array<i32>} : memref<104x64xf32, #tpu.memory_space<vmem>>, vector<1x16xf32>,
        %get3A_881 = vector.shape_cast %get3A_880 : vector<1x16xf32> to vector<16xf32>
        %add3A_882 = arith.addf %add3A_858, %get3A_881 : vector<16xf32>
        %get3A_883 = arith.index_cast %add3A_867 : i32 to index
        %get3A_884 = arith.constant 48 : index
        %get3A_885 = tpu.vector_load %arg15[%get3A_883, %get3A_884] {strides = array<i32>} : memref<104x64xf32, #tpu.memory_space<vmem>>, vector<1x16xf32>,
        %get3A_886 = vector.shape_cast %get3A_885 : vector<1x16xf32> to vector<16xf32>
        %add3A_887 = arith.addf %add3A_863, %get3A_886 : vector<16xf32>
        %mul3A_888 = arith.constant 4 : i32
        %mul3A_889 = arith.muli %scan3A_835, %mul3A_888 : i32
        %add3A_890 = arith.constant 2 : i32
        %add3A_891 = arith.addi %mul3A_889, %add3A_890 : i32
        %get3A_892 = arith.index_cast %add3A_891 : i32 to index
        %get3A_893 = arith.constant 0 : index
        %get3A_894 = tpu.vector_load %arg15[%get3A_892, %get3A_893] {strides = array<i32>} : memref<104x64xf32, #tpu.memory_space<vmem>>, vector<1x16xf32>,
        %get3A_895 = vector.shape_cast %get3A_894 : vector<1x16xf32> to vector<16xf32>
        %add3A_896 = arith.addf %add3A_872, %get3A_895 : vector<16xf32>
        %get3A_897 = arith.index_cast %add3A_891 : i32 to index
        %get3A_898 = arith.constant 16 : index
        %get3A_899 = tpu.vector_load %arg15[%get3A_897, %get3A_898] {strides = array<i32>} : memref<104x64xf32, #tpu.memory_space<vmem>>, vector<1x16xf32>,
        %get3A_900 = vector.shape_cast %get3A_899 : vector<1x16xf32> to vector<16xf32>
        %add3A_901 = arith.addf %add3A_877, %get3A_900 : vector<16xf32>
        %get3A_902 = arith.index_cast %add3A_891 : i32 to index
        %get3A_903 = arith.constant 32 : index
        %get3A_904 = tpu.vector_load %arg15[%get3A_902, %get3A_903] {strides = array<i32>} : memref<104x64xf32, #tpu.memory_space<vmem>>, vector<1x16xf32>,
        %get3A_905 = vector.shape_cast %get3A_904 : vector<1x16xf32> to vector<16xf32>
        %add3A_906 = arith.addf %add3A_882, %get3A_905 : vector<16xf32>
        %get3A_907 = arith.index_cast %add3A_891 : i32 to index
        %get3A_908 = arith.constant 48 : index
        %get3A_909 = tpu.vector_load %arg15[%get3A_907, %get3A_908] {strides = array<i32>} : memref<104x64xf32, #tpu.memory_space<vmem>>, vector<1x16xf32>,
        %get3A_910 = vector.shape_cast %get3A_909 : vector<1x16xf32> to vector<16xf32>
        %add3A_911 = arith.addf %add3A_887, %get3A_910 : vector<16xf32>
        %mul3A_912 = arith.constant 4 : i32
        %mul3A_913 = arith.muli %scan3A_835, %mul3A_912 : i32
        %add3A_914 = arith.constant 3 : i32
        %add3A_915 = arith.addi %mul3A_913, %add3A_914 : i32
        %get3A_916 = arith.index_cast %add3A_915 : i32 to index
        %get3A_917 = arith.constant 0 : index
        %get3A_918 = tpu.vector_load %arg15[%get3A_916, %get3A_917] {strides = array<i32>} : memref<104x64xf32, #tpu.memory_space<vmem>>, vector<1x16xf32>,
        %get3A_919 = vector.shape_cast %get3A_918 : vector<1x16xf32> to vector<16xf32>
        %add3A_920 = arith.addf %add3A_896, %get3A_919 : vector<16xf32>
        %get3A_921 = arith.index_cast %add3A_915 : i32 to index
        %get3A_922 = arith.constant 16 : index
        %get3A_923 = tpu.vector_load %arg15[%get3A_921, %get3A_922] {strides = array<i32>} : memref<104x64xf32, #tpu.memory_space<vmem>>, vector<1x16xf32>,
        %get3A_924 = vector.shape_cast %get3A_923 : vector<1x16xf32> to vector<16xf32>
        %add3A_925 = arith.addf %add3A_901, %get3A_924 : vector<16xf32>
        %get3A_926 = arith.index_cast %add3A_915 : i32 to index
        %get3A_927 = arith.constant 32 : index
        %get3A_928 = tpu.vector_load %arg15[%get3A_926, %get3A_927] {strides = array<i32>} : memref<104x64xf32, #tpu.memory_space<vmem>>, vector<1x16xf32>,
        %get3A_929 = vector.shape_cast %get3A_928 : vector<1x16xf32> to vector<16xf32>
        %add3A_930 = arith.addf %add3A_906, %get3A_929 : vector<16xf32>
        %get3A_931 = arith.index_cast %add3A_915 : i32 to index
        %get3A_932 = arith.constant 48 : index
        %get3A_933 = tpu.vector_load %arg15[%get3A_931, %get3A_932] {strides = array<i32>} : memref<104x64xf32, #tpu.memory_space<vmem>>, vector<1x16xf32>,
        %get3A_934 = vector.shape_cast %get3A_933 : vector<1x16xf32> to vector<16xf32>
        %add3A_935 = arith.addf %add3A_911, %get3A_934 : vector<16xf32>
        scf.yield %add3A_920, %add3A_925, %add3A_930, %add3A_935 : vector<16xf32>, vector<16xf32>, vector<16xf32>, vector<16xf32>
      }
      %scan3A_342 = arith.constant 26 : i32
      %add3A_343 = arith.constant 2 : i32
      %add3A_344 = arith.addi %mul3A_168, %add3A_343 : i32
      %jit3A_345 = arith.constant 2 : i32
      %div3A_346 = arith.divsi %add3A_344, %jit3A_345 : i32
      %sign3A_347 = arith.constant 0 : i32
      %sign3A_348 = arith.cmpi sgt, %add3A_344, %sign3A_347 : i32
      %sign3A_349 = arith.extui %sign3A_348 : i1 to i32
      %sign3A_350 = arith.constant 0 : i32
      %sign3A_351 = arith.cmpi slt, %add3A_344, %sign3A_350 : i32
      %sign3A_352 = arith.extui %sign3A_351 : i1 to i32
      %sign3A_353 = arith.subi %sign3A_349, %sign3A_352 : i32
      %sign3A_354 = arith.constant 0 : i32
      %sign3A_355 = arith.cmpi sgt, %jit3A_345, %sign3A_354 : i32
      %sign3A_356 = arith.extui %sign3A_355 : i1 to i32
      %sign3A_357 = arith.constant 0 : i32
      %sign3A_358 = arith.cmpi slt, %jit3A_345, %sign3A_357 : i32
      %sign3A_359 = arith.extui %sign3A_358 : i1 to i32
      %sign3A_360 = arith.subi %sign3A_356, %sign3A_359 : i32
      %ne3A_361 = arith.cmpi ne, %sign3A_353, %sign3A_360 : i32
      %rem3A_362 = arith.remsi %add3A_344, %jit3A_345 : i32
      %ne3A_363 = arith.constant 0 : i32
      %ne3A_364 = arith.cmpi ne, %rem3A_362, %ne3A_363 : i32
      %and3A_365 = arith.andi %ne3A_361, %ne3A_364 : i1
      %sub3A_366 = arith.constant 1 : i32
      %sub3A_367 = arith.subi %div3A_346, %sub3A_366 : i32
      %select_n3A_368 = arith.select %and3A_365, %sub3A_367, %div3A_346 : i32
      %swap3A_369 = arith.index_cast %select_n3A_368 : i32 to index
      %swap3A_370 = arith.constant 0 : index
      %swap3A_371 = tpu.vector_load %arg21[%swap3A_369, %swap3A_370] {strides = array<i32>} : memref<128x128xf32, #tpu.memory_space<vmem>>, vector<1x16xf32>,
      %swap3A_372 = vector.shape_cast %swap3A_371 : vector<1x16xf32> to vector<16xf32>
      %swap3A_373 = vector.shape_cast %scan3A_341#0 : vector<16xf32> to vector<1x16xf32>
      tpu.vector_store %arg21[%swap3A_369, %swap3A_370], %swap3A_373 {strides = array<i32>} : memref<128x128xf32, #tpu.memory_space<vmem>>, vector<1x16xf32>,
      %swap3A_374 = arith.index_cast %select_n3A_368 : i32 to index
      %swap3A_375 = arith.constant 16 : index
      %swap3A_376 = tpu.vector_load %arg21[%swap3A_374, %swap3A_375] {strides = array<i32>} : memref<128x128xf32, #tpu.memory_space<vmem>>, vector<1x16xf32>,
      %swap3A_377 = vector.shape_cast %swap3A_376 : vector<1x16xf32> to vector<16xf32>
      %swap3A_378 = vector.shape_cast %scan3A_341#1 : vector<16xf32> to vector<1x16xf32>
      tpu.vector_store %arg21[%swap3A_374, %swap3A_375], %swap3A_378 {strides = array<i32>} : memref<128x128xf32, #tpu.memory_space<vmem>>, vector<1x16xf32>,
      %swap3A_379 = arith.index_cast %select_n3A_368 : i32 to index
      %swap3A_380 = arith.constant 32 : index
      %swap3A_381 = tpu.vector_load %arg21[%swap3A_379, %swap3A_380] {strides = array<i32>} : memref<128x128xf32, #tpu.memory_space<vmem>>, vector<1x16xf32>,
      %swap3A_382 = vector.shape_cast %swap3A_381 : vector<1x16xf32> to vector<16xf32>
      %swap3A_383 = vector.shape_cast %scan3A_341#2 : vector<16xf32> to vector<1x16xf32>
      tpu.vector_store %arg21[%swap3A_379, %swap3A_380], %swap3A_383 {strides = array<i32>} : memref<128x128xf32, #tpu.memory_space<vmem>>, vector<1x16xf32>,
      %swap3A_384 = arith.index_cast %select_n3A_368 : i32 to index
      %swap3A_385 = arith.constant 48 : index
      %swap3A_386 = tpu.vector_load %arg21[%swap3A_384, %swap3A_385] {strides = array<i32>} : memref<128x128xf32, #tpu.memory_space<vmem>>, vector<1x16xf32>,
      %swap3A_387 = vector.shape_cast %swap3A_386 : vector<1x16xf32> to vector<16xf32>
      %swap3A_388 = vector.shape_cast %scan3A_341#3 : vector<16xf32> to vector<1x16xf32>
      tpu.vector_store %arg21[%swap3A_384, %swap3A_385], %swap3A_388 {strides = array<i32>} : memref<128x128xf32, #tpu.memory_space<vmem>>, vector<1x16xf32>,
      %lt3A_389 = arith.constant 31 : i32
      %lt3A_390 = arith.cmpi slt, %scan3A_166, %lt3A_389 : i32
      %convert_element_type3A_391 = arith.extui %lt3A_390 : i1 to i32
      %cond3A_392 = arith.constant 0 : i32
      %cond3A_393 = arith.cmpi ne, %convert_element_type3A_391, %cond3A_392 : i32
      scf.if %cond3A_393 {
        %dma_wait3A_835 = arith.constant 0 : i32
        %dma_wait3A_836 = arith.constant 0 : i32
        %dma_wait3A_837 = tpu.memref_slice %arg2[%dma_wait3A_835, %dma_wait3A_836] : memref<4096x200xi32, #tpu.memory_space<hbm>> -> memref<1x104xi32, #tpu.memory_space<hbm>>
        %dma_wait3A_838 = tpu.memref_squeeze %dma_wait3A_837 : memref<1x104xi32, #tpu.memory_space<hbm>> -> memref<104xi32, #tpu.memory_space<hbm>>
        %dma_wait3A_839 = arith.constant 0 : i32
        %dma_wait3A_840 = tpu.memref_slice %arg2[%dma_wait3A_835, %dma_wait3A_839] : memref<4096x200xi32, #tpu.memory_space<hbm>> -> memref<1x104xi32, #tpu.memory_space<hbm>>
        %dma_wait3A_841 = tpu.memref_squeeze %dma_wait3A_840 : memref<1x104xi32, #tpu.memory_space<hbm>> -> memref<104xi32, #tpu.memory_space<hbm>>
        tpu.wait_dma2 semaphore(%arg32 : memref<!tpu.dma_semaphore, #tpu.memory_space<semaphore_mem>>) src(%dma_wait3A_841 : memref<104xi32, #tpu.memory_space<hbm>>) dst(%arg7 : memref<104xi32, #tpu.memory_space<vmem>>)
        %dma_start3A_842 = arith.constant 0 : i32
        %dma_start3A_843 = arith.constant 0 : i32
        %dma_start3A_844 = tpu.memref_slice %arg3[%dma_start3A_842, %dma_start3A_843] : memref<100000x64xf32, #tpu.memory_space<hbm>> -> memref<100000x64xf32, #tpu.memory_space<hbm>>
        tpu.enqueue_indirect_dma source(%dma_start3A_844 : memref<100000x64xf32, #tpu.memory_space<hbm>>) target(%arg15 : memref<104x64xf32, #tpu.memory_space<vmem>>) offsets(%arg7 : memref<104xi32, #tpu.memory_space<vmem>>) semaphore(%arg24 : memref<!tpu.dma_semaphore, #tpu.memory_space<semaphore_mem>>)
      } else {
      }
      %add3A_394 = arith.constant 3 : i32
      %add3A_395 = arith.addi %mul3A_168, %add3A_394 : i32
      %dma_wait3A_396 = arith.constant 0 : i32
      %dma_wait3A_397 = arith.constant 0 : i32
      %dma_wait3A_398 = tpu.memref_slice %arg3[%dma_wait3A_396, %dma_wait3A_397] : memref<100000x64xf32, #tpu.memory_space<hbm>> -> memref<100000x64xf32, #tpu.memory_space<hbm>>
      tpu.wait_indirect_dma semaphore(%arg25 : memref<!tpu.dma_semaphore, #tpu.memory_space<semaphore_mem>>) src(%dma_wait3A_398 : memref<100000x64xf32, #tpu.memory_space<hbm>>) dst(%arg16 : memref<96x64xf32, #tpu.memory_space<vmem>>)
      %lt3A_399 = arith.constant 31 : i32
      %lt3A_400 = arith.cmpi slt, %scan3A_166, %lt3A_399 : i32
      %convert_element_type3A_401 = arith.extui %lt3A_400 : i1 to i32
      %cond3A_402 = arith.constant 0 : i32
      %cond3A_403 = arith.cmpi ne, %convert_element_type3A_401, %cond3A_402 : i32
      scf.if %cond3A_403 {
        %add3A_835 = arith.constant 8 : i32
        %add3A_836 = arith.addi %add3A_395, %add3A_835 : i32
        %mul3A_837 = arith.constant 128 : i32
        %mul3A_838 = arith.muli %add3A, %mul3A_837 : i32
        %jit3A_839 = arith.constant 2 : i32
        %div3A_840 = arith.divsi %add3A_836, %jit3A_839 : i32
        %sign3A_841 = arith.constant 0 : i32
        %sign3A_842 = arith.cmpi sgt, %add3A_836, %sign3A_841 : i32
        %sign3A_843 = arith.extui %sign3A_842 : i1 to i32
        %sign3A_844 = arith.constant 0 : i32
        %sign3A_845 = arith.cmpi slt, %add3A_836, %sign3A_844 : i32
        %sign3A_846 = arith.extui %sign3A_845 : i1 to i32
        %sign3A_847 = arith.subi %sign3A_843, %sign3A_846 : i32
        %sign3A_848 = arith.constant 0 : i32
        %sign3A_849 = arith.cmpi sgt, %jit3A_839, %sign3A_848 : i32
        %sign3A_850 = arith.extui %sign3A_849 : i1 to i32
        %sign3A_851 = arith.constant 0 : i32
        %sign3A_852 = arith.cmpi slt, %jit3A_839, %sign3A_851 : i32
        %sign3A_853 = arith.extui %sign3A_852 : i1 to i32
        %sign3A_854 = arith.subi %sign3A_850, %sign3A_853 : i32
        %ne3A_855 = arith.cmpi ne, %sign3A_847, %sign3A_854 : i32
        %rem3A_856 = arith.remsi %add3A_836, %jit3A_839 : i32
        %ne3A_857 = arith.constant 0 : i32
        %ne3A_858 = arith.cmpi ne, %rem3A_856, %ne3A_857 : i32
        %and3A_859 = arith.andi %ne3A_855, %ne3A_858 : i1
        %sub3A_860 = arith.constant 1 : i32
        %sub3A_861 = arith.subi %div3A_840, %sub3A_860 : i32
        %select_n3A_862 = arith.select %and3A_859, %sub3A_861, %div3A_840 : i32
        %add3A_863 = arith.addi %mul3A_838, %select_n3A_862 : i32
        %dma_start3A_864 = arith.constant 104 : i32
        %dma_start3A_865 = tpu.memref_slice %arg2[%add3A_863, %dma_start3A_864] : memref<4096x200xi32, #tpu.memory_space<hbm>> -> memref<1x96xi32, #tpu.memory_space<hbm>>
        %dma_start3A_866 = tpu.memref_squeeze %dma_start3A_865 : memref<1x96xi32, #tpu.memory_space<hbm>> -> memref<96xi32, #tpu.memory_space<hbm>>
        %dma_start3A_867 = arith.constant 104 : i32
        %dma_start3A_868 = tpu.memref_slice %arg2[%add3A_863, %dma_start3A_867] : memref<4096x200xi32, #tpu.memory_space<hbm>> -> memref<1x96xi32, #tpu.memory_space<hbm>>
        %dma_start3A_869 = tpu.memref_squeeze %dma_start3A_868 : memref<1x96xi32, #tpu.memory_space<hbm>> -> memref<96xi32, #tpu.memory_space<hbm>>
        tpu.enqueue_dma source(%dma_start3A_869 : memref<96xi32, #tpu.memory_space<hbm>>) target(%arg8 : memref<96xi32, #tpu.memory_space<vmem>>) target_semaphore(%arg33 : memref<!tpu.dma_semaphore, #tpu.memory_space<semaphore_mem>>)
      } else {
      }
      %broadcast_in_dim3A_404 = arith.constant 0.000000e+00 : f32
      %broadcast_in_dim3A_405 = vector.broadcast %broadcast_in_dim3A_404 : f32 to vector<16xf32>
      %scan3A_406 = arith.constant 0 : i32
      %scan3A_407 = arith.constant 24 : i32
      %scan3A_408 = arith.addi %scan3A_406, %scan3A_407 : i32
      %scan3A_409 = arith.constant 1 : i32
      %scan3A_410:4 = scf.for %scan3A_835 = %scan3A_406 to %scan3A_408 step %scan3A_409 iter_args(%scan3A_836 = %broadcast_in_dim3A_405, %scan3A_837 = %broadcast_in_dim3A_405, %scan3A_838 = %broadcast_in_dim3A_405, %scan3A_839 = %broadcast_in_dim3A_405) -> (vector<16xf32>, vector<16xf32>, vector<16xf32>, vector<16xf32>)  : i32 {
        %mul3A_840 = arith.constant 4 : i32
        %mul3A_841 = arith.muli %scan3A_835, %mul3A_840 : i32
        %add3A_842 = arith.constant 0 : i32
        %add3A_843 = arith.addi %mul3A_841, %add3A_842 : i32
        %get3A_844 = arith.index_cast %add3A_843 : i32 to index
        %get3A_845 = arith.constant 0 : index
        %get3A_846 = tpu.vector_load %arg16[%get3A_844, %get3A_845] {strides = array<i32>} : memref<96x64xf32, #tpu.memory_space<vmem>>, vector<1x16xf32>,
        %get3A_847 = vector.shape_cast %get3A_846 : vector<1x16xf32> to vector<16xf32>
        %add3A_848 = arith.addf %scan3A_836, %get3A_847 : vector<16xf32>
        %get3A_849 = arith.index_cast %add3A_843 : i32 to index
        %get3A_850 = arith.constant 16 : index
        %get3A_851 = tpu.vector_load %arg16[%get3A_849, %get3A_850] {strides = array<i32>} : memref<96x64xf32, #tpu.memory_space<vmem>>, vector<1x16xf32>,
        %get3A_852 = vector.shape_cast %get3A_851 : vector<1x16xf32> to vector<16xf32>
        %add3A_853 = arith.addf %scan3A_837, %get3A_852 : vector<16xf32>
        %get3A_854 = arith.index_cast %add3A_843 : i32 to index
        %get3A_855 = arith.constant 32 : index
        %get3A_856 = tpu.vector_load %arg16[%get3A_854, %get3A_855] {strides = array<i32>} : memref<96x64xf32, #tpu.memory_space<vmem>>, vector<1x16xf32>,
        %get3A_857 = vector.shape_cast %get3A_856 : vector<1x16xf32> to vector<16xf32>
        %add3A_858 = arith.addf %scan3A_838, %get3A_857 : vector<16xf32>
        %get3A_859 = arith.index_cast %add3A_843 : i32 to index
        %get3A_860 = arith.constant 48 : index
        %get3A_861 = tpu.vector_load %arg16[%get3A_859, %get3A_860] {strides = array<i32>} : memref<96x64xf32, #tpu.memory_space<vmem>>, vector<1x16xf32>,
        %get3A_862 = vector.shape_cast %get3A_861 : vector<1x16xf32> to vector<16xf32>
        %add3A_863 = arith.addf %scan3A_839, %get3A_862 : vector<16xf32>
        %mul3A_864 = arith.constant 4 : i32
        %mul3A_865 = arith.muli %scan3A_835, %mul3A_864 : i32
        %add3A_866 = arith.constant 1 : i32
        %add3A_867 = arith.addi %mul3A_865, %add3A_866 : i32
        %get3A_868 = arith.index_cast %add3A_867 : i32 to index
        %get3A_869 = arith.constant 0 : index
        %get3A_870 = tpu.vector_load %arg16[%get3A_868, %get3A_869] {strides = array<i32>} : memref<96x64xf32, #tpu.memory_space<vmem>>, vector<1x16xf32>,
        %get3A_871 = vector.shape_cast %get3A_870 : vector<1x16xf32> to vector<16xf32>
        %add3A_872 = arith.addf %add3A_848, %get3A_871 : vector<16xf32>
        %get3A_873 = arith.index_cast %add3A_867 : i32 to index
        %get3A_874 = arith.constant 16 : index
        %get3A_875 = tpu.vector_load %arg16[%get3A_873, %get3A_874] {strides = array<i32>} : memref<96x64xf32, #tpu.memory_space<vmem>>, vector<1x16xf32>,
        %get3A_876 = vector.shape_cast %get3A_875 : vector<1x16xf32> to vector<16xf32>
        %add3A_877 = arith.addf %add3A_853, %get3A_876 : vector<16xf32>
        %get3A_878 = arith.index_cast %add3A_867 : i32 to index
        %get3A_879 = arith.constant 32 : index
        %get3A_880 = tpu.vector_load %arg16[%get3A_878, %get3A_879] {strides = array<i32>} : memref<96x64xf32, #tpu.memory_space<vmem>>, vector<1x16xf32>,
        %get3A_881 = vector.shape_cast %get3A_880 : vector<1x16xf32> to vector<16xf32>
        %add3A_882 = arith.addf %add3A_858, %get3A_881 : vector<16xf32>
        %get3A_883 = arith.index_cast %add3A_867 : i32 to index
        %get3A_884 = arith.constant 48 : index
        %get3A_885 = tpu.vector_load %arg16[%get3A_883, %get3A_884] {strides = array<i32>} : memref<96x64xf32, #tpu.memory_space<vmem>>, vector<1x16xf32>,
        %get3A_886 = vector.shape_cast %get3A_885 : vector<1x16xf32> to vector<16xf32>
        %add3A_887 = arith.addf %add3A_863, %get3A_886 : vector<16xf32>
        %mul3A_888 = arith.constant 4 : i32
        %mul3A_889 = arith.muli %scan3A_835, %mul3A_888 : i32
        %add3A_890 = arith.constant 2 : i32
        %add3A_891 = arith.addi %mul3A_889, %add3A_890 : i32
        %get3A_892 = arith.index_cast %add3A_891 : i32 to index
        %get3A_893 = arith.constant 0 : index
        %get3A_894 = tpu.vector_load %arg16[%get3A_892, %get3A_893] {strides = array<i32>} : memref<96x64xf32, #tpu.memory_space<vmem>>, vector<1x16xf32>,
        %get3A_895 = vector.shape_cast %get3A_894 : vector<1x16xf32> to vector<16xf32>
        %add3A_896 = arith.addf %add3A_872, %get3A_895 : vector<16xf32>
        %get3A_897 = arith.index_cast %add3A_891 : i32 to index
        %get3A_898 = arith.constant 16 : index
        %get3A_899 = tpu.vector_load %arg16[%get3A_897, %get3A_898] {strides = array<i32>} : memref<96x64xf32, #tpu.memory_space<vmem>>, vector<1x16xf32>,
        %get3A_900 = vector.shape_cast %get3A_899 : vector<1x16xf32> to vector<16xf32>
        %add3A_901 = arith.addf %add3A_877, %get3A_900 : vector<16xf32>
        %get3A_902 = arith.index_cast %add3A_891 : i32 to index
        %get3A_903 = arith.constant 32 : index
        %get3A_904 = tpu.vector_load %arg16[%get3A_902, %get3A_903] {strides = array<i32>} : memref<96x64xf32, #tpu.memory_space<vmem>>, vector<1x16xf32>,
        %get3A_905 = vector.shape_cast %get3A_904 : vector<1x16xf32> to vector<16xf32>
        %add3A_906 = arith.addf %add3A_882, %get3A_905 : vector<16xf32>
        %get3A_907 = arith.index_cast %add3A_891 : i32 to index
        %get3A_908 = arith.constant 48 : index
        %get3A_909 = tpu.vector_load %arg16[%get3A_907, %get3A_908] {strides = array<i32>} : memref<96x64xf32, #tpu.memory_space<vmem>>, vector<1x16xf32>,
        %get3A_910 = vector.shape_cast %get3A_909 : vector<1x16xf32> to vector<16xf32>
        %add3A_911 = arith.addf %add3A_887, %get3A_910 : vector<16xf32>
        %mul3A_912 = arith.constant 4 : i32
        %mul3A_913 = arith.muli %scan3A_835, %mul3A_912 : i32
        %add3A_914 = arith.constant 3 : i32
        %add3A_915 = arith.addi %mul3A_913, %add3A_914 : i32
        %get3A_916 = arith.index_cast %add3A_915 : i32 to index
        %get3A_917 = arith.constant 0 : index
        %get3A_918 = tpu.vector_load %arg16[%get3A_916, %get3A_917] {strides = array<i32>} : memref<96x64xf32, #tpu.memory_space<vmem>>, vector<1x16xf32>,
        %get3A_919 = vector.shape_cast %get3A_918 : vector<1x16xf32> to vector<16xf32>
        %add3A_920 = arith.addf %add3A_896, %get3A_919 : vector<16xf32>
        %get3A_921 = arith.index_cast %add3A_915 : i32 to index
        %get3A_922 = arith.constant 16 : index
        %get3A_923 = tpu.vector_load %arg16[%get3A_921, %get3A_922] {strides = array<i32>} : memref<96x64xf32, #tpu.memory_space<vmem>>, vector<1x16xf32>,
        %get3A_924 = vector.shape_cast %get3A_923 : vector<1x16xf32> to vector<16xf32>
        %add3A_925 = arith.addf %add3A_901, %get3A_924 : vector<16xf32>
        %get3A_926 = arith.index_cast %add3A_915 : i32 to index
        %get3A_927 = arith.constant 32 : index
        %get3A_928 = tpu.vector_load %arg16[%get3A_926, %get3A_927] {strides = array<i32>} : memref<96x64xf32, #tpu.memory_space<vmem>>, vector<1x16xf32>,
        %get3A_929 = vector.shape_cast %get3A_928 : vector<1x16xf32> to vector<16xf32>
        %add3A_930 = arith.addf %add3A_906, %get3A_929 : vector<16xf32>
        %get3A_931 = arith.index_cast %add3A_915 : i32 to index
        %get3A_932 = arith.constant 48 : index
        %get3A_933 = tpu.vector_load %arg16[%get3A_931, %get3A_932] {strides = array<i32>} : memref<96x64xf32, #tpu.memory_space<vmem>>, vector<1x16xf32>,
        %get3A_934 = vector.shape_cast %get3A_933 : vector<1x16xf32> to vector<16xf32>
        %add3A_935 = arith.addf %add3A_911, %get3A_934 : vector<16xf32>
        scf.yield %add3A_920, %add3A_925, %add3A_930, %add3A_935 : vector<16xf32>, vector<16xf32>, vector<16xf32>, vector<16xf32>
      }
      %scan3A_411 = arith.constant 24 : i32
      %add3A_412 = arith.constant 3 : i32
      %add3A_413 = arith.addi %mul3A_168, %add3A_412 : i32
      %jit3A_414 = arith.constant 2 : i32
      %div3A_415 = arith.divsi %add3A_413, %jit3A_414 : i32
      %sign3A_416 = arith.constant 0 : i32
      %sign3A_417 = arith.cmpi sgt, %add3A_413, %sign3A_416 : i32
      %sign3A_418 = arith.extui %sign3A_417 : i1 to i32
      %sign3A_419 = arith.constant 0 : i32
      %sign3A_420 = arith.cmpi slt, %add3A_413, %sign3A_419 : i32
      %sign3A_421 = arith.extui %sign3A_420 : i1 to i32
      %sign3A_422 = arith.subi %sign3A_418, %sign3A_421 : i32
      %sign3A_423 = arith.constant 0 : i32
      %sign3A_424 = arith.cmpi sgt, %jit3A_414, %sign3A_423 : i32
      %sign3A_425 = arith.extui %sign3A_424 : i1 to i32
      %sign3A_426 = arith.constant 0 : i32
      %sign3A_427 = arith.cmpi slt, %jit3A_414, %sign3A_426 : i32
      %sign3A_428 = arith.extui %sign3A_427 : i1 to i32
      %sign3A_429 = arith.subi %sign3A_425, %sign3A_428 : i32
      %ne3A_430 = arith.cmpi ne, %sign3A_422, %sign3A_429 : i32
      %rem3A_431 = arith.remsi %add3A_413, %jit3A_414 : i32
      %ne3A_432 = arith.constant 0 : i32
      %ne3A_433 = arith.cmpi ne, %rem3A_431, %ne3A_432 : i32
      %and3A_434 = arith.andi %ne3A_430, %ne3A_433 : i1
      %sub3A_435 = arith.constant 1 : i32
      %sub3A_436 = arith.subi %div3A_415, %sub3A_435 : i32
      %select_n3A_437 = arith.select %and3A_434, %sub3A_436, %div3A_415 : i32
      %get3A_438 = arith.index_cast %select_n3A_437 : i32 to index
      %get3A_439 = arith.constant 0 : index
      %get3A_440 = tpu.vector_load %arg21[%get3A_438, %get3A_439] {strides = array<i32>} : memref<128x128xf32, #tpu.memory_space<vmem>>, vector<1x16xf32>,
      %get3A_441 = vector.shape_cast %get3A_440 : vector<1x16xf32> to vector<16xf32>
      %add3A_442 = arith.addf %get3A_441, %scan3A_410#0 : vector<16xf32>
      %mul3A_443 = arith.constant 5.000000e-03 : f32
      %mul3A_444 = vector.broadcast %mul3A_443 : f32 to vector<16xf32>
      %mul3A_445 = arith.mulf %add3A_442, %mul3A_444 : vector<16xf32>
      %swap3A_446 = arith.index_cast %select_n3A_437 : i32 to index
      %swap3A_447 = arith.constant 0 : index
      %swap3A_448 = tpu.vector_load %arg21[%swap3A_446, %swap3A_447] {strides = array<i32>} : memref<128x128xf32, #tpu.memory_space<vmem>>, vector<1x16xf32>,
      %swap3A_449 = vector.shape_cast %swap3A_448 : vector<1x16xf32> to vector<16xf32>
      %swap3A_450 = vector.shape_cast %mul3A_445 : vector<16xf32> to vector<1x16xf32>
      tpu.vector_store %arg21[%swap3A_446, %swap3A_447], %swap3A_450 {strides = array<i32>} : memref<128x128xf32, #tpu.memory_space<vmem>>, vector<1x16xf32>,
      %get3A_451 = arith.index_cast %select_n3A_437 : i32 to index
      %get3A_452 = arith.constant 16 : index
      %get3A_453 = tpu.vector_load %arg21[%get3A_451, %get3A_452] {strides = array<i32>} : memref<128x128xf32, #tpu.memory_space<vmem>>, vector<1x16xf32>,
      %get3A_454 = vector.shape_cast %get3A_453 : vector<1x16xf32> to vector<16xf32>
      %add3A_455 = arith.addf %get3A_454, %scan3A_410#1 : vector<16xf32>
      %mul3A_456 = arith.constant 5.000000e-03 : f32
      %mul3A_457 = vector.broadcast %mul3A_456 : f32 to vector<16xf32>
      %mul3A_458 = arith.mulf %add3A_455, %mul3A_457 : vector<16xf32>
      %swap3A_459 = arith.index_cast %select_n3A_437 : i32 to index
      %swap3A_460 = arith.constant 16 : index
      %swap3A_461 = tpu.vector_load %arg21[%swap3A_459, %swap3A_460] {strides = array<i32>} : memref<128x128xf32, #tpu.memory_space<vmem>>, vector<1x16xf32>,
      %swap3A_462 = vector.shape_cast %swap3A_461 : vector<1x16xf32> to vector<16xf32>
      %swap3A_463 = vector.shape_cast %mul3A_458 : vector<16xf32> to vector<1x16xf32>
      tpu.vector_store %arg21[%swap3A_459, %swap3A_460], %swap3A_463 {strides = array<i32>} : memref<128x128xf32, #tpu.memory_space<vmem>>, vector<1x16xf32>,
      %get3A_464 = arith.index_cast %select_n3A_437 : i32 to index
      %get3A_465 = arith.constant 32 : index
      %get3A_466 = tpu.vector_load %arg21[%get3A_464, %get3A_465] {strides = array<i32>} : memref<128x128xf32, #tpu.memory_space<vmem>>, vector<1x16xf32>,
      %get3A_467 = vector.shape_cast %get3A_466 : vector<1x16xf32> to vector<16xf32>
      %add3A_468 = arith.addf %get3A_467, %scan3A_410#2 : vector<16xf32>
      %mul3A_469 = arith.constant 5.000000e-03 : f32
      %mul3A_470 = vector.broadcast %mul3A_469 : f32 to vector<16xf32>
      %mul3A_471 = arith.mulf %add3A_468, %mul3A_470 : vector<16xf32>
      %swap3A_472 = arith.index_cast %select_n3A_437 : i32 to index
      %swap3A_473 = arith.constant 32 : index
      %swap3A_474 = tpu.vector_load %arg21[%swap3A_472, %swap3A_473] {strides = array<i32>} : memref<128x128xf32, #tpu.memory_space<vmem>>, vector<1x16xf32>,
      %swap3A_475 = vector.shape_cast %swap3A_474 : vector<1x16xf32> to vector<16xf32>
      %swap3A_476 = vector.shape_cast %mul3A_471 : vector<16xf32> to vector<1x16xf32>
      tpu.vector_store %arg21[%swap3A_472, %swap3A_473], %swap3A_476 {strides = array<i32>} : memref<128x128xf32, #tpu.memory_space<vmem>>, vector<1x16xf32>,
      %get3A_477 = arith.index_cast %select_n3A_437 : i32 to index
      %get3A_478 = arith.constant 48 : index
      %get3A_479 = tpu.vector_load %arg21[%get3A_477, %get3A_478] {strides = array<i32>} : memref<128x128xf32, #tpu.memory_space<vmem>>, vector<1x16xf32>,
      %get3A_480 = vector.shape_cast %get3A_479 : vector<1x16xf32> to vector<16xf32>
      %add3A_481 = arith.addf %get3A_480, %scan3A_410#3 : vector<16xf32>
      %mul3A_482 = arith.constant 5.000000e-03 : f32
      %mul3A_483 = vector.broadcast %mul3A_482 : f32 to vector<16xf32>
      %mul3A_484 = arith.mulf %add3A_481, %mul3A_483 : vector<16xf32>
      %swap3A_485 = arith.index_cast %select_n3A_437 : i32 to index
      %swap3A_486 = arith.constant 48 : index
      %swap3A_487 = tpu.vector_load %arg21[%swap3A_485, %swap3A_486] {strides = array<i32>} : memref<128x128xf32, #tpu.memory_space<vmem>>, vector<1x16xf32>,
      %swap3A_488 = vector.shape_cast %swap3A_487 : vector<1x16xf32> to vector<16xf32>
      %swap3A_489 = vector.shape_cast %mul3A_484 : vector<16xf32> to vector<1x16xf32>
      tpu.vector_store %arg21[%swap3A_485, %swap3A_486], %swap3A_489 {strides = array<i32>} : memref<128x128xf32, #tpu.memory_space<vmem>>, vector<1x16xf32>,
      %lt3A_490 = arith.constant 31 : i32
      %lt3A_491 = arith.cmpi slt, %scan3A_166, %lt3A_490 : i32
      %convert_element_type3A_492 = arith.extui %lt3A_491 : i1 to i32
      %cond3A_493 = arith.constant 0 : i32
      %cond3A_494 = arith.cmpi ne, %convert_element_type3A_492, %cond3A_493 : i32
      scf.if %cond3A_494 {
        %dma_wait3A_835 = arith.constant 0 : i32
        %dma_wait3A_836 = arith.constant 0 : i32
        %dma_wait3A_837 = tpu.memref_slice %arg2[%dma_wait3A_835, %dma_wait3A_836] : memref<4096x200xi32, #tpu.memory_space<hbm>> -> memref<1x96xi32, #tpu.memory_space<hbm>>
        %dma_wait3A_838 = tpu.memref_squeeze %dma_wait3A_837 : memref<1x96xi32, #tpu.memory_space<hbm>> -> memref<96xi32, #tpu.memory_space<hbm>>
        %dma_wait3A_839 = arith.constant 0 : i32
        %dma_wait3A_840 = tpu.memref_slice %arg2[%dma_wait3A_835, %dma_wait3A_839] : memref<4096x200xi32, #tpu.memory_space<hbm>> -> memref<1x96xi32, #tpu.memory_space<hbm>>
        %dma_wait3A_841 = tpu.memref_squeeze %dma_wait3A_840 : memref<1x96xi32, #tpu.memory_space<hbm>> -> memref<96xi32, #tpu.memory_space<hbm>>
        tpu.wait_dma2 semaphore(%arg33 : memref<!tpu.dma_semaphore, #tpu.memory_space<semaphore_mem>>) src(%dma_wait3A_841 : memref<96xi32, #tpu.memory_space<hbm>>) dst(%arg8 : memref<96xi32, #tpu.memory_space<vmem>>)
        %dma_start3A_842 = arith.constant 0 : i32
        %dma_start3A_843 = arith.constant 0 : i32
        %dma_start3A_844 = tpu.memref_slice %arg3[%dma_start3A_842, %dma_start3A_843] : memref<100000x64xf32, #tpu.memory_space<hbm>> -> memref<100000x64xf32, #tpu.memory_space<hbm>>
        tpu.enqueue_indirect_dma source(%dma_start3A_844 : memref<100000x64xf32, #tpu.memory_space<hbm>>) target(%arg16 : memref<96x64xf32, #tpu.memory_space<vmem>>) offsets(%arg8 : memref<96xi32, #tpu.memory_space<vmem>>) semaphore(%arg25 : memref<!tpu.dma_semaphore, #tpu.memory_space<semaphore_mem>>)
      } else {
      }
      %add3A_495 = arith.constant 4 : i32
      %add3A_496 = arith.addi %mul3A_168, %add3A_495 : i32
      %dma_wait3A_497 = arith.constant 0 : i32
      %dma_wait3A_498 = arith.constant 0 : i32
      %dma_wait3A_499 = tpu.memref_slice %arg3[%dma_wait3A_497, %dma_wait3A_498] : memref<100000x64xf32, #tpu.memory_space<hbm>> -> memref<100000x64xf32, #tpu.memory_space<hbm>>
      tpu.wait_indirect_dma semaphore(%arg26 : memref<!tpu.dma_semaphore, #tpu.memory_space<semaphore_mem>>) src(%dma_wait3A_499 : memref<100000x64xf32, #tpu.memory_space<hbm>>) dst(%arg17 : memref<104x64xf32, #tpu.memory_space<vmem>>)
      %lt3A_500 = arith.constant 31 : i32
      %lt3A_501 = arith.cmpi slt, %scan3A_166, %lt3A_500 : i32
      %convert_element_type3A_502 = arith.extui %lt3A_501 : i1 to i32
      %cond3A_503 = arith.constant 0 : i32
      %cond3A_504 = arith.cmpi ne, %convert_element_type3A_502, %cond3A_503 : i32
      scf.if %cond3A_504 {
        %add3A_835 = arith.constant 8 : i32
        %add3A_836 = arith.addi %add3A_496, %add3A_835 : i32
        %mul3A_837 = arith.constant 128 : i32
        %mul3A_838 = arith.muli %add3A, %mul3A_837 : i32
        %jit3A_839 = arith.constant 2 : i32
        %div3A_840 = arith.divsi %add3A_836, %jit3A_839 : i32
        %sign3A_841 = arith.constant 0 : i32
        %sign3A_842 = arith.cmpi sgt, %add3A_836, %sign3A_841 : i32
        %sign3A_843 = arith.extui %sign3A_842 : i1 to i32
        %sign3A_844 = arith.constant 0 : i32
        %sign3A_845 = arith.cmpi slt, %add3A_836, %sign3A_844 : i32
        %sign3A_846 = arith.extui %sign3A_845 : i1 to i32
        %sign3A_847 = arith.subi %sign3A_843, %sign3A_846 : i32
        %sign3A_848 = arith.constant 0 : i32
        %sign3A_849 = arith.cmpi sgt, %jit3A_839, %sign3A_848 : i32
        %sign3A_850 = arith.extui %sign3A_849 : i1 to i32
        %sign3A_851 = arith.constant 0 : i32
        %sign3A_852 = arith.cmpi slt, %jit3A_839, %sign3A_851 : i32
        %sign3A_853 = arith.extui %sign3A_852 : i1 to i32
        %sign3A_854 = arith.subi %sign3A_850, %sign3A_853 : i32
        %ne3A_855 = arith.cmpi ne, %sign3A_847, %sign3A_854 : i32
        %rem3A_856 = arith.remsi %add3A_836, %jit3A_839 : i32
        %ne3A_857 = arith.constant 0 : i32
        %ne3A_858 = arith.cmpi ne, %rem3A_856, %ne3A_857 : i32
        %and3A_859 = arith.andi %ne3A_855, %ne3A_858 : i1
        %sub3A_860 = arith.constant 1 : i32
        %sub3A_861 = arith.subi %div3A_840, %sub3A_860 : i32
        %select_n3A_862 = arith.select %and3A_859, %sub3A_861, %div3A_840 : i32
        %add3A_863 = arith.addi %mul3A_838, %select_n3A_862 : i32
        %dma_start3A_864 = arith.constant 0 : i32
        %dma_start3A_865 = tpu.memref_slice %arg2[%add3A_863, %dma_start3A_864] : memref<4096x200xi32, #tpu.memory_space<hbm>> -> memref<1x104xi32, #tpu.memory_space<hbm>>
        %dma_start3A_866 = tpu.memref_squeeze %dma_start3A_865 : memref<1x104xi32, #tpu.memory_space<hbm>> -> memref<104xi32, #tpu.memory_space<hbm>>
        %dma_start3A_867 = arith.constant 0 : i32
        %dma_start3A_868 = tpu.memref_slice %arg2[%add3A_863, %dma_start3A_867] : memref<4096x200xi32, #tpu.memory_space<hbm>> -> memref<1x104xi32, #tpu.memory_space<hbm>>
        %dma_start3A_869 = tpu.memref_squeeze %dma_start3A_868 : memref<1x104xi32, #tpu.memory_space<hbm>> -> memref<104xi32, #tpu.memory_space<hbm>>
        tpu.enqueue_dma source(%dma_start3A_869 : memref<104xi32, #tpu.memory_space<hbm>>) target(%arg9 : memref<104xi32, #tpu.memory_space<vmem>>) target_semaphore(%arg34 : memref<!tpu.dma_semaphore, #tpu.memory_space<semaphore_mem>>)
      } else {
      }
      %broadcast_in_dim3A_505 = arith.constant 0.000000e+00 : f32
      %broadcast_in_dim3A_506 = vector.broadcast %broadcast_in_dim3A_505 : f32 to vector<16xf32>
      %scan3A_507 = arith.constant 0 : i32
      %scan3A_508 = arith.constant 26 : i32
      %scan3A_509 = arith.addi %scan3A_507, %scan3A_508 : i32
      %scan3A_510 = arith.constant 1 : i32
      %scan3A_511:4 = scf.for %scan3A_835 = %scan3A_507 to %scan3A_509 step %scan3A_510 iter_args(%scan3A_836 = %broadcast_in_dim3A_506, %scan3A_837 = %broadcast_in_dim3A_506, %scan3A_838 = %broadcast_in_dim3A_506, %scan3A_839 = %broadcast_in_dim3A_506) -> (vector<16xf32>, vector<16xf32>, vector<16xf32>, vector<16xf32>)  : i32 {
        %mul3A_840 = arith.constant 4 : i32
        %mul3A_841 = arith.muli %scan3A_835, %mul3A_840 : i32
        %add3A_842 = arith.constant 0 : i32
        %add3A_843 = arith.addi %mul3A_841, %add3A_842 : i32
        %get3A_844 = arith.index_cast %add3A_843 : i32 to index
        %get3A_845 = arith.constant 0 : index
        %get3A_846 = tpu.vector_load %arg17[%get3A_844, %get3A_845] {strides = array<i32>} : memref<104x64xf32, #tpu.memory_space<vmem>>, vector<1x16xf32>,
        %get3A_847 = vector.shape_cast %get3A_846 : vector<1x16xf32> to vector<16xf32>
        %add3A_848 = arith.addf %scan3A_836, %get3A_847 : vector<16xf32>
        %get3A_849 = arith.index_cast %add3A_843 : i32 to index
        %get3A_850 = arith.constant 16 : index
        %get3A_851 = tpu.vector_load %arg17[%get3A_849, %get3A_850] {strides = array<i32>} : memref<104x64xf32, #tpu.memory_space<vmem>>, vector<1x16xf32>,
        %get3A_852 = vector.shape_cast %get3A_851 : vector<1x16xf32> to vector<16xf32>
        %add3A_853 = arith.addf %scan3A_837, %get3A_852 : vector<16xf32>
        %get3A_854 = arith.index_cast %add3A_843 : i32 to index
        %get3A_855 = arith.constant 32 : index
        %get3A_856 = tpu.vector_load %arg17[%get3A_854, %get3A_855] {strides = array<i32>} : memref<104x64xf32, #tpu.memory_space<vmem>>, vector<1x16xf32>,
        %get3A_857 = vector.shape_cast %get3A_856 : vector<1x16xf32> to vector<16xf32>
        %add3A_858 = arith.addf %scan3A_838, %get3A_857 : vector<16xf32>
        %get3A_859 = arith.index_cast %add3A_843 : i32 to index
        %get3A_860 = arith.constant 48 : index
        %get3A_861 = tpu.vector_load %arg17[%get3A_859, %get3A_860] {strides = array<i32>} : memref<104x64xf32, #tpu.memory_space<vmem>>, vector<1x16xf32>,
        %get3A_862 = vector.shape_cast %get3A_861 : vector<1x16xf32> to vector<16xf32>
        %add3A_863 = arith.addf %scan3A_839, %get3A_862 : vector<16xf32>
        %mul3A_864 = arith.constant 4 : i32
        %mul3A_865 = arith.muli %scan3A_835, %mul3A_864 : i32
        %add3A_866 = arith.constant 1 : i32
        %add3A_867 = arith.addi %mul3A_865, %add3A_866 : i32
        %get3A_868 = arith.index_cast %add3A_867 : i32 to index
        %get3A_869 = arith.constant 0 : index
        %get3A_870 = tpu.vector_load %arg17[%get3A_868, %get3A_869] {strides = array<i32>} : memref<104x64xf32, #tpu.memory_space<vmem>>, vector<1x16xf32>,
        %get3A_871 = vector.shape_cast %get3A_870 : vector<1x16xf32> to vector<16xf32>
        %add3A_872 = arith.addf %add3A_848, %get3A_871 : vector<16xf32>
        %get3A_873 = arith.index_cast %add3A_867 : i32 to index
        %get3A_874 = arith.constant 16 : index
        %get3A_875 = tpu.vector_load %arg17[%get3A_873, %get3A_874] {strides = array<i32>} : memref<104x64xf32, #tpu.memory_space<vmem>>, vector<1x16xf32>,
        %get3A_876 = vector.shape_cast %get3A_875 : vector<1x16xf32> to vector<16xf32>
        %add3A_877 = arith.addf %add3A_853, %get3A_876 : vector<16xf32>
        %get3A_878 = arith.index_cast %add3A_867 : i32 to index
        %get3A_879 = arith.constant 32 : index
        %get3A_880 = tpu.vector_load %arg17[%get3A_878, %get3A_879] {strides = array<i32>} : memref<104x64xf32, #tpu.memory_space<vmem>>, vector<1x16xf32>,
        %get3A_881 = vector.shape_cast %get3A_880 : vector<1x16xf32> to vector<16xf32>
        %add3A_882 = arith.addf %add3A_858, %get3A_881 : vector<16xf32>
        %get3A_883 = arith.index_cast %add3A_867 : i32 to index
        %get3A_884 = arith.constant 48 : index
        %get3A_885 = tpu.vector_load %arg17[%get3A_883, %get3A_884] {strides = array<i32>} : memref<104x64xf32, #tpu.memory_space<vmem>>, vector<1x16xf32>,
        %get3A_886 = vector.shape_cast %get3A_885 : vector<1x16xf32> to vector<16xf32>
        %add3A_887 = arith.addf %add3A_863, %get3A_886 : vector<16xf32>
        %mul3A_888 = arith.constant 4 : i32
        %mul3A_889 = arith.muli %scan3A_835, %mul3A_888 : i32
        %add3A_890 = arith.constant 2 : i32
        %add3A_891 = arith.addi %mul3A_889, %add3A_890 : i32
        %get3A_892 = arith.index_cast %add3A_891 : i32 to index
        %get3A_893 = arith.constant 0 : index
        %get3A_894 = tpu.vector_load %arg17[%get3A_892, %get3A_893] {strides = array<i32>} : memref<104x64xf32, #tpu.memory_space<vmem>>, vector<1x16xf32>,
        %get3A_895 = vector.shape_cast %get3A_894 : vector<1x16xf32> to vector<16xf32>
        %add3A_896 = arith.addf %add3A_872, %get3A_895 : vector<16xf32>
        %get3A_897 = arith.index_cast %add3A_891 : i32 to index
        %get3A_898 = arith.constant 16 : index
        %get3A_899 = tpu.vector_load %arg17[%get3A_897, %get3A_898] {strides = array<i32>} : memref<104x64xf32, #tpu.memory_space<vmem>>, vector<1x16xf32>,
        %get3A_900 = vector.shape_cast %get3A_899 : vector<1x16xf32> to vector<16xf32>
        %add3A_901 = arith.addf %add3A_877, %get3A_900 : vector<16xf32>
        %get3A_902 = arith.index_cast %add3A_891 : i32 to index
        %get3A_903 = arith.constant 32 : index
        %get3A_904 = tpu.vector_load %arg17[%get3A_902, %get3A_903] {strides = array<i32>} : memref<104x64xf32, #tpu.memory_space<vmem>>, vector<1x16xf32>,
        %get3A_905 = vector.shape_cast %get3A_904 : vector<1x16xf32> to vector<16xf32>
        %add3A_906 = arith.addf %add3A_882, %get3A_905 : vector<16xf32>
        %get3A_907 = arith.index_cast %add3A_891 : i32 to index
        %get3A_908 = arith.constant 48 : index
        %get3A_909 = tpu.vector_load %arg17[%get3A_907, %get3A_908] {strides = array<i32>} : memref<104x64xf32, #tpu.memory_space<vmem>>, vector<1x16xf32>,
        %get3A_910 = vector.shape_cast %get3A_909 : vector<1x16xf32> to vector<16xf32>
        %add3A_911 = arith.addf %add3A_887, %get3A_910 : vector<16xf32>
        %mul3A_912 = arith.constant 4 : i32
        %mul3A_913 = arith.muli %scan3A_835, %mul3A_912 : i32
        %add3A_914 = arith.constant 3 : i32
        %add3A_915 = arith.addi %mul3A_913, %add3A_914 : i32
        %get3A_916 = arith.index_cast %add3A_915 : i32 to index
        %get3A_917 = arith.constant 0 : index
        %get3A_918 = tpu.vector_load %arg17[%get3A_916, %get3A_917] {strides = array<i32>} : memref<104x64xf32, #tpu.memory_space<vmem>>, vector<1x16xf32>,
        %get3A_919 = vector.shape_cast %get3A_918 : vector<1x16xf32> to vector<16xf32>
        %add3A_920 = arith.addf %add3A_896, %get3A_919 : vector<16xf32>
        %get3A_921 = arith.index_cast %add3A_915 : i32 to index
        %get3A_922 = arith.constant 16 : index
        %get3A_923 = tpu.vector_load %arg17[%get3A_921, %get3A_922] {strides = array<i32>} : memref<104x64xf32, #tpu.memory_space<vmem>>, vector<1x16xf32>,
        %get3A_924 = vector.shape_cast %get3A_923 : vector<1x16xf32> to vector<16xf32>
        %add3A_925 = arith.addf %add3A_901, %get3A_924 : vector<16xf32>
        %get3A_926 = arith.index_cast %add3A_915 : i32 to index
        %get3A_927 = arith.constant 32 : index
        %get3A_928 = tpu.vector_load %arg17[%get3A_926, %get3A_927] {strides = array<i32>} : memref<104x64xf32, #tpu.memory_space<vmem>>, vector<1x16xf32>,
        %get3A_929 = vector.shape_cast %get3A_928 : vector<1x16xf32> to vector<16xf32>
        %add3A_930 = arith.addf %add3A_906, %get3A_929 : vector<16xf32>
        %get3A_931 = arith.index_cast %add3A_915 : i32 to index
        %get3A_932 = arith.constant 48 : index
        %get3A_933 = tpu.vector_load %arg17[%get3A_931, %get3A_932] {strides = array<i32>} : memref<104x64xf32, #tpu.memory_space<vmem>>, vector<1x16xf32>,
        %get3A_934 = vector.shape_cast %get3A_933 : vector<1x16xf32> to vector<16xf32>
        %add3A_935 = arith.addf %add3A_911, %get3A_934 : vector<16xf32>
        scf.yield %add3A_920, %add3A_925, %add3A_930, %add3A_935 : vector<16xf32>, vector<16xf32>, vector<16xf32>, vector<16xf32>
      }
      %scan3A_512 = arith.constant 26 : i32
      %add3A_513 = arith.constant 4 : i32
      %add3A_514 = arith.addi %mul3A_168, %add3A_513 : i32
      %jit3A_515 = arith.constant 2 : i32
      %div3A_516 = arith.divsi %add3A_514, %jit3A_515 : i32
      %sign3A_517 = arith.constant 0 : i32
      %sign3A_518 = arith.cmpi sgt, %add3A_514, %sign3A_517 : i32
      %sign3A_519 = arith.extui %sign3A_518 : i1 to i32
      %sign3A_520 = arith.constant 0 : i32
      %sign3A_521 = arith.cmpi slt, %add3A_514, %sign3A_520 : i32
      %sign3A_522 = arith.extui %sign3A_521 : i1 to i32
      %sign3A_523 = arith.subi %sign3A_519, %sign3A_522 : i32
      %sign3A_524 = arith.constant 0 : i32
      %sign3A_525 = arith.cmpi sgt, %jit3A_515, %sign3A_524 : i32
      %sign3A_526 = arith.extui %sign3A_525 : i1 to i32
      %sign3A_527 = arith.constant 0 : i32
      %sign3A_528 = arith.cmpi slt, %jit3A_515, %sign3A_527 : i32
      %sign3A_529 = arith.extui %sign3A_528 : i1 to i32
      %sign3A_530 = arith.subi %sign3A_526, %sign3A_529 : i32
      %ne3A_531 = arith.cmpi ne, %sign3A_523, %sign3A_530 : i32
      %rem3A_532 = arith.remsi %add3A_514, %jit3A_515 : i32
      %ne3A_533 = arith.constant 0 : i32
      %ne3A_534 = arith.cmpi ne, %rem3A_532, %ne3A_533 : i32
      %and3A_535 = arith.andi %ne3A_531, %ne3A_534 : i1
      %sub3A_536 = arith.constant 1 : i32
      %sub3A_537 = arith.subi %div3A_516, %sub3A_536 : i32
      %select_n3A_538 = arith.select %and3A_535, %sub3A_537, %div3A_516 : i32
      %swap3A_539 = arith.index_cast %select_n3A_538 : i32 to index
      %swap3A_540 = arith.constant 0 : index
      %swap3A_541 = tpu.vector_load %arg21[%swap3A_539, %swap3A_540] {strides = array<i32>} : memref<128x128xf32, #tpu.memory_space<vmem>>, vector<1x16xf32>,
      %swap3A_542 = vector.shape_cast %swap3A_541 : vector<1x16xf32> to vector<16xf32>
      %swap3A_543 = vector.shape_cast %scan3A_511#0 : vector<16xf32> to vector<1x16xf32>
      tpu.vector_store %arg21[%swap3A_539, %swap3A_540], %swap3A_543 {strides = array<i32>} : memref<128x128xf32, #tpu.memory_space<vmem>>, vector<1x16xf32>,
      %swap3A_544 = arith.index_cast %select_n3A_538 : i32 to index
      %swap3A_545 = arith.constant 16 : index
      %swap3A_546 = tpu.vector_load %arg21[%swap3A_544, %swap3A_545] {strides = array<i32>} : memref<128x128xf32, #tpu.memory_space<vmem>>, vector<1x16xf32>,
      %swap3A_547 = vector.shape_cast %swap3A_546 : vector<1x16xf32> to vector<16xf32>
      %swap3A_548 = vector.shape_cast %scan3A_511#1 : vector<16xf32> to vector<1x16xf32>
      tpu.vector_store %arg21[%swap3A_544, %swap3A_545], %swap3A_548 {strides = array<i32>} : memref<128x128xf32, #tpu.memory_space<vmem>>, vector<1x16xf32>,
      %swap3A_549 = arith.index_cast %select_n3A_538 : i32 to index
      %swap3A_550 = arith.constant 32 : index
      %swap3A_551 = tpu.vector_load %arg21[%swap3A_549, %swap3A_550] {strides = array<i32>} : memref<128x128xf32, #tpu.memory_space<vmem>>, vector<1x16xf32>,
      %swap3A_552 = vector.shape_cast %swap3A_551 : vector<1x16xf32> to vector<16xf32>
      %swap3A_553 = vector.shape_cast %scan3A_511#2 : vector<16xf32> to vector<1x16xf32>
      tpu.vector_store %arg21[%swap3A_549, %swap3A_550], %swap3A_553 {strides = array<i32>} : memref<128x128xf32, #tpu.memory_space<vmem>>, vector<1x16xf32>,
      %swap3A_554 = arith.index_cast %select_n3A_538 : i32 to index
      %swap3A_555 = arith.constant 48 : index
      %swap3A_556 = tpu.vector_load %arg21[%swap3A_554, %swap3A_555] {strides = array<i32>} : memref<128x128xf32, #tpu.memory_space<vmem>>, vector<1x16xf32>,
      %swap3A_557 = vector.shape_cast %swap3A_556 : vector<1x16xf32> to vector<16xf32>
      %swap3A_558 = vector.shape_cast %scan3A_511#3 : vector<16xf32> to vector<1x16xf32>
      tpu.vector_store %arg21[%swap3A_554, %swap3A_555], %swap3A_558 {strides = array<i32>} : memref<128x128xf32, #tpu.memory_space<vmem>>, vector<1x16xf32>,
      %lt3A_559 = arith.constant 31 : i32
      %lt3A_560 = arith.cmpi slt, %scan3A_166, %lt3A_559 : i32
      %convert_element_type3A_561 = arith.extui %lt3A_560 : i1 to i32
      %cond3A_562 = arith.constant 0 : i32
      %cond3A_563 = arith.cmpi ne, %convert_element_type3A_561, %cond3A_562 : i32
      scf.if %cond3A_563 {
        %dma_wait3A_835 = arith.constant 0 : i32
        %dma_wait3A_836 = arith.constant 0 : i32
        %dma_wait3A_837 = tpu.memref_slice %arg2[%dma_wait3A_835, %dma_wait3A_836] : memref<4096x200xi32, #tpu.memory_space<hbm>> -> memref<1x104xi32, #tpu.memory_space<hbm>>
        %dma_wait3A_838 = tpu.memref_squeeze %dma_wait3A_837 : memref<1x104xi32, #tpu.memory_space<hbm>> -> memref<104xi32, #tpu.memory_space<hbm>>
        %dma_wait3A_839 = arith.constant 0 : i32
        %dma_wait3A_840 = tpu.memref_slice %arg2[%dma_wait3A_835, %dma_wait3A_839] : memref<4096x200xi32, #tpu.memory_space<hbm>> -> memref<1x104xi32, #tpu.memory_space<hbm>>
        %dma_wait3A_841 = tpu.memref_squeeze %dma_wait3A_840 : memref<1x104xi32, #tpu.memory_space<hbm>> -> memref<104xi32, #tpu.memory_space<hbm>>
        tpu.wait_dma2 semaphore(%arg34 : memref<!tpu.dma_semaphore, #tpu.memory_space<semaphore_mem>>) src(%dma_wait3A_841 : memref<104xi32, #tpu.memory_space<hbm>>) dst(%arg9 : memref<104xi32, #tpu.memory_space<vmem>>)
        %dma_start3A_842 = arith.constant 0 : i32
        %dma_start3A_843 = arith.constant 0 : i32
        %dma_start3A_844 = tpu.memref_slice %arg3[%dma_start3A_842, %dma_start3A_843] : memref<100000x64xf32, #tpu.memory_space<hbm>> -> memref<100000x64xf32, #tpu.memory_space<hbm>>
        tpu.enqueue_indirect_dma source(%dma_start3A_844 : memref<100000x64xf32, #tpu.memory_space<hbm>>) target(%arg17 : memref<104x64xf32, #tpu.memory_space<vmem>>) offsets(%arg9 : memref<104xi32, #tpu.memory_space<vmem>>) semaphore(%arg26 : memref<!tpu.dma_semaphore, #tpu.memory_space<semaphore_mem>>)
      } else {
      }
      %add3A_564 = arith.constant 5 : i32
      %add3A_565 = arith.addi %mul3A_168, %add3A_564 : i32
      %dma_wait3A_566 = arith.constant 0 : i32
      %dma_wait3A_567 = arith.constant 0 : i32
      %dma_wait3A_568 = tpu.memref_slice %arg3[%dma_wait3A_566, %dma_wait3A_567] : memref<100000x64xf32, #tpu.memory_space<hbm>> -> memref<100000x64xf32, #tpu.memory_space<hbm>>
      tpu.wait_indirect_dma semaphore(%arg27 : memref<!tpu.dma_semaphore, #tpu.memory_space<semaphore_mem>>) src(%dma_wait3A_568 : memref<100000x64xf32, #tpu.memory_space<hbm>>) dst(%arg18 : memref<96x64xf32, #tpu.memory_space<vmem>>)
      %lt3A_569 = arith.constant 31 : i32
      %lt3A_570 = arith.cmpi slt, %scan3A_166, %lt3A_569 : i32
      %convert_element_type3A_571 = arith.extui %lt3A_570 : i1 to i32
      %cond3A_572 = arith.constant 0 : i32
      %cond3A_573 = arith.cmpi ne, %convert_element_type3A_571, %cond3A_572 : i32
      scf.if %cond3A_573 {
        %add3A_835 = arith.constant 8 : i32
        %add3A_836 = arith.addi %add3A_565, %add3A_835 : i32
        %mul3A_837 = arith.constant 128 : i32
        %mul3A_838 = arith.muli %add3A, %mul3A_837 : i32
        %jit3A_839 = arith.constant 2 : i32
        %div3A_840 = arith.divsi %add3A_836, %jit3A_839 : i32
        %sign3A_841 = arith.constant 0 : i32
        %sign3A_842 = arith.cmpi sgt, %add3A_836, %sign3A_841 : i32
        %sign3A_843 = arith.extui %sign3A_842 : i1 to i32
        %sign3A_844 = arith.constant 0 : i32
        %sign3A_845 = arith.cmpi slt, %add3A_836, %sign3A_844 : i32
        %sign3A_846 = arith.extui %sign3A_845 : i1 to i32
        %sign3A_847 = arith.subi %sign3A_843, %sign3A_846 : i32
        %sign3A_848 = arith.constant 0 : i32
        %sign3A_849 = arith.cmpi sgt, %jit3A_839, %sign3A_848 : i32
        %sign3A_850 = arith.extui %sign3A_849 : i1 to i32
        %sign3A_851 = arith.constant 0 : i32
        %sign3A_852 = arith.cmpi slt, %jit3A_839, %sign3A_851 : i32
        %sign3A_853 = arith.extui %sign3A_852 : i1 to i32
        %sign3A_854 = arith.subi %sign3A_850, %sign3A_853 : i32
        %ne3A_855 = arith.cmpi ne, %sign3A_847, %sign3A_854 : i32
        %rem3A_856 = arith.remsi %add3A_836, %jit3A_839 : i32
        %ne3A_857 = arith.constant 0 : i32
        %ne3A_858 = arith.cmpi ne, %rem3A_856, %ne3A_857 : i32
        %and3A_859 = arith.andi %ne3A_855, %ne3A_858 : i1
        %sub3A_860 = arith.constant 1 : i32
        %sub3A_861 = arith.subi %div3A_840, %sub3A_860 : i32
        %select_n3A_862 = arith.select %and3A_859, %sub3A_861, %div3A_840 : i32
        %add3A_863 = arith.addi %mul3A_838, %select_n3A_862 : i32
        %dma_start3A_864 = arith.constant 104 : i32
        %dma_start3A_865 = tpu.memref_slice %arg2[%add3A_863, %dma_start3A_864] : memref<4096x200xi32, #tpu.memory_space<hbm>> -> memref<1x96xi32, #tpu.memory_space<hbm>>
        %dma_start3A_866 = tpu.memref_squeeze %dma_start3A_865 : memref<1x96xi32, #tpu.memory_space<hbm>> -> memref<96xi32, #tpu.memory_space<hbm>>
        %dma_start3A_867 = arith.constant 104 : i32
        %dma_start3A_868 = tpu.memref_slice %arg2[%add3A_863, %dma_start3A_867] : memref<4096x200xi32, #tpu.memory_space<hbm>> -> memref<1x96xi32, #tpu.memory_space<hbm>>
        %dma_start3A_869 = tpu.memref_squeeze %dma_start3A_868 : memref<1x96xi32, #tpu.memory_space<hbm>> -> memref<96xi32, #tpu.memory_space<hbm>>
        tpu.enqueue_dma source(%dma_start3A_869 : memref<96xi32, #tpu.memory_space<hbm>>) target(%arg10 : memref<96xi32, #tpu.memory_space<vmem>>) target_semaphore(%arg35 : memref<!tpu.dma_semaphore, #tpu.memory_space<semaphore_mem>>)
      } else {
      }
      %broadcast_in_dim3A_574 = arith.constant 0.000000e+00 : f32
      %broadcast_in_dim3A_575 = vector.broadcast %broadcast_in_dim3A_574 : f32 to vector<16xf32>
      %scan3A_576 = arith.constant 0 : i32
      %scan3A_577 = arith.constant 24 : i32
      %scan3A_578 = arith.addi %scan3A_576, %scan3A_577 : i32
      %scan3A_579 = arith.constant 1 : i32
      %scan3A_580:4 = scf.for %scan3A_835 = %scan3A_576 to %scan3A_578 step %scan3A_579 iter_args(%scan3A_836 = %broadcast_in_dim3A_575, %scan3A_837 = %broadcast_in_dim3A_575, %scan3A_838 = %broadcast_in_dim3A_575, %scan3A_839 = %broadcast_in_dim3A_575) -> (vector<16xf32>, vector<16xf32>, vector<16xf32>, vector<16xf32>)  : i32 {
        %mul3A_840 = arith.constant 4 : i32
        %mul3A_841 = arith.muli %scan3A_835, %mul3A_840 : i32
        %add3A_842 = arith.constant 0 : i32
        %add3A_843 = arith.addi %mul3A_841, %add3A_842 : i32
        %get3A_844 = arith.index_cast %add3A_843 : i32 to index
        %get3A_845 = arith.constant 0 : index
        %get3A_846 = tpu.vector_load %arg18[%get3A_844, %get3A_845] {strides = array<i32>} : memref<96x64xf32, #tpu.memory_space<vmem>>, vector<1x16xf32>,
        %get3A_847 = vector.shape_cast %get3A_846 : vector<1x16xf32> to vector<16xf32>
        %add3A_848 = arith.addf %scan3A_836, %get3A_847 : vector<16xf32>
        %get3A_849 = arith.index_cast %add3A_843 : i32 to index
        %get3A_850 = arith.constant 16 : index
        %get3A_851 = tpu.vector_load %arg18[%get3A_849, %get3A_850] {strides = array<i32>} : memref<96x64xf32, #tpu.memory_space<vmem>>, vector<1x16xf32>,
        %get3A_852 = vector.shape_cast %get3A_851 : vector<1x16xf32> to vector<16xf32>
        %add3A_853 = arith.addf %scan3A_837, %get3A_852 : vector<16xf32>
        %get3A_854 = arith.index_cast %add3A_843 : i32 to index
        %get3A_855 = arith.constant 32 : index
        %get3A_856 = tpu.vector_load %arg18[%get3A_854, %get3A_855] {strides = array<i32>} : memref<96x64xf32, #tpu.memory_space<vmem>>, vector<1x16xf32>,
        %get3A_857 = vector.shape_cast %get3A_856 : vector<1x16xf32> to vector<16xf32>
        %add3A_858 = arith.addf %scan3A_838, %get3A_857 : vector<16xf32>
        %get3A_859 = arith.index_cast %add3A_843 : i32 to index
        %get3A_860 = arith.constant 48 : index
        %get3A_861 = tpu.vector_load %arg18[%get3A_859, %get3A_860] {strides = array<i32>} : memref<96x64xf32, #tpu.memory_space<vmem>>, vector<1x16xf32>,
        %get3A_862 = vector.shape_cast %get3A_861 : vector<1x16xf32> to vector<16xf32>
        %add3A_863 = arith.addf %scan3A_839, %get3A_862 : vector<16xf32>
        %mul3A_864 = arith.constant 4 : i32
        %mul3A_865 = arith.muli %scan3A_835, %mul3A_864 : i32
        %add3A_866 = arith.constant 1 : i32
        %add3A_867 = arith.addi %mul3A_865, %add3A_866 : i32
        %get3A_868 = arith.index_cast %add3A_867 : i32 to index
        %get3A_869 = arith.constant 0 : index
        %get3A_870 = tpu.vector_load %arg18[%get3A_868, %get3A_869] {strides = array<i32>} : memref<96x64xf32, #tpu.memory_space<vmem>>, vector<1x16xf32>,
        %get3A_871 = vector.shape_cast %get3A_870 : vector<1x16xf32> to vector<16xf32>
        %add3A_872 = arith.addf %add3A_848, %get3A_871 : vector<16xf32>
        %get3A_873 = arith.index_cast %add3A_867 : i32 to index
        %get3A_874 = arith.constant 16 : index
        %get3A_875 = tpu.vector_load %arg18[%get3A_873, %get3A_874] {strides = array<i32>} : memref<96x64xf32, #tpu.memory_space<vmem>>, vector<1x16xf32>,
        %get3A_876 = vector.shape_cast %get3A_875 : vector<1x16xf32> to vector<16xf32>
        %add3A_877 = arith.addf %add3A_853, %get3A_876 : vector<16xf32>
        %get3A_878 = arith.index_cast %add3A_867 : i32 to index
        %get3A_879 = arith.constant 32 : index
        %get3A_880 = tpu.vector_load %arg18[%get3A_878, %get3A_879] {strides = array<i32>} : memref<96x64xf32, #tpu.memory_space<vmem>>, vector<1x16xf32>,
        %get3A_881 = vector.shape_cast %get3A_880 : vector<1x16xf32> to vector<16xf32>
        %add3A_882 = arith.addf %add3A_858, %get3A_881 : vector<16xf32>
        %get3A_883 = arith.index_cast %add3A_867 : i32 to index
        %get3A_884 = arith.constant 48 : index
        %get3A_885 = tpu.vector_load %arg18[%get3A_883, %get3A_884] {strides = array<i32>} : memref<96x64xf32, #tpu.memory_space<vmem>>, vector<1x16xf32>,
        %get3A_886 = vector.shape_cast %get3A_885 : vector<1x16xf32> to vector<16xf32>
        %add3A_887 = arith.addf %add3A_863, %get3A_886 : vector<16xf32>
        %mul3A_888 = arith.constant 4 : i32
        %mul3A_889 = arith.muli %scan3A_835, %mul3A_888 : i32
        %add3A_890 = arith.constant 2 : i32
        %add3A_891 = arith.addi %mul3A_889, %add3A_890 : i32
        %get3A_892 = arith.index_cast %add3A_891 : i32 to index
        %get3A_893 = arith.constant 0 : index
        %get3A_894 = tpu.vector_load %arg18[%get3A_892, %get3A_893] {strides = array<i32>} : memref<96x64xf32, #tpu.memory_space<vmem>>, vector<1x16xf32>,
        %get3A_895 = vector.shape_cast %get3A_894 : vector<1x16xf32> to vector<16xf32>
        %add3A_896 = arith.addf %add3A_872, %get3A_895 : vector<16xf32>
        %get3A_897 = arith.index_cast %add3A_891 : i32 to index
        %get3A_898 = arith.constant 16 : index
        %get3A_899 = tpu.vector_load %arg18[%get3A_897, %get3A_898] {strides = array<i32>} : memref<96x64xf32, #tpu.memory_space<vmem>>, vector<1x16xf32>,
        %get3A_900 = vector.shape_cast %get3A_899 : vector<1x16xf32> to vector<16xf32>
        %add3A_901 = arith.addf %add3A_877, %get3A_900 : vector<16xf32>
        %get3A_902 = arith.index_cast %add3A_891 : i32 to index
        %get3A_903 = arith.constant 32 : index
        %get3A_904 = tpu.vector_load %arg18[%get3A_902, %get3A_903] {strides = array<i32>} : memref<96x64xf32, #tpu.memory_space<vmem>>, vector<1x16xf32>,
        %get3A_905 = vector.shape_cast %get3A_904 : vector<1x16xf32> to vector<16xf32>
        %add3A_906 = arith.addf %add3A_882, %get3A_905 : vector<16xf32>
        %get3A_907 = arith.index_cast %add3A_891 : i32 to index
        %get3A_908 = arith.constant 48 : index
        %get3A_909 = tpu.vector_load %arg18[%get3A_907, %get3A_908] {strides = array<i32>} : memref<96x64xf32, #tpu.memory_space<vmem>>, vector<1x16xf32>,
        %get3A_910 = vector.shape_cast %get3A_909 : vector<1x16xf32> to vector<16xf32>
        %add3A_911 = arith.addf %add3A_887, %get3A_910 : vector<16xf32>
        %mul3A_912 = arith.constant 4 : i32
        %mul3A_913 = arith.muli %scan3A_835, %mul3A_912 : i32
        %add3A_914 = arith.constant 3 : i32
        %add3A_915 = arith.addi %mul3A_913, %add3A_914 : i32
        %get3A_916 = arith.index_cast %add3A_915 : i32 to index
        %get3A_917 = arith.constant 0 : index
        %get3A_918 = tpu.vector_load %arg18[%get3A_916, %get3A_917] {strides = array<i32>} : memref<96x64xf32, #tpu.memory_space<vmem>>, vector<1x16xf32>,
        %get3A_919 = vector.shape_cast %get3A_918 : vector<1x16xf32> to vector<16xf32>
        %add3A_920 = arith.addf %add3A_896, %get3A_919 : vector<16xf32>
        %get3A_921 = arith.index_cast %add3A_915 : i32 to index
        %get3A_922 = arith.constant 16 : index
        %get3A_923 = tpu.vector_load %arg18[%get3A_921, %get3A_922] {strides = array<i32>} : memref<96x64xf32, #tpu.memory_space<vmem>>, vector<1x16xf32>,
        %get3A_924 = vector.shape_cast %get3A_923 : vector<1x16xf32> to vector<16xf32>
        %add3A_925 = arith.addf %add3A_901, %get3A_924 : vector<16xf32>
        %get3A_926 = arith.index_cast %add3A_915 : i32 to index
        %get3A_927 = arith.constant 32 : index
        %get3A_928 = tpu.vector_load %arg18[%get3A_926, %get3A_927] {strides = array<i32>} : memref<96x64xf32, #tpu.memory_space<vmem>>, vector<1x16xf32>,
        %get3A_929 = vector.shape_cast %get3A_928 : vector<1x16xf32> to vector<16xf32>
        %add3A_930 = arith.addf %add3A_906, %get3A_929 : vector<16xf32>
        %get3A_931 = arith.index_cast %add3A_915 : i32 to index
        %get3A_932 = arith.constant 48 : index
        %get3A_933 = tpu.vector_load %arg18[%get3A_931, %get3A_932] {strides = array<i32>} : memref<96x64xf32, #tpu.memory_space<vmem>>, vector<1x16xf32>,
        %get3A_934 = vector.shape_cast %get3A_933 : vector<1x16xf32> to vector<16xf32>
        %add3A_935 = arith.addf %add3A_911, %get3A_934 : vector<16xf32>
        scf.yield %add3A_920, %add3A_925, %add3A_930, %add3A_935 : vector<16xf32>, vector<16xf32>, vector<16xf32>, vector<16xf32>
      }
      %scan3A_581 = arith.constant 24 : i32
      %add3A_582 = arith.constant 5 : i32
      %add3A_583 = arith.addi %mul3A_168, %add3A_582 : i32
      %jit3A_584 = arith.constant 2 : i32
      %div3A_585 = arith.divsi %add3A_583, %jit3A_584 : i32
      %sign3A_586 = arith.constant 0 : i32
      %sign3A_587 = arith.cmpi sgt, %add3A_583, %sign3A_586 : i32
      %sign3A_588 = arith.extui %sign3A_587 : i1 to i32
      %sign3A_589 = arith.constant 0 : i32
      %sign3A_590 = arith.cmpi slt, %add3A_583, %sign3A_589 : i32
      %sign3A_591 = arith.extui %sign3A_590 : i1 to i32
      %sign3A_592 = arith.subi %sign3A_588, %sign3A_591 : i32
      %sign3A_593 = arith.constant 0 : i32
      %sign3A_594 = arith.cmpi sgt, %jit3A_584, %sign3A_593 : i32
      %sign3A_595 = arith.extui %sign3A_594 : i1 to i32
      %sign3A_596 = arith.constant 0 : i32
      %sign3A_597 = arith.cmpi slt, %jit3A_584, %sign3A_596 : i32
      %sign3A_598 = arith.extui %sign3A_597 : i1 to i32
      %sign3A_599 = arith.subi %sign3A_595, %sign3A_598 : i32
      %ne3A_600 = arith.cmpi ne, %sign3A_592, %sign3A_599 : i32
      %rem3A_601 = arith.remsi %add3A_583, %jit3A_584 : i32
      %ne3A_602 = arith.constant 0 : i32
      %ne3A_603 = arith.cmpi ne, %rem3A_601, %ne3A_602 : i32
      %and3A_604 = arith.andi %ne3A_600, %ne3A_603 : i1
      %sub3A_605 = arith.constant 1 : i32
      %sub3A_606 = arith.subi %div3A_585, %sub3A_605 : i32
      %select_n3A_607 = arith.select %and3A_604, %sub3A_606, %div3A_585 : i32
      %get3A_608 = arith.index_cast %select_n3A_607 : i32 to index
      %get3A_609 = arith.constant 0 : index
      %get3A_610 = tpu.vector_load %arg21[%get3A_608, %get3A_609] {strides = array<i32>} : memref<128x128xf32, #tpu.memory_space<vmem>>, vector<1x16xf32>,
      %get3A_611 = vector.shape_cast %get3A_610 : vector<1x16xf32> to vector<16xf32>
      %add3A_612 = arith.addf %get3A_611, %scan3A_580#0 : vector<16xf32>
      %mul3A_613 = arith.constant 5.000000e-03 : f32
      %mul3A_614 = vector.broadcast %mul3A_613 : f32 to vector<16xf32>
      %mul3A_615 = arith.mulf %add3A_612, %mul3A_614 : vector<16xf32>
      %swap3A_616 = arith.index_cast %select_n3A_607 : i32 to index
      %swap3A_617 = arith.constant 0 : index
      %swap3A_618 = tpu.vector_load %arg21[%swap3A_616, %swap3A_617] {strides = array<i32>} : memref<128x128xf32, #tpu.memory_space<vmem>>, vector<1x16xf32>,
      %swap3A_619 = vector.shape_cast %swap3A_618 : vector<1x16xf32> to vector<16xf32>
      %swap3A_620 = vector.shape_cast %mul3A_615 : vector<16xf32> to vector<1x16xf32>
      tpu.vector_store %arg21[%swap3A_616, %swap3A_617], %swap3A_620 {strides = array<i32>} : memref<128x128xf32, #tpu.memory_space<vmem>>, vector<1x16xf32>,
      %get3A_621 = arith.index_cast %select_n3A_607 : i32 to index
      %get3A_622 = arith.constant 16 : index
      %get3A_623 = tpu.vector_load %arg21[%get3A_621, %get3A_622] {strides = array<i32>} : memref<128x128xf32, #tpu.memory_space<vmem>>, vector<1x16xf32>,
      %get3A_624 = vector.shape_cast %get3A_623 : vector<1x16xf32> to vector<16xf32>
      %add3A_625 = arith.addf %get3A_624, %scan3A_580#1 : vector<16xf32>
      %mul3A_626 = arith.constant 5.000000e-03 : f32
      %mul3A_627 = vector.broadcast %mul3A_626 : f32 to vector<16xf32>
      %mul3A_628 = arith.mulf %add3A_625, %mul3A_627 : vector<16xf32>
      %swap3A_629 = arith.index_cast %select_n3A_607 : i32 to index
      %swap3A_630 = arith.constant 16 : index
      %swap3A_631 = tpu.vector_load %arg21[%swap3A_629, %swap3A_630] {strides = array<i32>} : memref<128x128xf32, #tpu.memory_space<vmem>>, vector<1x16xf32>,
      %swap3A_632 = vector.shape_cast %swap3A_631 : vector<1x16xf32> to vector<16xf32>
      %swap3A_633 = vector.shape_cast %mul3A_628 : vector<16xf32> to vector<1x16xf32>
      tpu.vector_store %arg21[%swap3A_629, %swap3A_630], %swap3A_633 {strides = array<i32>} : memref<128x128xf32, #tpu.memory_space<vmem>>, vector<1x16xf32>,
      %get3A_634 = arith.index_cast %select_n3A_607 : i32 to index
      %get3A_635 = arith.constant 32 : index
      %get3A_636 = tpu.vector_load %arg21[%get3A_634, %get3A_635] {strides = array<i32>} : memref<128x128xf32, #tpu.memory_space<vmem>>, vector<1x16xf32>,
      %get3A_637 = vector.shape_cast %get3A_636 : vector<1x16xf32> to vector<16xf32>
      %add3A_638 = arith.addf %get3A_637, %scan3A_580#2 : vector<16xf32>
      %mul3A_639 = arith.constant 5.000000e-03 : f32
      %mul3A_640 = vector.broadcast %mul3A_639 : f32 to vector<16xf32>
      %mul3A_641 = arith.mulf %add3A_638, %mul3A_640 : vector<16xf32>
      %swap3A_642 = arith.index_cast %select_n3A_607 : i32 to index
      %swap3A_643 = arith.constant 32 : index
      %swap3A_644 = tpu.vector_load %arg21[%swap3A_642, %swap3A_643] {strides = array<i32>} : memref<128x128xf32, #tpu.memory_space<vmem>>, vector<1x16xf32>,
      %swap3A_645 = vector.shape_cast %swap3A_644 : vector<1x16xf32> to vector<16xf32>
      %swap3A_646 = vector.shape_cast %mul3A_641 : vector<16xf32> to vector<1x16xf32>
      tpu.vector_store %arg21[%swap3A_642, %swap3A_643], %swap3A_646 {strides = array<i32>} : memref<128x128xf32, #tpu.memory_space<vmem>>, vector<1x16xf32>,
      %get3A_647 = arith.index_cast %select_n3A_607 : i32 to index
      %get3A_648 = arith.constant 48 : index
      %get3A_649 = tpu.vector_load %arg21[%get3A_647, %get3A_648] {strides = array<i32>} : memref<128x128xf32, #tpu.memory_space<vmem>>, vector<1x16xf32>,
      %get3A_650 = vector.shape_cast %get3A_649 : vector<1x16xf32> to vector<16xf32>
      %add3A_651 = arith.addf %get3A_650, %scan3A_580#3 : vector<16xf32>
      %mul3A_652 = arith.constant 5.000000e-03 : f32
      %mul3A_653 = vector.broadcast %mul3A_652 : f32 to vector<16xf32>
      %mul3A_654 = arith.mulf %add3A_651, %mul3A_653 : vector<16xf32>
      %swap3A_655 = arith.index_cast %select_n3A_607 : i32 to index
      %swap3A_656 = arith.constant 48 : index
      %swap3A_657 = tpu.vector_load %arg21[%swap3A_655, %swap3A_656] {strides = array<i32>} : memref<128x128xf32, #tpu.memory_space<vmem>>, vector<1x16xf32>,
      %swap3A_658 = vector.shape_cast %swap3A_657 : vector<1x16xf32> to vector<16xf32>
      %swap3A_659 = vector.shape_cast %mul3A_654 : vector<16xf32> to vector<1x16xf32>
      tpu.vector_store %arg21[%swap3A_655, %swap3A_656], %swap3A_659 {strides = array<i32>} : memref<128x128xf32, #tpu.memory_space<vmem>>, vector<1x16xf32>,
      %lt3A_660 = arith.constant 31 : i32
      %lt3A_661 = arith.cmpi slt, %scan3A_166, %lt3A_660 : i32
      %convert_element_type3A_662 = arith.extui %lt3A_661 : i1 to i32
      %cond3A_663 = arith.constant 0 : i32
      %cond3A_664 = arith.cmpi ne, %convert_element_type3A_662, %cond3A_663 : i32
      scf.if %cond3A_664 {
        %dma_wait3A_835 = arith.constant 0 : i32
        %dma_wait3A_836 = arith.constant 0 : i32
        %dma_wait3A_837 = tpu.memref_slice %arg2[%dma_wait3A_835, %dma_wait3A_836] : memref<4096x200xi32, #tpu.memory_space<hbm>> -> memref<1x96xi32, #tpu.memory_space<hbm>>
        %dma_wait3A_838 = tpu.memref_squeeze %dma_wait3A_837 : memref<1x96xi32, #tpu.memory_space<hbm>> -> memref<96xi32, #tpu.memory_space<hbm>>
        %dma_wait3A_839 = arith.constant 0 : i32
        %dma_wait3A_840 = tpu.memref_slice %arg2[%dma_wait3A_835, %dma_wait3A_839] : memref<4096x200xi32, #tpu.memory_space<hbm>> -> memref<1x96xi32, #tpu.memory_space<hbm>>
        %dma_wait3A_841 = tpu.memref_squeeze %dma_wait3A_840 : memref<1x96xi32, #tpu.memory_space<hbm>> -> memref<96xi32, #tpu.memory_space<hbm>>
        tpu.wait_dma2 semaphore(%arg35 : memref<!tpu.dma_semaphore, #tpu.memory_space<semaphore_mem>>) src(%dma_wait3A_841 : memref<96xi32, #tpu.memory_space<hbm>>) dst(%arg10 : memref<96xi32, #tpu.memory_space<vmem>>)
        %dma_start3A_842 = arith.constant 0 : i32
        %dma_start3A_843 = arith.constant 0 : i32
        %dma_start3A_844 = tpu.memref_slice %arg3[%dma_start3A_842, %dma_start3A_843] : memref<100000x64xf32, #tpu.memory_space<hbm>> -> memref<100000x64xf32, #tpu.memory_space<hbm>>
        tpu.enqueue_indirect_dma source(%dma_start3A_844 : memref<100000x64xf32, #tpu.memory_space<hbm>>) target(%arg18 : memref<96x64xf32, #tpu.memory_space<vmem>>) offsets(%arg10 : memref<96xi32, #tpu.memory_space<vmem>>) semaphore(%arg27 : memref<!tpu.dma_semaphore, #tpu.memory_space<semaphore_mem>>)
      } else {
      }
      %add3A_665 = arith.constant 6 : i32
      %add3A_666 = arith.addi %mul3A_168, %add3A_665 : i32
      %dma_wait3A_667 = arith.constant 0 : i32
      %dma_wait3A_668 = arith.constant 0 : i32
      %dma_wait3A_669 = tpu.memref_slice %arg3[%dma_wait3A_667, %dma_wait3A_668] : memref<100000x64xf32, #tpu.memory_space<hbm>> -> memref<100000x64xf32, #tpu.memory_space<hbm>>
      tpu.wait_indirect_dma semaphore(%arg28 : memref<!tpu.dma_semaphore, #tpu.memory_space<semaphore_mem>>) src(%dma_wait3A_669 : memref<100000x64xf32, #tpu.memory_space<hbm>>) dst(%arg19 : memref<104x64xf32, #tpu.memory_space<vmem>>)
      %lt3A_670 = arith.constant 31 : i32
      %lt3A_671 = arith.cmpi slt, %scan3A_166, %lt3A_670 : i32
      %convert_element_type3A_672 = arith.extui %lt3A_671 : i1 to i32
      %cond3A_673 = arith.constant 0 : i32
      %cond3A_674 = arith.cmpi ne, %convert_element_type3A_672, %cond3A_673 : i32
      scf.if %cond3A_674 {
        %add3A_835 = arith.constant 8 : i32
        %add3A_836 = arith.addi %add3A_666, %add3A_835 : i32
        %mul3A_837 = arith.constant 128 : i32
        %mul3A_838 = arith.muli %add3A, %mul3A_837 : i32
        %jit3A_839 = arith.constant 2 : i32
        %div3A_840 = arith.divsi %add3A_836, %jit3A_839 : i32
        %sign3A_841 = arith.constant 0 : i32
        %sign3A_842 = arith.cmpi sgt, %add3A_836, %sign3A_841 : i32
        %sign3A_843 = arith.extui %sign3A_842 : i1 to i32
        %sign3A_844 = arith.constant 0 : i32
        %sign3A_845 = arith.cmpi slt, %add3A_836, %sign3A_844 : i32
        %sign3A_846 = arith.extui %sign3A_845 : i1 to i32
        %sign3A_847 = arith.subi %sign3A_843, %sign3A_846 : i32
        %sign3A_848 = arith.constant 0 : i32
        %sign3A_849 = arith.cmpi sgt, %jit3A_839, %sign3A_848 : i32
        %sign3A_850 = arith.extui %sign3A_849 : i1 to i32
        %sign3A_851 = arith.constant 0 : i32
        %sign3A_852 = arith.cmpi slt, %jit3A_839, %sign3A_851 : i32
        %sign3A_853 = arith.extui %sign3A_852 : i1 to i32
        %sign3A_854 = arith.subi %sign3A_850, %sign3A_853 : i32
        %ne3A_855 = arith.cmpi ne, %sign3A_847, %sign3A_854 : i32
        %rem3A_856 = arith.remsi %add3A_836, %jit3A_839 : i32
        %ne3A_857 = arith.constant 0 : i32
        %ne3A_858 = arith.cmpi ne, %rem3A_856, %ne3A_857 : i32
        %and3A_859 = arith.andi %ne3A_855, %ne3A_858 : i1
        %sub3A_860 = arith.constant 1 : i32
        %sub3A_861 = arith.subi %div3A_840, %sub3A_860 : i32
        %select_n3A_862 = arith.select %and3A_859, %sub3A_861, %div3A_840 : i32
        %add3A_863 = arith.addi %mul3A_838, %select_n3A_862 : i32
        %dma_start3A_864 = arith.constant 0 : i32
        %dma_start3A_865 = tpu.memref_slice %arg2[%add3A_863, %dma_start3A_864] : memref<4096x200xi32, #tpu.memory_space<hbm>> -> memref<1x104xi32, #tpu.memory_space<hbm>>
        %dma_start3A_866 = tpu.memref_squeeze %dma_start3A_865 : memref<1x104xi32, #tpu.memory_space<hbm>> -> memref<104xi32, #tpu.memory_space<hbm>>
        %dma_start3A_867 = arith.constant 0 : i32
        %dma_start3A_868 = tpu.memref_slice %arg2[%add3A_863, %dma_start3A_867] : memref<4096x200xi32, #tpu.memory_space<hbm>> -> memref<1x104xi32, #tpu.memory_space<hbm>>
        %dma_start3A_869 = tpu.memref_squeeze %dma_start3A_868 : memref<1x104xi32, #tpu.memory_space<hbm>> -> memref<104xi32, #tpu.memory_space<hbm>>
        tpu.enqueue_dma source(%dma_start3A_869 : memref<104xi32, #tpu.memory_space<hbm>>) target(%arg11 : memref<104xi32, #tpu.memory_space<vmem>>) target_semaphore(%arg36 : memref<!tpu.dma_semaphore, #tpu.memory_space<semaphore_mem>>)
      } else {
      }
      %broadcast_in_dim3A_675 = arith.constant 0.000000e+00 : f32
      %broadcast_in_dim3A_676 = vector.broadcast %broadcast_in_dim3A_675 : f32 to vector<16xf32>
      %scan3A_677 = arith.constant 0 : i32
      %scan3A_678 = arith.constant 26 : i32
      %scan3A_679 = arith.addi %scan3A_677, %scan3A_678 : i32
      %scan3A_680 = arith.constant 1 : i32
      %scan3A_681:4 = scf.for %scan3A_835 = %scan3A_677 to %scan3A_679 step %scan3A_680 iter_args(%scan3A_836 = %broadcast_in_dim3A_676, %scan3A_837 = %broadcast_in_dim3A_676, %scan3A_838 = %broadcast_in_dim3A_676, %scan3A_839 = %broadcast_in_dim3A_676) -> (vector<16xf32>, vector<16xf32>, vector<16xf32>, vector<16xf32>)  : i32 {
        %mul3A_840 = arith.constant 4 : i32
        %mul3A_841 = arith.muli %scan3A_835, %mul3A_840 : i32
        %add3A_842 = arith.constant 0 : i32
        %add3A_843 = arith.addi %mul3A_841, %add3A_842 : i32
        %get3A_844 = arith.index_cast %add3A_843 : i32 to index
        %get3A_845 = arith.constant 0 : index
        %get3A_846 = tpu.vector_load %arg19[%get3A_844, %get3A_845] {strides = array<i32>} : memref<104x64xf32, #tpu.memory_space<vmem>>, vector<1x16xf32>,
        %get3A_847 = vector.shape_cast %get3A_846 : vector<1x16xf32> to vector<16xf32>
        %add3A_848 = arith.addf %scan3A_836, %get3A_847 : vector<16xf32>
        %get3A_849 = arith.index_cast %add3A_843 : i32 to index
        %get3A_850 = arith.constant 16 : index
        %get3A_851 = tpu.vector_load %arg19[%get3A_849, %get3A_850] {strides = array<i32>} : memref<104x64xf32, #tpu.memory_space<vmem>>, vector<1x16xf32>,
        %get3A_852 = vector.shape_cast %get3A_851 : vector<1x16xf32> to vector<16xf32>
        %add3A_853 = arith.addf %scan3A_837, %get3A_852 : vector<16xf32>
        %get3A_854 = arith.index_cast %add3A_843 : i32 to index
        %get3A_855 = arith.constant 32 : index
        %get3A_856 = tpu.vector_load %arg19[%get3A_854, %get3A_855] {strides = array<i32>} : memref<104x64xf32, #tpu.memory_space<vmem>>, vector<1x16xf32>,
        %get3A_857 = vector.shape_cast %get3A_856 : vector<1x16xf32> to vector<16xf32>
        %add3A_858 = arith.addf %scan3A_838, %get3A_857 : vector<16xf32>
        %get3A_859 = arith.index_cast %add3A_843 : i32 to index
        %get3A_860 = arith.constant 48 : index
        %get3A_861 = tpu.vector_load %arg19[%get3A_859, %get3A_860] {strides = array<i32>} : memref<104x64xf32, #tpu.memory_space<vmem>>, vector<1x16xf32>,
        %get3A_862 = vector.shape_cast %get3A_861 : vector<1x16xf32> to vector<16xf32>
        %add3A_863 = arith.addf %scan3A_839, %get3A_862 : vector<16xf32>
        %mul3A_864 = arith.constant 4 : i32
        %mul3A_865 = arith.muli %scan3A_835, %mul3A_864 : i32
        %add3A_866 = arith.constant 1 : i32
        %add3A_867 = arith.addi %mul3A_865, %add3A_866 : i32
        %get3A_868 = arith.index_cast %add3A_867 : i32 to index
        %get3A_869 = arith.constant 0 : index
        %get3A_870 = tpu.vector_load %arg19[%get3A_868, %get3A_869] {strides = array<i32>} : memref<104x64xf32, #tpu.memory_space<vmem>>, vector<1x16xf32>,
        %get3A_871 = vector.shape_cast %get3A_870 : vector<1x16xf32> to vector<16xf32>
        %add3A_872 = arith.addf %add3A_848, %get3A_871 : vector<16xf32>
        %get3A_873 = arith.index_cast %add3A_867 : i32 to index
        %get3A_874 = arith.constant 16 : index
        %get3A_875 = tpu.vector_load %arg19[%get3A_873, %get3A_874] {strides = array<i32>} : memref<104x64xf32, #tpu.memory_space<vmem>>, vector<1x16xf32>,
        %get3A_876 = vector.shape_cast %get3A_875 : vector<1x16xf32> to vector<16xf32>
        %add3A_877 = arith.addf %add3A_853, %get3A_876 : vector<16xf32>
        %get3A_878 = arith.index_cast %add3A_867 : i32 to index
        %get3A_879 = arith.constant 32 : index
        %get3A_880 = tpu.vector_load %arg19[%get3A_878, %get3A_879] {strides = array<i32>} : memref<104x64xf32, #tpu.memory_space<vmem>>, vector<1x16xf32>,
        %get3A_881 = vector.shape_cast %get3A_880 : vector<1x16xf32> to vector<16xf32>
        %add3A_882 = arith.addf %add3A_858, %get3A_881 : vector<16xf32>
        %get3A_883 = arith.index_cast %add3A_867 : i32 to index
        %get3A_884 = arith.constant 48 : index
        %get3A_885 = tpu.vector_load %arg19[%get3A_883, %get3A_884] {strides = array<i32>} : memref<104x64xf32, #tpu.memory_space<vmem>>, vector<1x16xf32>,
        %get3A_886 = vector.shape_cast %get3A_885 : vector<1x16xf32> to vector<16xf32>
        %add3A_887 = arith.addf %add3A_863, %get3A_886 : vector<16xf32>
        %mul3A_888 = arith.constant 4 : i32
        %mul3A_889 = arith.muli %scan3A_835, %mul3A_888 : i32
        %add3A_890 = arith.constant 2 : i32
        %add3A_891 = arith.addi %mul3A_889, %add3A_890 : i32
        %get3A_892 = arith.index_cast %add3A_891 : i32 to index
        %get3A_893 = arith.constant 0 : index
        %get3A_894 = tpu.vector_load %arg19[%get3A_892, %get3A_893] {strides = array<i32>} : memref<104x64xf32, #tpu.memory_space<vmem>>, vector<1x16xf32>,
        %get3A_895 = vector.shape_cast %get3A_894 : vector<1x16xf32> to vector<16xf32>
        %add3A_896 = arith.addf %add3A_872, %get3A_895 : vector<16xf32>
        %get3A_897 = arith.index_cast %add3A_891 : i32 to index
        %get3A_898 = arith.constant 16 : index
        %get3A_899 = tpu.vector_load %arg19[%get3A_897, %get3A_898] {strides = array<i32>} : memref<104x64xf32, #tpu.memory_space<vmem>>, vector<1x16xf32>,
        %get3A_900 = vector.shape_cast %get3A_899 : vector<1x16xf32> to vector<16xf32>
        %add3A_901 = arith.addf %add3A_877, %get3A_900 : vector<16xf32>
        %get3A_902 = arith.index_cast %add3A_891 : i32 to index
        %get3A_903 = arith.constant 32 : index
        %get3A_904 = tpu.vector_load %arg19[%get3A_902, %get3A_903] {strides = array<i32>} : memref<104x64xf32, #tpu.memory_space<vmem>>, vector<1x16xf32>,
        %get3A_905 = vector.shape_cast %get3A_904 : vector<1x16xf32> to vector<16xf32>
        %add3A_906 = arith.addf %add3A_882, %get3A_905 : vector<16xf32>
        %get3A_907 = arith.index_cast %add3A_891 : i32 to index
        %get3A_908 = arith.constant 48 : index
        %get3A_909 = tpu.vector_load %arg19[%get3A_907, %get3A_908] {strides = array<i32>} : memref<104x64xf32, #tpu.memory_space<vmem>>, vector<1x16xf32>,
        %get3A_910 = vector.shape_cast %get3A_909 : vector<1x16xf32> to vector<16xf32>
        %add3A_911 = arith.addf %add3A_887, %get3A_910 : vector<16xf32>
        %mul3A_912 = arith.constant 4 : i32
        %mul3A_913 = arith.muli %scan3A_835, %mul3A_912 : i32
        %add3A_914 = arith.constant 3 : i32
        %add3A_915 = arith.addi %mul3A_913, %add3A_914 : i32
        %get3A_916 = arith.index_cast %add3A_915 : i32 to index
        %get3A_917 = arith.constant 0 : index
        %get3A_918 = tpu.vector_load %arg19[%get3A_916, %get3A_917] {strides = array<i32>} : memref<104x64xf32, #tpu.memory_space<vmem>>, vector<1x16xf32>,
        %get3A_919 = vector.shape_cast %get3A_918 : vector<1x16xf32> to vector<16xf32>
        %add3A_920 = arith.addf %add3A_896, %get3A_919 : vector<16xf32>
        %get3A_921 = arith.index_cast %add3A_915 : i32 to index
        %get3A_922 = arith.constant 16 : index
        %get3A_923 = tpu.vector_load %arg19[%get3A_921, %get3A_922] {strides = array<i32>} : memref<104x64xf32, #tpu.memory_space<vmem>>, vector<1x16xf32>,
        %get3A_924 = vector.shape_cast %get3A_923 : vector<1x16xf32> to vector<16xf32>
        %add3A_925 = arith.addf %add3A_901, %get3A_924 : vector<16xf32>
        %get3A_926 = arith.index_cast %add3A_915 : i32 to index
        %get3A_927 = arith.constant 32 : index
        %get3A_928 = tpu.vector_load %arg19[%get3A_926, %get3A_927] {strides = array<i32>} : memref<104x64xf32, #tpu.memory_space<vmem>>, vector<1x16xf32>,
        %get3A_929 = vector.shape_cast %get3A_928 : vector<1x16xf32> to vector<16xf32>
        %add3A_930 = arith.addf %add3A_906, %get3A_929 : vector<16xf32>
        %get3A_931 = arith.index_cast %add3A_915 : i32 to index
        %get3A_932 = arith.constant 48 : index
        %get3A_933 = tpu.vector_load %arg19[%get3A_931, %get3A_932] {strides = array<i32>} : memref<104x64xf32, #tpu.memory_space<vmem>>, vector<1x16xf32>,
        %get3A_934 = vector.shape_cast %get3A_933 : vector<1x16xf32> to vector<16xf32>
        %add3A_935 = arith.addf %add3A_911, %get3A_934 : vector<16xf32>
        scf.yield %add3A_920, %add3A_925, %add3A_930, %add3A_935 : vector<16xf32>, vector<16xf32>, vector<16xf32>, vector<16xf32>
      }
      %scan3A_682 = arith.constant 26 : i32
      %add3A_683 = arith.constant 6 : i32
      %add3A_684 = arith.addi %mul3A_168, %add3A_683 : i32
      %jit3A_685 = arith.constant 2 : i32
      %div3A_686 = arith.divsi %add3A_684, %jit3A_685 : i32
      %sign3A_687 = arith.constant 0 : i32
      %sign3A_688 = arith.cmpi sgt, %add3A_684, %sign3A_687 : i32
      %sign3A_689 = arith.extui %sign3A_688 : i1 to i32
      %sign3A_690 = arith.constant 0 : i32
      %sign3A_691 = arith.cmpi slt, %add3A_684, %sign3A_690 : i32
      %sign3A_692 = arith.extui %sign3A_691 : i1 to i32
      %sign3A_693 = arith.subi %sign3A_689, %sign3A_692 : i32
      %sign3A_694 = arith.constant 0 : i32
      %sign3A_695 = arith.cmpi sgt, %jit3A_685, %sign3A_694 : i32
      %sign3A_696 = arith.extui %sign3A_695 : i1 to i32
      %sign3A_697 = arith.constant 0 : i32
      %sign3A_698 = arith.cmpi slt, %jit3A_685, %sign3A_697 : i32
      %sign3A_699 = arith.extui %sign3A_698 : i1 to i32
      %sign3A_700 = arith.subi %sign3A_696, %sign3A_699 : i32
      %ne3A_701 = arith.cmpi ne, %sign3A_693, %sign3A_700 : i32
      %rem3A_702 = arith.remsi %add3A_684, %jit3A_685 : i32
      %ne3A_703 = arith.constant 0 : i32
      %ne3A_704 = arith.cmpi ne, %rem3A_702, %ne3A_703 : i32
      %and3A_705 = arith.andi %ne3A_701, %ne3A_704 : i1
      %sub3A_706 = arith.constant 1 : i32
      %sub3A_707 = arith.subi %div3A_686, %sub3A_706 : i32
      %select_n3A_708 = arith.select %and3A_705, %sub3A_707, %div3A_686 : i32
      %swap3A_709 = arith.index_cast %select_n3A_708 : i32 to index
      %swap3A_710 = arith.constant 0 : index
      %swap3A_711 = tpu.vector_load %arg21[%swap3A_709, %swap3A_710] {strides = array<i32>} : memref<128x128xf32, #tpu.memory_space<vmem>>, vector<1x16xf32>,
      %swap3A_712 = vector.shape_cast %swap3A_711 : vector<1x16xf32> to vector<16xf32>
      %swap3A_713 = vector.shape_cast %scan3A_681#0 : vector<16xf32> to vector<1x16xf32>
      tpu.vector_store %arg21[%swap3A_709, %swap3A_710], %swap3A_713 {strides = array<i32>} : memref<128x128xf32, #tpu.memory_space<vmem>>, vector<1x16xf32>,
      %swap3A_714 = arith.index_cast %select_n3A_708 : i32 to index
      %swap3A_715 = arith.constant 16 : index
      %swap3A_716 = tpu.vector_load %arg21[%swap3A_714, %swap3A_715] {strides = array<i32>} : memref<128x128xf32, #tpu.memory_space<vmem>>, vector<1x16xf32>,
      %swap3A_717 = vector.shape_cast %swap3A_716 : vector<1x16xf32> to vector<16xf32>
      %swap3A_718 = vector.shape_cast %scan3A_681#1 : vector<16xf32> to vector<1x16xf32>
      tpu.vector_store %arg21[%swap3A_714, %swap3A_715], %swap3A_718 {strides = array<i32>} : memref<128x128xf32, #tpu.memory_space<vmem>>, vector<1x16xf32>,
      %swap3A_719 = arith.index_cast %select_n3A_708 : i32 to index
      %swap3A_720 = arith.constant 32 : index
      %swap3A_721 = tpu.vector_load %arg21[%swap3A_719, %swap3A_720] {strides = array<i32>} : memref<128x128xf32, #tpu.memory_space<vmem>>, vector<1x16xf32>,
      %swap3A_722 = vector.shape_cast %swap3A_721 : vector<1x16xf32> to vector<16xf32>
      %swap3A_723 = vector.shape_cast %scan3A_681#2 : vector<16xf32> to vector<1x16xf32>
      tpu.vector_store %arg21[%swap3A_719, %swap3A_720], %swap3A_723 {strides = array<i32>} : memref<128x128xf32, #tpu.memory_space<vmem>>, vector<1x16xf32>,
      %swap3A_724 = arith.index_cast %select_n3A_708 : i32 to index
      %swap3A_725 = arith.constant 48 : index
      %swap3A_726 = tpu.vector_load %arg21[%swap3A_724, %swap3A_725] {strides = array<i32>} : memref<128x128xf32, #tpu.memory_space<vmem>>, vector<1x16xf32>,
      %swap3A_727 = vector.shape_cast %swap3A_726 : vector<1x16xf32> to vector<16xf32>
      %swap3A_728 = vector.shape_cast %scan3A_681#3 : vector<16xf32> to vector<1x16xf32>
      tpu.vector_store %arg21[%swap3A_724, %swap3A_725], %swap3A_728 {strides = array<i32>} : memref<128x128xf32, #tpu.memory_space<vmem>>, vector<1x16xf32>,
      %lt3A_729 = arith.constant 31 : i32
      %lt3A_730 = arith.cmpi slt, %scan3A_166, %lt3A_729 : i32
      %convert_element_type3A_731 = arith.extui %lt3A_730 : i1 to i32
      %cond3A_732 = arith.constant 0 : i32
      %cond3A_733 = arith.cmpi ne, %convert_element_type3A_731, %cond3A_732 : i32
      scf.if %cond3A_733 {
        %dma_wait3A_835 = arith.constant 0 : i32
        %dma_wait3A_836 = arith.constant 0 : i32
        %dma_wait3A_837 = tpu.memref_slice %arg2[%dma_wait3A_835, %dma_wait3A_836] : memref<4096x200xi32, #tpu.memory_space<hbm>> -> memref<1x104xi32, #tpu.memory_space<hbm>>
        %dma_wait3A_838 = tpu.memref_squeeze %dma_wait3A_837 : memref<1x104xi32, #tpu.memory_space<hbm>> -> memref<104xi32, #tpu.memory_space<hbm>>
        %dma_wait3A_839 = arith.constant 0 : i32
        %dma_wait3A_840 = tpu.memref_slice %arg2[%dma_wait3A_835, %dma_wait3A_839] : memref<4096x200xi32, #tpu.memory_space<hbm>> -> memref<1x104xi32, #tpu.memory_space<hbm>>
        %dma_wait3A_841 = tpu.memref_squeeze %dma_wait3A_840 : memref<1x104xi32, #tpu.memory_space<hbm>> -> memref<104xi32, #tpu.memory_space<hbm>>
        tpu.wait_dma2 semaphore(%arg36 : memref<!tpu.dma_semaphore, #tpu.memory_space<semaphore_mem>>) src(%dma_wait3A_841 : memref<104xi32, #tpu.memory_space<hbm>>) dst(%arg11 : memref<104xi32, #tpu.memory_space<vmem>>)
        %dma_start3A_842 = arith.constant 0 : i32
        %dma_start3A_843 = arith.constant 0 : i32
        %dma_start3A_844 = tpu.memref_slice %arg3[%dma_start3A_842, %dma_start3A_843] : memref<100000x64xf32, #tpu.memory_space<hbm>> -> memref<100000x64xf32, #tpu.memory_space<hbm>>
        tpu.enqueue_indirect_dma source(%dma_start3A_844 : memref<100000x64xf32, #tpu.memory_space<hbm>>) target(%arg19 : memref<104x64xf32, #tpu.memory_space<vmem>>) offsets(%arg11 : memref<104xi32, #tpu.memory_space<vmem>>) semaphore(%arg28 : memref<!tpu.dma_semaphore, #tpu.memory_space<semaphore_mem>>)
      } else {
      }
      %add3A_734 = arith.constant 7 : i32
      %add3A_735 = arith.addi %mul3A_168, %add3A_734 : i32
      %dma_wait3A_736 = arith.constant 0 : i32
      %dma_wait3A_737 = arith.constant 0 : i32
      %dma_wait3A_738 = tpu.memref_slice %arg3[%dma_wait3A_736, %dma_wait3A_737] : memref<100000x64xf32, #tpu.memory_space<hbm>> -> memref<100000x64xf32, #tpu.memory_space<hbm>>
      tpu.wait_indirect_dma semaphore(%arg29 : memref<!tpu.dma_semaphore, #tpu.memory_space<semaphore_mem>>) src(%dma_wait3A_738 : memref<100000x64xf32, #tpu.memory_space<hbm>>) dst(%arg20 : memref<96x64xf32, #tpu.memory_space<vmem>>)
      %lt3A_739 = arith.constant 31 : i32
      %lt3A_740 = arith.cmpi slt, %scan3A_166, %lt3A_739 : i32
      %convert_element_type3A_741 = arith.extui %lt3A_740 : i1 to i32
      %cond3A_742 = arith.constant 0 : i32
      %cond3A_743 = arith.cmpi ne, %convert_element_type3A_741, %cond3A_742 : i32
      scf.if %cond3A_743 {
        %add3A_835 = arith.constant 8 : i32
        %add3A_836 = arith.addi %add3A_735, %add3A_835 : i32
        %mul3A_837 = arith.constant 128 : i32
        %mul3A_838 = arith.muli %add3A, %mul3A_837 : i32
        %jit3A_839 = arith.constant 2 : i32
        %div3A_840 = arith.divsi %add3A_836, %jit3A_839 : i32
        %sign3A_841 = arith.constant 0 : i32
        %sign3A_842 = arith.cmpi sgt, %add3A_836, %sign3A_841 : i32
        %sign3A_843 = arith.extui %sign3A_842 : i1 to i32
        %sign3A_844 = arith.constant 0 : i32
        %sign3A_845 = arith.cmpi slt, %add3A_836, %sign3A_844 : i32
        %sign3A_846 = arith.extui %sign3A_845 : i1 to i32
        %sign3A_847 = arith.subi %sign3A_843, %sign3A_846 : i32
        %sign3A_848 = arith.constant 0 : i32
        %sign3A_849 = arith.cmpi sgt, %jit3A_839, %sign3A_848 : i32
        %sign3A_850 = arith.extui %sign3A_849 : i1 to i32
        %sign3A_851 = arith.constant 0 : i32
        %sign3A_852 = arith.cmpi slt, %jit3A_839, %sign3A_851 : i32
        %sign3A_853 = arith.extui %sign3A_852 : i1 to i32
        %sign3A_854 = arith.subi %sign3A_850, %sign3A_853 : i32
        %ne3A_855 = arith.cmpi ne, %sign3A_847, %sign3A_854 : i32
        %rem3A_856 = arith.remsi %add3A_836, %jit3A_839 : i32
        %ne3A_857 = arith.constant 0 : i32
        %ne3A_858 = arith.cmpi ne, %rem3A_856, %ne3A_857 : i32
        %and3A_859 = arith.andi %ne3A_855, %ne3A_858 : i1
        %sub3A_860 = arith.constant 1 : i32
        %sub3A_861 = arith.subi %div3A_840, %sub3A_860 : i32
        %select_n3A_862 = arith.select %and3A_859, %sub3A_861, %div3A_840 : i32
        %add3A_863 = arith.addi %mul3A_838, %select_n3A_862 : i32
        %dma_start3A_864 = arith.constant 104 : i32
        %dma_start3A_865 = tpu.memref_slice %arg2[%add3A_863, %dma_start3A_864] : memref<4096x200xi32, #tpu.memory_space<hbm>> -> memref<1x96xi32, #tpu.memory_space<hbm>>
        %dma_start3A_866 = tpu.memref_squeeze %dma_start3A_865 : memref<1x96xi32, #tpu.memory_space<hbm>> -> memref<96xi32, #tpu.memory_space<hbm>>
        %dma_start3A_867 = arith.constant 104 : i32
        %dma_start3A_868 = tpu.memref_slice %arg2[%add3A_863, %dma_start3A_867] : memref<4096x200xi32, #tpu.memory_space<hbm>> -> memref<1x96xi32, #tpu.memory_space<hbm>>
        %dma_start3A_869 = tpu.memref_squeeze %dma_start3A_868 : memref<1x96xi32, #tpu.memory_space<hbm>> -> memref<96xi32, #tpu.memory_space<hbm>>
        tpu.enqueue_dma source(%dma_start3A_869 : memref<96xi32, #tpu.memory_space<hbm>>) target(%arg12 : memref<96xi32, #tpu.memory_space<vmem>>) target_semaphore(%arg37 : memref<!tpu.dma_semaphore, #tpu.memory_space<semaphore_mem>>)
      } else {
      }
      %broadcast_in_dim3A_744 = arith.constant 0.000000e+00 : f32
      %broadcast_in_dim3A_745 = vector.broadcast %broadcast_in_dim3A_744 : f32 to vector<16xf32>
      %scan3A_746 = arith.constant 0 : i32
      %scan3A_747 = arith.constant 24 : i32
      %scan3A_748 = arith.addi %scan3A_746, %scan3A_747 : i32
      %scan3A_749 = arith.constant 1 : i32
      %scan3A_750:4 = scf.for %scan3A_835 = %scan3A_746 to %scan3A_748 step %scan3A_749 iter_args(%scan3A_836 = %broadcast_in_dim3A_745, %scan3A_837 = %broadcast_in_dim3A_745, %scan3A_838 = %broadcast_in_dim3A_745, %scan3A_839 = %broadcast_in_dim3A_745) -> (vector<16xf32>, vector<16xf32>, vector<16xf32>, vector<16xf32>)  : i32 {
        %mul3A_840 = arith.constant 4 : i32
        %mul3A_841 = arith.muli %scan3A_835, %mul3A_840 : i32
        %add3A_842 = arith.constant 0 : i32
        %add3A_843 = arith.addi %mul3A_841, %add3A_842 : i32
        %get3A_844 = arith.index_cast %add3A_843 : i32 to index
        %get3A_845 = arith.constant 0 : index
        %get3A_846 = tpu.vector_load %arg20[%get3A_844, %get3A_845] {strides = array<i32>} : memref<96x64xf32, #tpu.memory_space<vmem>>, vector<1x16xf32>,
        %get3A_847 = vector.shape_cast %get3A_846 : vector<1x16xf32> to vector<16xf32>
        %add3A_848 = arith.addf %scan3A_836, %get3A_847 : vector<16xf32>
        %get3A_849 = arith.index_cast %add3A_843 : i32 to index
        %get3A_850 = arith.constant 16 : index
        %get3A_851 = tpu.vector_load %arg20[%get3A_849, %get3A_850] {strides = array<i32>} : memref<96x64xf32, #tpu.memory_space<vmem>>, vector<1x16xf32>,
        %get3A_852 = vector.shape_cast %get3A_851 : vector<1x16xf32> to vector<16xf32>
        %add3A_853 = arith.addf %scan3A_837, %get3A_852 : vector<16xf32>
        %get3A_854 = arith.index_cast %add3A_843 : i32 to index
        %get3A_855 = arith.constant 32 : index
        %get3A_856 = tpu.vector_load %arg20[%get3A_854, %get3A_855] {strides = array<i32>} : memref<96x64xf32, #tpu.memory_space<vmem>>, vector<1x16xf32>,
        %get3A_857 = vector.shape_cast %get3A_856 : vector<1x16xf32> to vector<16xf32>
        %add3A_858 = arith.addf %scan3A_838, %get3A_857 : vector<16xf32>
        %get3A_859 = arith.index_cast %add3A_843 : i32 to index
        %get3A_860 = arith.constant 48 : index
        %get3A_861 = tpu.vector_load %arg20[%get3A_859, %get3A_860] {strides = array<i32>} : memref<96x64xf32, #tpu.memory_space<vmem>>, vector<1x16xf32>,
        %get3A_862 = vector.shape_cast %get3A_861 : vector<1x16xf32> to vector<16xf32>
        %add3A_863 = arith.addf %scan3A_839, %get3A_862 : vector<16xf32>
        %mul3A_864 = arith.constant 4 : i32
        %mul3A_865 = arith.muli %scan3A_835, %mul3A_864 : i32
        %add3A_866 = arith.constant 1 : i32
        %add3A_867 = arith.addi %mul3A_865, %add3A_866 : i32
        %get3A_868 = arith.index_cast %add3A_867 : i32 to index
        %get3A_869 = arith.constant 0 : index
        %get3A_870 = tpu.vector_load %arg20[%get3A_868, %get3A_869] {strides = array<i32>} : memref<96x64xf32, #tpu.memory_space<vmem>>, vector<1x16xf32>,
        %get3A_871 = vector.shape_cast %get3A_870 : vector<1x16xf32> to vector<16xf32>
        %add3A_872 = arith.addf %add3A_848, %get3A_871 : vector<16xf32>
        %get3A_873 = arith.index_cast %add3A_867 : i32 to index
        %get3A_874 = arith.constant 16 : index
        %get3A_875 = tpu.vector_load %arg20[%get3A_873, %get3A_874] {strides = array<i32>} : memref<96x64xf32, #tpu.memory_space<vmem>>, vector<1x16xf32>,
        %get3A_876 = vector.shape_cast %get3A_875 : vector<1x16xf32> to vector<16xf32>
        %add3A_877 = arith.addf %add3A_853, %get3A_876 : vector<16xf32>
        %get3A_878 = arith.index_cast %add3A_867 : i32 to index
        %get3A_879 = arith.constant 32 : index
        %get3A_880 = tpu.vector_load %arg20[%get3A_878, %get3A_879] {strides = array<i32>} : memref<96x64xf32, #tpu.memory_space<vmem>>, vector<1x16xf32>,
        %get3A_881 = vector.shape_cast %get3A_880 : vector<1x16xf32> to vector<16xf32>
        %add3A_882 = arith.addf %add3A_858, %get3A_881 : vector<16xf32>
        %get3A_883 = arith.index_cast %add3A_867 : i32 to index
        %get3A_884 = arith.constant 48 : index
        %get3A_885 = tpu.vector_load %arg20[%get3A_883, %get3A_884] {strides = array<i32>} : memref<96x64xf32, #tpu.memory_space<vmem>>, vector<1x16xf32>,
        %get3A_886 = vector.shape_cast %get3A_885 : vector<1x16xf32> to vector<16xf32>
        %add3A_887 = arith.addf %add3A_863, %get3A_886 : vector<16xf32>
        %mul3A_888 = arith.constant 4 : i32
        %mul3A_889 = arith.muli %scan3A_835, %mul3A_888 : i32
        %add3A_890 = arith.constant 2 : i32
        %add3A_891 = arith.addi %mul3A_889, %add3A_890 : i32
        %get3A_892 = arith.index_cast %add3A_891 : i32 to index
        %get3A_893 = arith.constant 0 : index
        %get3A_894 = tpu.vector_load %arg20[%get3A_892, %get3A_893] {strides = array<i32>} : memref<96x64xf32, #tpu.memory_space<vmem>>, vector<1x16xf32>,
        %get3A_895 = vector.shape_cast %get3A_894 : vector<1x16xf32> to vector<16xf32>
        %add3A_896 = arith.addf %add3A_872, %get3A_895 : vector<16xf32>
        %get3A_897 = arith.index_cast %add3A_891 : i32 to index
        %get3A_898 = arith.constant 16 : index
        %get3A_899 = tpu.vector_load %arg20[%get3A_897, %get3A_898] {strides = array<i32>} : memref<96x64xf32, #tpu.memory_space<vmem>>, vector<1x16xf32>,
        %get3A_900 = vector.shape_cast %get3A_899 : vector<1x16xf32> to vector<16xf32>
        %add3A_901 = arith.addf %add3A_877, %get3A_900 : vector<16xf32>
        %get3A_902 = arith.index_cast %add3A_891 : i32 to index
        %get3A_903 = arith.constant 32 : index
        %get3A_904 = tpu.vector_load %arg20[%get3A_902, %get3A_903] {strides = array<i32>} : memref<96x64xf32, #tpu.memory_space<vmem>>, vector<1x16xf32>,
        %get3A_905 = vector.shape_cast %get3A_904 : vector<1x16xf32> to vector<16xf32>
        %add3A_906 = arith.addf %add3A_882, %get3A_905 : vector<16xf32>
        %get3A_907 = arith.index_cast %add3A_891 : i32 to index
        %get3A_908 = arith.constant 48 : index
        %get3A_909 = tpu.vector_load %arg20[%get3A_907, %get3A_908] {strides = array<i32>} : memref<96x64xf32, #tpu.memory_space<vmem>>, vector<1x16xf32>,
        %get3A_910 = vector.shape_cast %get3A_909 : vector<1x16xf32> to vector<16xf32>
        %add3A_911 = arith.addf %add3A_887, %get3A_910 : vector<16xf32>
        %mul3A_912 = arith.constant 4 : i32
        %mul3A_913 = arith.muli %scan3A_835, %mul3A_912 : i32
        %add3A_914 = arith.constant 3 : i32
        %add3A_915 = arith.addi %mul3A_913, %add3A_914 : i32
        %get3A_916 = arith.index_cast %add3A_915 : i32 to index
        %get3A_917 = arith.constant 0 : index
        %get3A_918 = tpu.vector_load %arg20[%get3A_916, %get3A_917] {strides = array<i32>} : memref<96x64xf32, #tpu.memory_space<vmem>>, vector<1x16xf32>,
        %get3A_919 = vector.shape_cast %get3A_918 : vector<1x16xf32> to vector<16xf32>
        %add3A_920 = arith.addf %add3A_896, %get3A_919 : vector<16xf32>
        %get3A_921 = arith.index_cast %add3A_915 : i32 to index
        %get3A_922 = arith.constant 16 : index
        %get3A_923 = tpu.vector_load %arg20[%get3A_921, %get3A_922] {strides = array<i32>} : memref<96x64xf32, #tpu.memory_space<vmem>>, vector<1x16xf32>,
        %get3A_924 = vector.shape_cast %get3A_923 : vector<1x16xf32> to vector<16xf32>
        %add3A_925 = arith.addf %add3A_901, %get3A_924 : vector<16xf32>
        %get3A_926 = arith.index_cast %add3A_915 : i32 to index
        %get3A_927 = arith.constant 32 : index
        %get3A_928 = tpu.vector_load %arg20[%get3A_926, %get3A_927] {strides = array<i32>} : memref<96x64xf32, #tpu.memory_space<vmem>>, vector<1x16xf32>,
        %get3A_929 = vector.shape_cast %get3A_928 : vector<1x16xf32> to vector<16xf32>
        %add3A_930 = arith.addf %add3A_906, %get3A_929 : vector<16xf32>
        %get3A_931 = arith.index_cast %add3A_915 : i32 to index
        %get3A_932 = arith.constant 48 : index
        %get3A_933 = tpu.vector_load %arg20[%get3A_931, %get3A_932] {strides = array<i32>} : memref<96x64xf32, #tpu.memory_space<vmem>>, vector<1x16xf32>,
        %get3A_934 = vector.shape_cast %get3A_933 : vector<1x16xf32> to vector<16xf32>
        %add3A_935 = arith.addf %add3A_911, %get3A_934 : vector<16xf32>
        scf.yield %add3A_920, %add3A_925, %add3A_930, %add3A_935 : vector<16xf32>, vector<16xf32>, vector<16xf32>, vector<16xf32>
      }
      %scan3A_751 = arith.constant 24 : i32
      %add3A_752 = arith.constant 7 : i32
      %add3A_753 = arith.addi %mul3A_168, %add3A_752 : i32
      %jit3A_754 = arith.constant 2 : i32
      %div3A_755 = arith.divsi %add3A_753, %jit3A_754 : i32
      %sign3A_756 = arith.constant 0 : i32
      %sign3A_757 = arith.cmpi sgt, %add3A_753, %sign3A_756 : i32
      %sign3A_758 = arith.extui %sign3A_757 : i1 to i32
      %sign3A_759 = arith.constant 0 : i32
      %sign3A_760 = arith.cmpi slt, %add3A_753, %sign3A_759 : i32
      %sign3A_761 = arith.extui %sign3A_760 : i1 to i32
      %sign3A_762 = arith.subi %sign3A_758, %sign3A_761 : i32
      %sign3A_763 = arith.constant 0 : i32
      %sign3A_764 = arith.cmpi sgt, %jit3A_754, %sign3A_763 : i32
      %sign3A_765 = arith.extui %sign3A_764 : i1 to i32
      %sign3A_766 = arith.constant 0 : i32
      %sign3A_767 = arith.cmpi slt, %jit3A_754, %sign3A_766 : i32
      %sign3A_768 = arith.extui %sign3A_767 : i1 to i32
      %sign3A_769 = arith.subi %sign3A_765, %sign3A_768 : i32
      %ne3A_770 = arith.cmpi ne, %sign3A_762, %sign3A_769 : i32
      %rem3A_771 = arith.remsi %add3A_753, %jit3A_754 : i32
      %ne3A_772 = arith.constant 0 : i32
      %ne3A_773 = arith.cmpi ne, %rem3A_771, %ne3A_772 : i32
      %and3A_774 = arith.andi %ne3A_770, %ne3A_773 : i1
      %sub3A_775 = arith.constant 1 : i32
      %sub3A_776 = arith.subi %div3A_755, %sub3A_775 : i32
      %select_n3A_777 = arith.select %and3A_774, %sub3A_776, %div3A_755 : i32
      %get3A_778 = arith.index_cast %select_n3A_777 : i32 to index
      %get3A_779 = arith.constant 0 : index
      %get3A_780 = tpu.vector_load %arg21[%get3A_778, %get3A_779] {strides = array<i32>} : memref<128x128xf32, #tpu.memory_space<vmem>>, vector<1x16xf32>,
      %get3A_781 = vector.shape_cast %get3A_780 : vector<1x16xf32> to vector<16xf32>
      %add3A_782 = arith.addf %get3A_781, %scan3A_750#0 : vector<16xf32>
      %mul3A_783 = arith.constant 5.000000e-03 : f32
      %mul3A_784 = vector.broadcast %mul3A_783 : f32 to vector<16xf32>
      %mul3A_785 = arith.mulf %add3A_782, %mul3A_784 : vector<16xf32>
      %swap3A_786 = arith.index_cast %select_n3A_777 : i32 to index
      %swap3A_787 = arith.constant 0 : index
      %swap3A_788 = tpu.vector_load %arg21[%swap3A_786, %swap3A_787] {strides = array<i32>} : memref<128x128xf32, #tpu.memory_space<vmem>>, vector<1x16xf32>,
      %swap3A_789 = vector.shape_cast %swap3A_788 : vector<1x16xf32> to vector<16xf32>
      %swap3A_790 = vector.shape_cast %mul3A_785 : vector<16xf32> to vector<1x16xf32>
      tpu.vector_store %arg21[%swap3A_786, %swap3A_787], %swap3A_790 {strides = array<i32>} : memref<128x128xf32, #tpu.memory_space<vmem>>, vector<1x16xf32>,
      %get3A_791 = arith.index_cast %select_n3A_777 : i32 to index
      %get3A_792 = arith.constant 16 : index
      %get3A_793 = tpu.vector_load %arg21[%get3A_791, %get3A_792] {strides = array<i32>} : memref<128x128xf32, #tpu.memory_space<vmem>>, vector<1x16xf32>,
      %get3A_794 = vector.shape_cast %get3A_793 : vector<1x16xf32> to vector<16xf32>
      %add3A_795 = arith.addf %get3A_794, %scan3A_750#1 : vector<16xf32>
      %mul3A_796 = arith.constant 5.000000e-03 : f32
      %mul3A_797 = vector.broadcast %mul3A_796 : f32 to vector<16xf32>
      %mul3A_798 = arith.mulf %add3A_795, %mul3A_797 : vector<16xf32>
      %swap3A_799 = arith.index_cast %select_n3A_777 : i32 to index
      %swap3A_800 = arith.constant 16 : index
      %swap3A_801 = tpu.vector_load %arg21[%swap3A_799, %swap3A_800] {strides = array<i32>} : memref<128x128xf32, #tpu.memory_space<vmem>>, vector<1x16xf32>,
      %swap3A_802 = vector.shape_cast %swap3A_801 : vector<1x16xf32> to vector<16xf32>
      %swap3A_803 = vector.shape_cast %mul3A_798 : vector<16xf32> to vector<1x16xf32>
      tpu.vector_store %arg21[%swap3A_799, %swap3A_800], %swap3A_803 {strides = array<i32>} : memref<128x128xf32, #tpu.memory_space<vmem>>, vector<1x16xf32>,
      %get3A_804 = arith.index_cast %select_n3A_777 : i32 to index
      %get3A_805 = arith.constant 32 : index
      %get3A_806 = tpu.vector_load %arg21[%get3A_804, %get3A_805] {strides = array<i32>} : memref<128x128xf32, #tpu.memory_space<vmem>>, vector<1x16xf32>,
      %get3A_807 = vector.shape_cast %get3A_806 : vector<1x16xf32> to vector<16xf32>
      %add3A_808 = arith.addf %get3A_807, %scan3A_750#2 : vector<16xf32>
      %mul3A_809 = arith.constant 5.000000e-03 : f32
      %mul3A_810 = vector.broadcast %mul3A_809 : f32 to vector<16xf32>
      %mul3A_811 = arith.mulf %add3A_808, %mul3A_810 : vector<16xf32>
      %swap3A_812 = arith.index_cast %select_n3A_777 : i32 to index
      %swap3A_813 = arith.constant 32 : index
      %swap3A_814 = tpu.vector_load %arg21[%swap3A_812, %swap3A_813] {strides = array<i32>} : memref<128x128xf32, #tpu.memory_space<vmem>>, vector<1x16xf32>,
      %swap3A_815 = vector.shape_cast %swap3A_814 : vector<1x16xf32> to vector<16xf32>
      %swap3A_816 = vector.shape_cast %mul3A_811 : vector<16xf32> to vector<1x16xf32>
      tpu.vector_store %arg21[%swap3A_812, %swap3A_813], %swap3A_816 {strides = array<i32>} : memref<128x128xf32, #tpu.memory_space<vmem>>, vector<1x16xf32>,
      %get3A_817 = arith.index_cast %select_n3A_777 : i32 to index
      %get3A_818 = arith.constant 48 : index
      %get3A_819 = tpu.vector_load %arg21[%get3A_817, %get3A_818] {strides = array<i32>} : memref<128x128xf32, #tpu.memory_space<vmem>>, vector<1x16xf32>,
      %get3A_820 = vector.shape_cast %get3A_819 : vector<1x16xf32> to vector<16xf32>
      %add3A_821 = arith.addf %get3A_820, %scan3A_750#3 : vector<16xf32>
      %mul3A_822 = arith.constant 5.000000e-03 : f32
      %mul3A_823 = vector.broadcast %mul3A_822 : f32 to vector<16xf32>
      %mul3A_824 = arith.mulf %add3A_821, %mul3A_823 : vector<16xf32>
      %swap3A_825 = arith.index_cast %select_n3A_777 : i32 to index
      %swap3A_826 = arith.constant 48 : index
      %swap3A_827 = tpu.vector_load %arg21[%swap3A_825, %swap3A_826] {strides = array<i32>} : memref<128x128xf32, #tpu.memory_space<vmem>>, vector<1x16xf32>,
      %swap3A_828 = vector.shape_cast %swap3A_827 : vector<1x16xf32> to vector<16xf32>
      %swap3A_829 = vector.shape_cast %mul3A_824 : vector<16xf32> to vector<1x16xf32>
      tpu.vector_store %arg21[%swap3A_825, %swap3A_826], %swap3A_829 {strides = array<i32>} : memref<128x128xf32, #tpu.memory_space<vmem>>, vector<1x16xf32>,
      %lt3A_830 = arith.constant 31 : i32
      %lt3A_831 = arith.cmpi slt, %scan3A_166, %lt3A_830 : i32
      %convert_element_type3A_832 = arith.extui %lt3A_831 : i1 to i32
      %cond3A_833 = arith.constant 0 : i32
      %cond3A_834 = arith.cmpi ne, %convert_element_type3A_832, %cond3A_833 : i32
      scf.if %cond3A_834 {
        %dma_wait3A_835 = arith.constant 0 : i32
        %dma_wait3A_836 = arith.constant 0 : i32
        %dma_wait3A_837 = tpu.memref_slice %arg2[%dma_wait3A_835, %dma_wait3A_836] : memref<4096x200xi32, #tpu.memory_space<hbm>> -> memref<1x96xi32, #tpu.memory_space<hbm>>
        %dma_wait3A_838 = tpu.memref_squeeze %dma_wait3A_837 : memref<1x96xi32, #tpu.memory_space<hbm>> -> memref<96xi32, #tpu.memory_space<hbm>>
        %dma_wait3A_839 = arith.constant 0 : i32
        %dma_wait3A_840 = tpu.memref_slice %arg2[%dma_wait3A_835, %dma_wait3A_839] : memref<4096x200xi32, #tpu.memory_space<hbm>> -> memref<1x96xi32, #tpu.memory_space<hbm>>
        %dma_wait3A_841 = tpu.memref_squeeze %dma_wait3A_840 : memref<1x96xi32, #tpu.memory_space<hbm>> -> memref<96xi32, #tpu.memory_space<hbm>>
        tpu.wait_dma2 semaphore(%arg37 : memref<!tpu.dma_semaphore, #tpu.memory_space<semaphore_mem>>) src(%dma_wait3A_841 : memref<96xi32, #tpu.memory_space<hbm>>) dst(%arg12 : memref<96xi32, #tpu.memory_space<vmem>>)
        %dma_start3A_842 = arith.constant 0 : i32
        %dma_start3A_843 = arith.constant 0 : i32
        %dma_start3A_844 = tpu.memref_slice %arg3[%dma_start3A_842, %dma_start3A_843] : memref<100000x64xf32, #tpu.memory_space<hbm>> -> memref<100000x64xf32, #tpu.memory_space<hbm>>
        tpu.enqueue_indirect_dma source(%dma_start3A_844 : memref<100000x64xf32, #tpu.memory_space<hbm>>) target(%arg20 : memref<96x64xf32, #tpu.memory_space<vmem>>) offsets(%arg12 : memref<96xi32, #tpu.memory_space<vmem>>) semaphore(%arg29 : memref<!tpu.dma_semaphore, #tpu.memory_space<semaphore_mem>>)
      } else {
      }
    }
    %scan3A_163 = arith.constant 32 : i32
    %mul3A_164 = arith.constant 128 : i32
    %mul3A_165 = arith.muli %add3A, %mul3A_164 : i32
    "tpu.region"() ({
      %run_scoped3A = tpu.sem_alloc : memref<!tpu.dma_semaphore, #tpu.memory_space<semaphore_mem>>
      %dma_start3A_166 = arith.constant 0 : i32
      %dma_start3A_167 = tpu.memref_slice %arg4[%mul3A_165, %dma_start3A_166] : memref<4096x128xf32, #tpu.memory_space<hbm>> -> memref<128x128xf32, #tpu.memory_space<hbm>>
      %dma_start3A_168 = arith.constant 0 : i32
      %dma_start3A_169 = tpu.memref_slice %arg4[%mul3A_165, %dma_start3A_168] : memref<4096x128xf32, #tpu.memory_space<hbm>> -> memref<128x128xf32, #tpu.memory_space<hbm>>
      tpu.enqueue_dma source(%arg21 : memref<128x128xf32, #tpu.memory_space<vmem>>) target(%dma_start3A_169 : memref<128x128xf32, #tpu.memory_space<hbm>>) target_semaphore(%run_scoped3A : memref<!tpu.dma_semaphore, #tpu.memory_space<semaphore_mem>>)
      %dma_wait3A_170 = arith.constant 0 : i32
      %dma_wait3A_171 = tpu.memref_slice %arg4[%mul3A_165, %dma_wait3A_170] : memref<4096x128xf32, #tpu.memory_space<hbm>> -> memref<128x128xf32, #tpu.memory_space<hbm>>
      %dma_wait3A_172 = arith.constant 0 : i32
      %dma_wait3A_173 = tpu.memref_slice %arg4[%mul3A_165, %dma_wait3A_172] : memref<4096x128xf32, #tpu.memory_space<hbm>> -> memref<128x128xf32, #tpu.memory_space<hbm>>
      tpu.wait_dma2 semaphore(%run_scoped3A : memref<!tpu.dma_semaphore, #tpu.memory_space<semaphore_mem>>) src(%arg21 : memref<128x128xf32, #tpu.memory_space<vmem>>) dst(%dma_wait3A_173 : memref<128x128xf32, #tpu.memory_space<hbm>>)
      tpu.yield
    }) : () -> ()
    return
  }
}

module attributes {stable_mosaic.version = 14 : i64} {
  func.func @_mm_body(%arg0: i32, %arg1: memref<512x128xf32, #tpu.memory_space<vmem>>, %arg2: memref<64x128xf32, #tpu.memory_space<vmem>>, %arg3: memref<128xf32, #tpu.memory_space<vmem>>, %arg4: memref<512x128xf32, #tpu.memory_space<vmem>>) attributes {dimension_semantics = [#tpu.dimension_semantics<arbitrary>], iteration_bounds = array<i64: 8>, scalar_prefetch = 0 : i64, scratch_operands = 0 : i64, tpu.core_type = #tpu.core_type<tc>, window_params = [{transform_indices = @transform_0, window_bounds = array<i64: 512, 128>}, {pipeline_mode = #tpu.pipeline_mode<synchronous>, transform_indices = @transform_1, window_bounds = array<i64: 64, 128>}, {pipeline_mode = #tpu.pipeline_mode<synchronous>, transform_indices = @transform_2, window_bounds = array<i64: 128>}, {transform_indices = @transform_3, window_bounds = array<i64: 512, 128>}]} {
    %get3A = arith.constant 0 : index
    %get3A_0 = arith.constant 0 : index
    %get3A_1 = vector.load %arg1[%get3A, %get3A_0] : memref<512x128xf32, #tpu.memory_space<vmem>>, vector<512x64xf32>
    %get3A_2 = arith.constant 0 : index
    %get3A_3 = arith.constant 0 : index
    %get3A_4 = vector.load %arg2[%get3A_2, %get3A_3] : memref<64x128xf32, #tpu.memory_space<vmem>>, vector<64x128xf32>
    %dot_general3A = arith.constant dense<0.000000e+00> : vector<512x128xf32>
    %dot_general3A_5 = tpu.matmul %get3A_1, %get3A_4, %dot_general3A {dimension_numbers = #tpu.dot_dimension_numbers<[1], [0], [0], [1], [0, 0, 1, 1], [], []>, transpose_lhs_hint = false} : vector<512x64xf32>, vector<64x128xf32>, vector<512x128xf32> -> vector<512x128xf32>
    %get3A_6 = arith.constant 0 : index
    %get3A_7 = vector.load %arg3[%get3A_6] : memref<128xf32, #tpu.memory_space<vmem>>, vector<128xf32>
    %broadcast_in_dim3A = vector.shape_cast %get3A_7 : vector<128xf32> to vector<1x128xf32>
    %add3A = vector.broadcast %broadcast_in_dim3A : vector<1x128xf32> to vector<512x128xf32>
    %add3A_8 = arith.addf %dot_general3A_5, %add3A : vector<512x128xf32>
    %swap3A = arith.constant 0 : index
    %swap3A_9 = arith.constant 0 : index
    %swap3A_10 = vector.load %arg4[%swap3A, %swap3A_9] : memref<512x128xf32, #tpu.memory_space<vmem>>, vector<512x128xf32>
    tpu.vector_store %arg4[%swap3A, %swap3A_9], %add3A_8 {strides = array<i32>} : memref<512x128xf32, #tpu.memory_space<vmem>>, vector<512x128xf32>,
    return
  }
  func.func @transform_0(%arg0: i32) -> (i32, i32) {
    %c0_i32 = arith.constant 0 : i32
    %c0_i32_0 = arith.constant 0 : i32
    return %arg0, %c0_i32 : i32, i32
  }
  func.func @transform_1(%arg0: i32) -> (i32, i32) {
    %c0_i32 = arith.constant 0 : i32
    %c0_i32_0 = arith.constant 0 : i32
    %c0_i32_1 = arith.constant 0 : i32
    return %c0_i32, %c0_i32_0 : i32, i32
  }
  func.func @transform_2(%arg0: i32) -> i32 {
    %c0_i32 = arith.constant 0 : i32
    %c0_i32_0 = arith.constant 0 : i32
    return %c0_i32 : i32
  }
  func.func @transform_3(%arg0: i32) -> (i32, i32) {
    %c0_i32 = arith.constant 0 : i32
    %c0_i32_0 = arith.constant 0 : i32
    return %arg0, %c0_i32 : i32, i32
  }
}

</mosaic_0001>

<sc_bundles>
// kernel: kernel.4.cloned.1.call-start
scs
__scs_entry_jumppad:
0x0: {  	(pc) =	sbr.rel $0x88, $3  }
0x1: {  	(tag) =	ssettag $0x0;
	lr =	simm.s32 $0x1  }
0x2: {  	[smem:$0x3F9D] =	sst lr;
	_ =	strace $0xD0000000  }
0x3: {  	_ = 	snop  }
0x4: {  	_ = 	snop  }
0x5: {  	_ = 	snop  }
0x6: {  	_ = 	snop  }
0x7: {  	_ = 	snop  }
__scs_overlays_trampoline_lowered:
0x8: {  	[smem:$0x3FAC] =	sst s0  }
0x9: {  	[smem:$0x3FAD] =	sst s1  }
0xa: {  	[smem:$0x3FAE] =	sst s2  }
0xb: {  	[smem:$0x3FAF] =	sst s3  }
0xc: {  	[smem:$0x3FB0] =	sst s4  }
0xd: {  	[smem:$0x3FB1] =	sst s5  }
0xe: {  	[smem:$0x3FB2] =	sst s6  }
0xf: {  	[smem:$0x3FB3] =	sst s7  }
0x10: {  	[smem:$0x3FB4] =	sst s8  }
0x11: {  	[smem:$0x3FB5] =	sst s9;
	s0 =	simm.s32 @!p0 $0x0  }
0x12: {  	s1 =	sld [smem:$0x3F9B];
	s0 =	simm.s32 @p0 $0x1  }
0x13: {  	[smem:$0x3FB6] =	sst s0;
	s0 =	simm.s32 @!p1 $0x0  }
0x14: {  	s2 =	sld [smem:$0x3F9A];
	s0 =	simm.s32 @p1 $0x1  }
0x15: {  	[smem:$0x3FB7] =	sst s0;
	s0 =	simm.s32 @!p2 $0x0  }
0x16: {  	s3 =	sld [smem:$0x3FDB];
	s0 =	simm.s32 @p2 $0x1  }
0x17: {  	s4 =	simm.s32 $0x1BF5;
	[smem:$0x3FB9] =	sst s0  }
0x18: {  	s0 =	sld [smem:$0x3F9C];
	_ =	swait.ge [sflag:s4], $0x0  }
0x19: {  	s7 =	sld [smem:$0x3F9D]  }
0x1a: {  	s8 =	sadd.s32 $0xFFFFE003, lr  }
0x1b: {  	s9 =	sadd.s32 $0xFFFFFEF7, lr;
	s5 =	simm.s32 $0xFFFFFFFF;
	p2 =	slt.u32 s8, $0xFFFFF086  }
0x1c: {  	p1 =	slt.u32 s9, $0xF7A;
	s5 =	simm.s32 @!p2 $0x0  }
0x1d: {  	s5 =	simm.s32 @p1 $0x1;
	p0 =	seq.s32 s7, s2  }
0x1e: {  	s7 =	smul.u32 @!p0 $0xF7A, s2;
	p2 =	seq.s32 @!p0 s5, $0x0  }
0x1f: {  	s9 =	smul.u32 $0xF7A, s1;
	s8 =	simm.s32 @!p0 $0x1BF5;
	p2 =	por !p2, p0  }
0x20: {  	[sflag:s8] =	ssyncset.s32 @!p0 $0xFFFFF086;
	s6 =	sadd.s32 @!p0 s3, s7;
	s7 =	simm.s32 @!p0 $0x108  }
0x21: {  	s3 =	sadd.s32 s3, s9;
	s6 =	sadd.s32 @!p0 $0x88, s6;
	s7 =	simm.s32 @p2 $0x1082  }
0x22: {  	[simem:s7], [sflag:s8] =	dma.local @!p0 [hbm:s6], $0xF7A  }
0x23: {  	s9 =	sor.u32 $0xD0000000, s2;
	s6 =	simm.s32 $0x108;
	_ =	swait.ge @!p0 [sflag:s8], $0x0  }
0x24: {  	s3 =	sadd.s32 $0x88, s3;
	s6 =	simm.s32 @!p1 $0x1082;
	[sflag:s4] =	ssyncset.s32 $0xFFFFF086  }
0x25: {  	[simem:s6], [sflag:s4] =	dma.local [hbm:s3], $0xF7A  }
0x26: {  	[smem:$0x3F9D] =	sst s1;
	(tag) =	ssettag s2;
	_ =	strace s9  }
0x27: {  	s1 =	sld [smem:$0x3FAD]  }
0x28: {  	s2 =	sld [smem:$0x3FAE]  }
0x29: {  	s4 =	sld [smem:$0x3FB0]  }
0x2a: {  	p0 =	seq.s32 s5, $0x0;
	s5 =	sld [smem:$0x3FB1]  }
0x2b: {  	s6 =	sld [smem:$0x3FB2]  }
0x2c: {  	s7 =	sld [smem:$0x3FB3]  }
0x2d: {  	s3 =	simm.s32 $0x108;
	s8 =	sld [smem:$0x3FB4]  }
0x2e: {  	s3 =	simm.s32 @!p0 $0x1082;
	s9 =	sld [smem:$0x3FB5]  }
0x2f: {  	lr =	sadd.s32 s0, s3;
	s0 =	sld [smem:$0x3FAC]  }
0x30: {  	s3 =	sld [smem:$0x3FAF]  }
0x31: {  	[smem:$0x3FB8] =	sst s10  }
0x32: {  	s10 =	sld [smem:$0x3FB6];
	_ =	sdelay $0x3  }
0x33: {  	p0 =	seq.s32 s10, $0x1;
	s10 =	sld [smem:$0x3FB8];
	_ =	sdelay $0x3  }
0x34: {  	[smem:$0x3FB8] =	sst s10  }
0x35: {  	s10 =	sld [smem:$0x3FB7];
	_ =	sdelay $0x3  }
0x36: {  	p1 =	seq.s32 s10, $0x1;
	s10 =	sld [smem:$0x3FB8];
	_ =	sdelay $0x3  }
0x37: {  	[smem:$0x3FB8] =	sst s10  }
0x38: {  	s10 =	sld [smem:$0x3FB9]  }
0x39: {  	_ = 	snop;
	(pc) =	sbr.ind lr, $3  }
0x3a: {  	_ = 	snop  }
0x3b: {  	_ = 	snop  }
0x3c: {  	p2 =	seq.s32 s10, $0x1;
	s10 =	sld [smem:$0x3FB8]  }
0x3d: {  	_ =	shalt  }
0x3e: {  	_ =	shalt  }
0x3f: {  	_ =	shalt  }
0x40: {  	_ =	shalt  }
0x41: {  	_ =	shalt  }
0x42: {  	_ =	shalt  }
0x43: {  	_ =	shalt  }
0x44: {  	_ =	shalt  }
0x45: {  	_ =	shalt  }
0x46: {  	_ =	shalt  }
0x47: {  	_ =	shalt  }
0x48: {  	_ =	shalt  }
0x49: {  	_ =	shalt  }
0x4a: {  	_ =	shalt  }
0x4b: {  	_ =	shalt  }
0x4c: {  	_ =	shalt  }
0x4d: {  	_ =	shalt  }
0x4e: {  	_ =	shalt  }
0x4f: {  	_ =	shalt  }
0x50: {  	_ =	shalt  }
0x51: {  	_ =	shalt  }
0x52: {  	_ =	shalt  }
0x53: {  	_ =	shalt  }
0x54: {  	_ =	shalt  }
0x55: {  	_ =	shalt  }
0x56: {  	_ =	shalt  }
0x57: {  	_ =	shalt  }
0x58: {  	_ =	shalt  }
0x59: {  	_ =	shalt  }
0x5a: {  	_ =	shalt  }
0x5b: {  	_ =	shalt  }
0x5c: {  	_ =	shalt  }
0x5d: {  	_ =	shalt  }
0x5e: {  	_ =	shalt  }
0x5f: {  	_ =	shalt  }
0x60: {  	_ =	shalt  }
0x61: {  	_ =	shalt  }
0x62: {  	_ =	shalt  }
0x63: {  	_ =	shalt  }
0x64: {  	_ =	shalt  }
0x65: {  	_ =	shalt  }
0x66: {  	_ =	shalt  }
0x67: {  	_ =	shalt  }
0x68: {  	_ =	shalt  }
0x69: {  	_ =	shalt  }
0x6a: {  	_ =	shalt  }
0x6b: {  	_ =	shalt  }
0x6c: {  	_ =	shalt  }
0x6d: {  	_ =	shalt  }
0x6e: {  	_ =	shalt  }
0x6f: {  	_ =	shalt  }
0x70: {  	_ =	shalt  }
0x71: {  	_ =	shalt  }
0x72: {  	_ =	shalt  }
0x73: {  	_ =	shalt  }
0x74: {  	_ =	shalt  }
0x75: {  	_ =	shalt  }
0x76: {  	_ =	shalt  }
0x77: {  	_ =	shalt  }
0x78: {  	_ =	shalt  }
0x79: {  	_ =	shalt  }
0x7a: {  	_ =	shalt  }
0x7b: {  	_ =	shalt  }
0x7c: {  	_ =	shalt  }
0x7d: {  	_ =	shalt  }
0x7e: {  	_ =	shalt  }
0x7f: {  	_ =	shalt  }
0x80: {  	_ =	shalt  }
0x81: {  	_ =	shalt  }
0x82: {  	_ =	shalt  }
0x83: {  	_ =	shalt  }
0x84: {  	_ =	shalt  }
0x85: {  	_ =	shalt  }
0x86: {  	_ =	shalt  }
0x87: {  	_ =	shalt  }
.Lfunc_end0:
.L_simem_size_0:
called_computation_lowered:
.L_overlay_start_0:
0x88: {  	s2 =	sld [smem:$0x3FD9]  }
0x89: {  	s3 =	sld [smem:$0x3FFE];
	_ =	sdelay $0x1  }
0x8a: {  	s1 =	srdreg.scid  }
0x8b: {  	s0 =	sand.u32 $0x1, s1  }
0x8c: {  	s17 =	sshll.u32 s0, $0xA;
	s2 =	sadd.s32 s3, s2  }
0x8d: {  	s2 =	sadd.s32 s2, s17  }
0x8e: {  	[smem:$0x3FC4] =	sst s2  }
0x8f: {  	_ = 	snop  }
0x90: {  	s2 =	sld [smem:$0x3FD0];
	(tm) =	ssettm $0x1  }
0x91: {  	s18 =	sld [smem:$0x3FFB];
	_ =	sdelay $0x3  }
0x92: {  	_ =	strace s18  }
0x93: {  	s3 =	sld [smem:$0x3FFC];
	_ =	sdelay $0x3  }
0x94: {  	_ =	strace s3  }
0x95: {  	s3 =	sld [smem:$0x3FFD];
	_ =	sdelay $0x3  }
0x96: {  	_ =	strace s3  }
0x97: {  	_ =	strace $0x8FFFFFFF  }
0x98: {  	s19 =	sld [smem:$0x3FDB];
	_ =	sdelay $0x1  }
0x99: {  	s4 =	simm.s32 $_scs_section_size  }
0x9a: {  	s5 =	simm.s32 $_size__tile_overlayer_lowered;
	s6 =	simm.s32 $_tile_overlayer_lowered  }
0x9b: {  	s22 =	simm.s32 $0x1BFF;
	s21 =	sshll.u32 s6, $0x1;
	s3 =	sadd.s32 s4, s19  }
0x9c: {  	s7 =	simm.s32 $0x0;
	s20 =	sshll.u32 s5, $0x1;
	s5 =	sadd.s32 s21, s3  }
0x9d: {  	[timem:s7], [sflag:s22] =	dma.local [hbm:s5], s20  }
0x9e: {  	_ =	swait.ge [sflag:s22], s20  }
0x9f: {  	s4 =	ssub.s32 $0x0, s20;
	[sflag:s22] =	ssyncset.done $0x0  }
0xa0: {  	[sflag:s22] =	ssyncadd.s32 s4;
	_ =	sdelay $0x1  }
0xa1: {  	s23 =	simm.s32 $0x1B8B  }
0xa2: {  	_ =	swait.ge [sflag:s23], $0x1  }
0xa3: {  	[sflag:s23] =	ssyncset.done $0x0  }
0xa4: {  	s25 =	simm.s32 $0x1B8E;
	s24 =	sld [smem:$0x3FFE];
	[sflag:s23] =	ssyncadd.s32 $0xFFFFFFFF  }
0xa5: {  	s26 =	simm.s32 $execute0_lowered;
	[smem:$0x3FD2] =	sst s25  }
0xa6: {  	s5 =	sshll.u32 s26, $0x1;
	_ =	strace $0x80000046;
	[dreg:$0x1] =	wrdreg $0xFFFFFFFF  }
0xa7: {  	s28 =	simm.s32 $_size_execute0_lowered;
	s3 =	sadd.s32 s3, s5;
	[dreg:$0x0] =	wrdreg $0x0  }
0xa8: {  	s5 =	sshll.u32 s28, $0x1;
	[dreg:$0x2] =	wrdreg s3  }
0xa9: {  	[dreg:$0x3] =	wrdreg s5  }
0xaa: {  	[dreg:$0x4] =	wrdreg $0xC0  }
0xab: {  	_ =	task [dreg:s7], $0x5FFFF  }
0xac: {  	[dreg:$0x1] =	wrdreg $0xFFFFFFFF  }
0xad: {  	[dreg:$0x0] =	wrdreg $0x60  }
0xae: {  	[dreg:$0x2] =	wrdreg s24  }
0xaf: {  	[dreg:$0x3] =	wrdreg s2  }
0xb0: {  	[dreg:$0x4] =	wrdreg $0x9  }
0xb1: {  	_ =	task.clear_ibuf [dreg:s7], $0x5FFFF;
	_ =	strace $0x90000046  }
0xb2: {  	s29 =	simm.s32 $0x9;
	_ =	strace $0x80000048  }
0xb3: {  	_ =	swait.ge [sflag:s29], $0x1  }
0xb4: {  	[sflag:s29] =	ssyncadd.s32 $0xFFFFFFFF  }
0xb5: {  	_ =	strace $0x90000048  }
0xb6: {  	_ =	sfence  }
0xb7: {  	s30 =	sld [smem:$0x0];
	_ =	sdelay $0x2  }
0xb8: {  	s31 =	sshll.u32 s1, $0xD;
	s1 =	sshrl.u32 s1, $0x2  }
0xb9: {  	s3 =	sand.u32 $0x4000, s31;
	s1 =	sadd.s32 s1, s30  }
0xba: {  	s0 =	sor.u32 s3, s0;
	s1 =	sshll.u32 s1, $0x11  }
0xbb: {  	s0 =	sor.u32 s1, s0  }
0xbc: {  	s0 =	sadd.s32 $0x8F2B, s0  }
0xbd: {  	[sflag:s0] =	ssyncadd.remote.s32 $0x1  }
0xbe: {  	_ =	sfence.sel $0xFFFF  }
0xbf: {  	[dreg:$0x0] =	wrdreg $0xFFFFFFFF;
	(pc) =	sbr.abs _section_cstart, $3  }
0xc0: {  	[dreg:$0x1] =	wrdreg $0xFFFFFFFF  }
0xc1: {  	_ =	task.clear_ibuf [dreg:s7], $0x2FFFF;
	_ =	strace $0x9FFFFFFF  }
0xc2: {  	(tm) =	ssettm $0x7FFFFFFF  }
0xc3: {  	_ =	shalt  }
tec
execute0_lowered:
.L_overlay_start_1:
0x0: {  	(tag) =	ssettag $0x1  }
0x1: {  	s0 =	srdreg.scid  }
0x2: {  	s1 =	rddreg [dreg:$0x0];
	s2 =	stileid.u32  }
0x3: {  	s7 =	rddreg [dreg:$0x1];
	s16 =	simm.s32 $0x68;
	s29 =	simm.s32 $0xB  }
0x4: {  	s31 =	simm.s32 $0xC;
	s28 =	simm.s32 $0xE;
	s0 =	sand.u32 $0x1, s0  }
0x5: {  	s30 =	simm.s32 $0x10;
	s3 =	sshll.u32 s2, $0x8;
	s4 =	sshll.u32 s0, $0x7  }
0x6: {  	s17 =	simm.s32 $0x1;
	s2 =	simm.s32 $0x0;
	s3 =	sor.u32 s4, s3  }
0x7: {  	s5 =	sadd.s32 $0x187600, s1;
	[smem:$0x7FF] =	sst s2;
	s6 =	smul.u32 $0x19, s3  }
0x8: {  	s0 =	ssub.s32 $0x2, s0;
	_ =	strace $0x80000047;
	s4 =	sadd.s32 $0xC00, s1  }
0x9: {  	s18 =	sshrl.u32 s0, $0x1;
	s1 =	simm.s32 $0xF;
	s6 =	sadd.s32 s4, s6  }
0xa: {  	s0 =	ssub.s32 s0, s18;
	s26 =	sshll.u32 s3, $0x4;
	s19 =	sadd.s32 $0xD, s6  }
0xb: {  	s18 =	simm.s32 $0x11;
	s20 =	sadd.s32 $0x19, s6;
	[dreg:$0x3] =	wrdreg s19  }
0xc: {  	s14 =	sadd.s32 s7, s26;
	s21 =	sadd.s32 $0x26, s6;
	[dreg:$0x4] =	wrdreg s20  }
0xd: {  	s15 =	smax.u32 s0, $0x1;
	s22 =	sadd.s32 $0x32, s6;
	[dreg:$0x5] =	wrdreg s21  }
.Ltmp0:
0xe: {  	s23 =	sadd.s32 $0x3F, s6;
	[dreg:$0x6] =	wrdreg s22;
	(pc) =	sbr.rel .LBB2_1-.Ltmp0, $4  }
0xf: {  	s26 =	simm.s32 $0x60;
	s24 =	sadd.s32 $0x4B, s6;
	[dreg:$0x7] =	wrdreg s23  }
0x10: {  	s0 =	simm.s32 $0xD;
	s25 =	sadd.s32 $0x58, s6;
	[dreg:$0x8] =	wrdreg s24  }
0x11: {  	[dreg:$0x9] =	wrdreg s25;
	s22 =	simm.s32 $0x2C0;
	s23 =	simm.s32 $0x9  }
0x12: {  	s25 =	simm.s32 $0xA;
	s24 =	simm.s32 $0xB320;
	s19 =	simm.s32 $0x0  }
.LBB2_20:
0x13: {  	s19 =	sadd.s32 $0x1, s19  }
0x14: {  	p0 =	sne.s32 s19, s15  }
.Ltmp1:
0x15: {  	s7 =	simm.s32 $0xCB20;
	(pc) =	sbr.rel @!p0 .LBB2_21-.Ltmp1, $4  }
0x16: {  	[hbm4b:s14+s2] =	stream.linear.scatter [tilespmem:s7], [sflag:$0x11], $0x4000, $0x38;
	[tilespmem:$0x10B20] =	vst v63  }
0x17: {  	_ =	swait.ge [sflag:s18], $0x4000  }
0x18: {  	[sflag:s18] =	ssyncset.done $0x0  }
0x19: {  	[sflag:s18] =	ssyncadd.s32 $0xFFFFC000  }
.LBB2_1:
0x1a: {  	[tilespmem:s2], [sflag:$0x9] =	stream.linear.gather [hbm4b:s6+s2], $0x68, $0x38;
	[tilespmem:$0x10B20] =	vst v63  }
0x1b: {  	s7 =	rddreg [dreg:$0x3]  }
0x1c: {  	[tilespmem:s16], [sflag:$0xA] =	stream.linear.gather [hbm4b:s7+s2], $0x60, $0x38;
	[tilespmem:$0x10B20] =	vst v63  }
0x1d: {  	s10 =	rddreg [dreg:$0x4];
	s8 =	simm.s32 $0xC8  }
0x1e: {  	[tilespmem:s8], [sflag:$0xB] =	stream.linear.gather [hbm4b:s10+s2], $0x68, $0x38;
	[tilespmem:$0x10B20] =	vst v63  }
0x1f: {  	s11 =	rddreg [dreg:$0x5];
	s9 =	simm.s32 $0x130  }
0x20: {  	[tilespmem:s9], [sflag:$0xC] =	stream.linear.gather [hbm4b:s11+s2], $0x60, $0x38;
	[tilespmem:$0x10B20] =	vst v63  }
0x21: {  	s12 =	rddreg [dreg:$0x6];
	s10 =	simm.s32 $0x190  }
0x22: {  	[tilespmem:s10], [sflag:$0xD] =	stream.linear.gather [hbm4b:s12+s2], $0x68, $0x38;
	[tilespmem:$0x10B20] =	vst v63  }
0x23: {  	s13 =	rddreg [dreg:$0x7];
	s11 =	simm.s32 $0x1F8  }
0x24: {  	[tilespmem:s11], [sflag:$0xE] =	stream.linear.gather [hbm4b:s13+s2], $0x60, $0x38;
	[tilespmem:$0x10B20] =	vst v63  }
0x25: {  	s20 =	rddreg [dreg:$0x8];
	s12 =	simm.s32 $0x258  }
0x26: {  	[tilespmem:s12], [sflag:$0xF] =	stream.linear.gather [hbm4b:s20+s2], $0x68, $0x38;
	[tilespmem:$0x10B20] =	vst v63  }
0x27: {  	s21 =	rddreg [dreg:$0x9]  }
0x28: {  	[tilespmem:s22], [sflag:$0x10] =	stream.linear.gather [hbm4b:s21+s2], $0x60, $0x38;
	[tilespmem:$0x10B20] =	vst v63  }
0x29: {  	_ =	swait.ge [sflag:s23], $0x68  }
0x2a: {  	[sflag:s23] =	ssyncset.done $0x0  }
0x2b: {  	s13 =	simm.s32 $0x320;
	[sflag:s23] =	ssyncadd.s32 $0xFFFFFF98  }
0x2c: {  	[tilespmem:s13], [sflag:$0x1] =	stream.indirect.gather [hbm4b:s5+s16], $0x40, s2, s16, $0xb8;
	[tilespmem:$0x10B20] =	vst v63  }
0x2d: {  	_ =	swait.ge [sflag:s25], $0x60  }
0x2e: {  	[sflag:s25] =	ssyncset.done $0x0  }
0x2f: {  	s20 =	simm.s32 $0x1D20;
	[sflag:s25] =	ssyncadd.s32 $0xFFFFFFA0  }
0x30: {  	[tilespmem:s20], [sflag:$0x2] =	stream.indirect.gather [hbm4b:s5+s26], $0x40, s16, s26, $0xb8;
	[tilespmem:$0x10B20] =	vst v63  }
0x31: {  	_ =	swait.ge [sflag:s29], $0x68  }
0x32: {  	[sflag:s29] =	ssyncset.done $0x0  }
0x33: {  	s21 =	simm.s32 $0x3520;
	[sflag:s29] =	ssyncadd.s32 $0xFFFFFF98  }
0x34: {  	[tilespmem:s21], [sflag:$0x3] =	stream.indirect.gather [hbm4b:s5+s16], $0x40, s8, s16, $0xb8;
	[tilespmem:$0x10B20] =	vst v63  }
0x35: {  	_ =	swait.ge [sflag:s31], $0x60  }
0x36: {  	[sflag:s31] =	ssyncset.done $0x0  }
0x37: {  	s8 =	simm.s32 $0x4F20;
	[sflag:s31] =	ssyncadd.s32 $0xFFFFFFA0  }
0x38: {  	[tilespmem:s8], [sflag:$0x4] =	stream.indirect.gather [hbm4b:s5+s26], $0x40, s9, s26, $0xb8;
	[tilespmem:$0x10B20] =	vst v63  }
0x39: {  	_ =	swait.ge [sflag:s0], $0x68  }
0x3a: {  	[sflag:s0] =	ssyncset.done $0x0  }
0x3b: {  	s13 =	simm.s32 $0x6720;
	[sflag:s0] =	ssyncadd.s32 $0xFFFFFF98  }
0x3c: {  	[tilespmem:s13], [sflag:$0x5] =	stream.indirect.gather [hbm4b:s5+s16], $0x40, s10, s16, $0xb8;
	[tilespmem:$0x10B20] =	vst v63  }
0x3d: {  	_ =	swait.ge [sflag:s28], $0x60  }
0x3e: {  	[sflag:s28] =	ssyncset.done $0x0  }
0x3f: {  	s20 =	simm.s32 $0x8120;
	[sflag:s28] =	ssyncadd.s32 $0xFFFFFFA0  }
0x40: {  	[tilespmem:s20], [sflag:$0x6] =	stream.indirect.gather [hbm4b:s5+s26], $0x40, s11, s26, $0xb8;
	[tilespmem:$0x10B20] =	vst v63  }
0x41: {  	_ =	swait.ge [sflag:s1], $0x68  }
0x42: {  	[sflag:s1] =	ssyncset.done $0x0  }
0x43: {  	s21 =	simm.s32 $0x9920;
	[sflag:s1] =	ssyncadd.s32 $0xFFFFFF98  }
0x44: {  	[tilespmem:s21], [sflag:$0x7] =	stream.indirect.gather [hbm4b:s5+s16], $0x40, s12, s16, $0xb8;
	[tilespmem:$0x10B20] =	vst v63  }
0x45: {  	_ =	swait.ge [sflag:s30], $0x60  }
0x46: {  	[sflag:s30] =	ssyncset.done $0x0  }
0x47: {  	s20 =	simm.s32 $0x0;
	[sflag:s30] =	ssyncadd.s32 $0xFFFFFFA0  }
0x48: {  	[tilespmem:s24], [sflag:$0x8] =	stream.indirect.gather [hbm4b:s5+s26], $0x40, s22, s26, $0xb8;
	[tilespmem:$0x10B20] =	vst v63  }
.LBB2_2:
0x49: {  	s7 =	sshll.u32 s20, $0x3;
	p0 =	seq.s32 s20, $0x1F  }
0x4a: {  	s8 =	sshrl.u32 @!p0 s7, $0x1  }
0x4b: {  	s9 =	sadd.s32 @!p0 s3, s8  }
0x4c: {  	s8 =	smul.u32 @!p0 $0x19, s9  }
0x4d: {  	_ =	swait.ge [sflag:s17], $0x1A00  }
0x4e: {  	[sflag:s17] =	ssyncset.done $0x0;
	s8 =	sadd.s32 @!p0 s4, s8  }
0x4f: {  	s11 =	simm.s32 @!p0 $0x0;
	[sflag:s17] =	ssyncadd.s32 $0xFFFFE600;
	s10 =	sadd.s32 @!p0 $0x64, s8  }
0x50: {  	[tilespmem:s11], [sflag:$0x9] =	stream.linear.gather @!p0 [hbm4b:s10+s11], $0x68, $0x38;
	[tilespmem:$0x10B20] =	vst v63  }
0x51: {  	s10 =	simm.s32 $0x0  }
0x52: {  	v0 =	vld [tilespmem:s10+$0x3E0]  }
0x53: {  	v1 =	vld [tilespmem:s10+$0x3F0]  }
0x54: {  	v2 =	vld [tilespmem:s10+$0x3A0]  }
0x55: {  	v3 =	vld [tilespmem:s10+$0x3B0]  }
0x56: {  	v4 =	vld [tilespmem:s10+$0x360]  }
0x57: {  	v5 =	vld [tilespmem:s10+$0x370]  }
0x58: {  	v10 =	vld [tilespmem:s10+$0x320]  }
0x59: {  	v6 =	vimm.f32 $0.0e+00;
	v12 =	vld [tilespmem:s10+$0x330]  }
0x5a: {  	v9 =	vimm.f32 $0.0e+00;
	v8 =	vimm.f32 $0.0e+00;
	v7 =	vimm.f32 $0.0e+00;
	s11 =	simm.s32 $0x400;
	v11 =	vld [tilespmem:s10+$0x340]  }
.LBB2_3:
0x5b: {  	p1 =	sne.s32 s11, $0x6400;
	v13 =	vld [tilespmem:s10+$0x350]  }
0x5c: {  	v14 =	vld [tilespmem:s10+$0x380]  }
0x5d: {  	v15 =	vld [tilespmem:s10+$0x390]  }
0x5e: {  	v16 =	vld [tilespmem:s10+$0x3C0]  }
0x5f: {  	v6 =	vadd.f32 v10, v6;
	v9 =	vadd.f32 v12, v9;
	v10 =	vld [tilespmem:s10+$0x3D0]  }
0x60: {  	v8 =	vadd.f32 v11, v8;
	v7 =	vadd.f32 v13, v7;
	v11 =	vld [tilespmem:s10+$0x400]  }
0x61: {  	v4 =	vadd.f32 v4, v6;
	v5 =	vadd.f32 v5, v9;
	v12 =	vld [tilespmem:s10+$0x410];
	s10 =	sshra.s32 s11, $0x2  }
0x62: {  	v6 =	vadd.f32 v14, v8;
	v13 =	vld [tilespmem:s10+$0x3E0];
	v7 =	vadd.f32 v15, v7  }
0x63: {  	v4 =	vadd.f32 v2, v4;
	v5 =	vadd.f32 v3, v5;
	v14 =	vld [tilespmem:s10+$0x3F0]  }
0x64: {  	v8 =	vadd.f32 v16, v6;
	v2 =	vld [tilespmem:s10+$0x3A0];
	v7 =	vadd.f32 v10, v7  }
0x65: {  	v6 =	vadd.f32 v0, v4;
	v9 =	vadd.f32 v1, v5;
	v3 =	vld [tilespmem:s10+$0x3B0]  }
.Ltmp2:
0x66: {  	v8 =	vadd.f32 v11, v8;
	v4 =	vld [tilespmem:s10+$0x360];
	v7 =	vadd.f32 v12, v7;
	(pc) =	sbr.rel @p1 .LBB2_3-.Ltmp2, $4  }
0x67: {  	v5 =	vld [tilespmem:s10+$0x370];
	v0 =	vmov v13  }
0x68: {  	v10 =	vld [tilespmem:s10+$0x320];
	v1 =	vmov v14  }
0x69: {  	v12 =	vld [tilespmem:s10+$0x330]  }
0x6a: {  	s11 =	sadd.s32 $0x400, s11;
	v11 =	vld [tilespmem:s10+$0x340]  }
0x6b: {  	v13 =	vld [tilespmem:s10+$0x350]  }
0x6c: {  	v14 =	vld [tilespmem:s10+$0x380]  }
0x6d: {  	v15 =	vld [tilespmem:s10+$0x390];
	v6 =	vadd.f32 v10, v6  }
0x6e: {  	v10 =	vld [tilespmem:s10+$0x3C0];
	v9 =	vadd.f32 v12, v9  }
0x6f: {  	v12 =	vld [tilespmem:s10+$0x3D0];
	v8 =	vadd.f32 v11, v8;
	v4 =	vadd.f32 v4, v6  }
0x70: {  	v6 =	vadd.f32 v13, v7;
	v7 =	vld [tilespmem:s10+$0x400];
	v5 =	vadd.f32 v5, v9  }
0x71: {  	v9 =	vld [tilespmem:s10+$0x410];
	v8 =	vadd.f32 v14, v8;
	v2 =	vadd.f32 v2, v4  }
0x72: {  	v4 =	vadd.f32 v15, v6;
	v3 =	vadd.f32 v3, v5  }
0x73: {  	s21 =	sshll.u32 s20, $0xB;
	v5 =	vadd.f32 v10, v8;
	v0 =	vadd.f32 v0, v2  }
0x74: {  	s21 =	sshra.s32 s21, $0x2;
	v2 =	vadd.f32 v12, v4;
	v1 =	vadd.f32 v1, v3  }
0x75: {  	v3 =	vadd.f32 v7, v5;
	[tilespmem:s21+$0xCB20] =	vst v0  }
0x76: {  	v0 =	vadd.f32 v9, v2;
	[tilespmem:s21+$0xCB30] =	vst v1  }
0x77: {  	[tilespmem:s21+$0xCB40] =	vst v3  }
0x78: {  	s10 =	simm.s32 @p0 $0x2;
	[tilespmem:s21+$0xCB50] =	vst v0  }
0x79: {  	_ =	swait.ge @p0 [sflag:s10], $0x1800  }
0x7a: {  	[sflag:s10] =	ssyncset.done @p0 $0x0  }
0x7b: {  	[sflag:s10] =	ssyncadd.s32 @p0 $0xFFFFE800;
	s10 =	simm.s32 @!p0 $0x9  }
0x7c: {  	_ =	swait.ge @!p0 [sflag:s10], $0x68  }
0x7d: {  	s11 =	simm.s32 @!p0 $0x0;
	s12 =	simm.s32 @!p0 $0x320;
	[sflag:s10] =	ssyncset.done @!p0 $0x0  }
0x7e: {  	s9 =	smul.u32 @!p0 $0xC8, s9;
	[sflag:s10] =	ssyncadd.s32 @!p0 $0xFFFFFF98;
	s10 =	simm.s32 @!p0 $0x68  }
0x7f: {  	[tilespmem:s12], [sflag:$0x1] =	stream.indirect.gather @!p0 [hbm4b:s5+s10], $0x40, s11, s10, $0xb8;
	[tilespmem:$0x10B20] =	vst v63  }
0x80: {  	s12 =	simm.s32 @!p0 $0x2  }
0x81: {  	s13 =	sadd.s32 @!p0 $0x388, s9;
	_ =	swait.ge @!p0 [sflag:s12], $0x1800  }
0x82: {  	s13 =	sshrl.u32 @!p0 s13, $0x3;
	[sflag:s12] =	ssyncset.done @!p0 $0x0  }
0x83: {  	[sflag:s12] =	ssyncadd.s32 @!p0 $0xFFFFE800;
	s12 =	sadd.s32 @!p0 s4, s13  }
0x84: {  	[tilespmem:s10], [sflag:$0xA] =	stream.linear.gather @!p0 [hbm4b:s12+s11], $0x60, $0x38;
	[tilespmem:$0x10B20] =	vst v63  }
0x85: {  	s10 =	simm.s32 $0x0  }
0x86: {  	v0 =	vld [tilespmem:s10+$0x1DE0]  }
0x87: {  	v1 =	vld [tilespmem:s10+$0x1DF0]  }
0x88: {  	v2 =	vld [tilespmem:s10+$0x1DA0]  }
0x89: {  	v3 =	vld [tilespmem:s10+$0x1DB0]  }
0x8a: {  	v4 =	vld [tilespmem:s10+$0x1D60]  }
0x8b: {  	v5 =	vld [tilespmem:s10+$0x1D70]  }
0x8c: {  	v10 =	vld [tilespmem:s10+$0x1D20]  }
0x8d: {  	v6 =	vimm.f32 $0.0e+00;
	v12 =	vld [tilespmem:s10+$0x1D30]  }
0x8e: {  	v8 =	vimm.f32 $0.0e+00;
	v7 =	vimm.f32 $0.0e+00;
	v9 =	vimm.f32 $0.0e+00;
	s11 =	simm.s32 $0x400;
	v11 =	vld [tilespmem:s10+$0x1D40]  }
.LBB2_5:
0x8f: {  	p1 =	sne.s32 s11, $0x5C00;
	v13 =	vld [tilespmem:s10+$0x1D50]  }
0x90: {  	v14 =	vld [tilespmem:s10+$0x1D80]  }
0x91: {  	v15 =	vld [tilespmem:s10+$0x1D90]  }
0x92: {  	v16 =	vld [tilespmem:s10+$0x1DC0]  }
0x93: {  	v7 =	vadd.f32 v10, v7;
	v9 =	vadd.f32 v12, v9;
	v10 =	vld [tilespmem:s10+$0x1DD0]  }
0x94: {  	v8 =	vadd.f32 v11, v8;
	v6 =	vadd.f32 v13, v6;
	v11 =	vld [tilespmem:s10+$0x1E00]  }
0x95: {  	v4 =	vadd.f32 v4, v7;
	v5 =	vadd.f32 v5, v9;
	v12 =	vld [tilespmem:s10+$0x1E10];
	s10 =	sshra.s32 s11, $0x2  }
0x96: {  	v7 =	vadd.f32 v14, v8;
	v13 =	vld [tilespmem:s10+$0x1DE0];
	v6 =	vadd.f32 v15, v6  }
0x97: {  	v4 =	vadd.f32 v2, v4;
	v5 =	vadd.f32 v3, v5;
	v14 =	vld [tilespmem:s10+$0x1DF0]  }
0x98: {  	v8 =	vadd.f32 v16, v7;
	v2 =	vld [tilespmem:s10+$0x1DA0];
	v6 =	vadd.f32 v10, v6  }
0x99: {  	v7 =	vadd.f32 v0, v4;
	v9 =	vadd.f32 v1, v5;
	v3 =	vld [tilespmem:s10+$0x1DB0]  }
.Ltmp3:
0x9a: {  	v8 =	vadd.f32 v11, v8;
	v4 =	vld [tilespmem:s10+$0x1D60];
	v6 =	vadd.f32 v12, v6;
	(pc) =	sbr.rel @p1 .LBB2_5-.Ltmp3, $4  }
0x9b: {  	v5 =	vld [tilespmem:s10+$0x1D70];
	v0 =	vmov v13  }
0x9c: {  	v10 =	vld [tilespmem:s10+$0x1D20];
	v1 =	vmov v14  }
0x9d: {  	v12 =	vld [tilespmem:s10+$0x1D30]  }
0x9e: {  	s11 =	sadd.s32 $0x400, s11;
	v11 =	vld [tilespmem:s10+$0x1D40]  }
0x9f: {  	v13 =	vld [tilespmem:s10+$0x1D50]  }
0xa0: {  	v14 =	vld [tilespmem:s10+$0x1D80]  }
0xa1: {  	v15 =	vld [tilespmem:s10+$0x1D90]  }
0xa2: {  	v16 =	vld [tilespmem:s10+$0x1DC0]  }
0xa3: {  	v7 =	vadd.f32 v10, v7;
	v10 =	vld [tilespmem:s10+$0x1DD0]  }
0xa4: {  	v9 =	vadd.f32 v12, v9;
	v12 =	vld [tilespmem:s10+$0x1E00]  }
0xa5: {  	v8 =	vadd.f32 v11, v8;
	v4 =	vadd.f32 v4, v7;
	v7 =	vld [tilespmem:s10+$0x1E10]  }
0xa6: {  	v6 =	vadd.f32 v13, v6;
	v5 =	vadd.f32 v5, v9;
	v9 =	vld [tilespmem:s21+$0xCB20]  }
0xa7: {  	v8 =	vadd.f32 v14, v8;
	v2 =	vadd.f32 v2, v4;
	v4 =	vld [tilespmem:s21+$0xCB30]  }
0xa8: {  	v6 =	vadd.f32 v15, v6;
	v3 =	vadd.f32 v3, v5;
	v5 =	vld [tilespmem:s21+$0xCB40]  }
0xa9: {  	v8 =	vadd.f32 v16, v8;
	v0 =	vadd.f32 v0, v2;
	v2 =	vld [tilespmem:s21+$0xCB50]  }
0xaa: {  	v6 =	vadd.f32 v10, v6;
	v1 =	vadd.f32 v1, v3  }
0xab: {  	v3 =	vadd.f32 v12, v8;
	v0 =	vadd.f32 v9, v0  }
0xac: {  	v6 =	vadd.f32 v7, v6;
	v1 =	vadd.f32 v4, v1  }
0xad: {  	v0 =	vmul.f32 $4.999999890e-03, v0;
	v3 =	vadd.f32 v5, v3  }
0xae: {  	v1 =	vmul.f32 $4.999999890e-03, v1;
	v2 =	vadd.f32 v2, v6  }
0xaf: {  	[tilespmem:s21+$0xCB20] =	vst v0;
	v0 =	vmul.f32 $4.999999890e-03, v3  }
0xb0: {  	[tilespmem:s21+$0xCB30] =	vst v1;
	v1 =	vmul.f32 $4.999999890e-03, v2  }
0xb1: {  	[tilespmem:s21+$0xCB40] =	vst v0  }
0xb2: {  	s10 =	simm.s32 @p0 $0x3;
	[tilespmem:s21+$0xCB50] =	vst v1  }
0xb3: {  	_ =	swait.ge @p0 [sflag:s10], $0x1A00  }
0xb4: {  	[sflag:s10] =	ssyncset.done @p0 $0x0  }
0xb5: {  	[sflag:s10] =	ssyncadd.s32 @p0 $0xFFFFE600;
	s10 =	simm.s32 @!p0 $0xA  }
0xb6: {  	_ =	swait.ge @!p0 [sflag:s10], $0x60  }
0xb7: {  	s11 =	simm.s32 @!p0 $0x68;
	[sflag:s10] =	ssyncset.done @!p0 $0x0  }
0xb8: {  	s12 =	simm.s32 @!p0 $0x1D20;
	[sflag:s10] =	ssyncadd.s32 @!p0 $0xFFFFFFA0;
	s10 =	simm.s32 @!p0 $0x60  }
0xb9: {  	[tilespmem:s12], [sflag:$0x2] =	stream.indirect.gather @!p0 [hbm4b:s5+s10], $0x40, s11, s10, $0xb8;
	[tilespmem:$0x10B20] =	vst v63  }
0xba: {  	s10 =	sadd.s32 @!p0 $0xA, s7  }
0xbb: {  	s10 =	sshrl.u32 @!p0 s10, $0x1  }
0xbc: {  	s11 =	simm.s32 @!p0 $0x3;
	s10 =	sadd.s32 @!p0 s3, s10  }
0xbd: {  	_ =	swait.ge @!p0 [sflag:s11], $0x1A00;
	s12 =	smul.u32 @!p0 $0x19, s10  }
0xbe: {  	s13 =	simm.s32 @!p0 $0xC8;
	[sflag:s11] =	ssyncset.done @!p0 $0x0  }
0xbf: {  	[sflag:s11] =	ssyncadd.s32 @!p0 $0xFFFFE600;
	s11 =	sadd.s32 @!p0 s4, s12;
	s12 =	simm.s32 @!p0 $0x0  }
0xc0: {  	[tilespmem:s13], [sflag:$0xB] =	stream.linear.gather @!p0 [hbm4b:s11+s12], $0x68, $0x38;
	[tilespmem:$0x10B20] =	vst v63  }
0xc1: {  	s11 =	simm.s32 $0x0  }
0xc2: {  	v0 =	vld [tilespmem:s11+$0x35E0]  }
0xc3: {  	v1 =	vld [tilespmem:s11+$0x35F0]  }
0xc4: {  	v2 =	vld [tilespmem:s11+$0x35A0]  }
0xc5: {  	v3 =	vld [tilespmem:s11+$0x35B0]  }
0xc6: {  	v4 =	vld [tilespmem:s11+$0x3560]  }
0xc7: {  	v5 =	vld [tilespmem:s11+$0x3570]  }
0xc8: {  	v10 =	vld [tilespmem:s11+$0x3520]  }
0xc9: {  	v9 =	vimm.f32 $0.0e+00;
	v12 =	vld [tilespmem:s11+$0x3530]  }
0xca: {  	v8 =	vimm.f32 $0.0e+00;
	v7 =	vimm.f32 $0.0e+00;
	v6 =	vimm.f32 $0.0e+00;
	s12 =	simm.s32 $0x400;
	v11 =	vld [tilespmem:s11+$0x3540]  }
.LBB2_7:
0xcb: {  	p1 =	sne.s32 s12, $0x6400;
	v13 =	vld [tilespmem:s11+$0x3550]  }
0xcc: {  	v14 =	vld [tilespmem:s11+$0x3580]  }
0xcd: {  	v15 =	vld [tilespmem:s11+$0x3590]  }
0xce: {  	v16 =	vld [tilespmem:s11+$0x35C0]  }
0xcf: {  	v6 =	vadd.f32 v10, v6;
	v9 =	vadd.f32 v12, v9;
	v10 =	vld [tilespmem:s11+$0x35D0]  }
0xd0: {  	v8 =	vadd.f32 v11, v8;
	v7 =	vadd.f32 v13, v7;
	v11 =	vld [tilespmem:s11+$0x3600]  }
0xd1: {  	v4 =	vadd.f32 v4, v6;
	v5 =	vadd.f32 v5, v9;
	v12 =	vld [tilespmem:s11+$0x3610];
	s11 =	sshra.s32 s12, $0x2  }
0xd2: {  	v6 =	vadd.f32 v14, v8;
	v13 =	vld [tilespmem:s11+$0x35E0];
	v7 =	vadd.f32 v15, v7  }
0xd3: {  	v4 =	vadd.f32 v2, v4;
	v5 =	vadd.f32 v3, v5;
	v14 =	vld [tilespmem:s11+$0x35F0]  }
0xd4: {  	v8 =	vadd.f32 v16, v6;
	v2 =	vld [tilespmem:s11+$0x35A0];
	v7 =	vadd.f32 v10, v7  }
0xd5: {  	v6 =	vadd.f32 v0, v4;
	v9 =	vadd.f32 v1, v5;
	v3 =	vld [tilespmem:s11+$0x35B0]  }
.Ltmp4:
0xd6: {  	v8 =	vadd.f32 v11, v8;
	v4 =	vld [tilespmem:s11+$0x3560];
	v7 =	vadd.f32 v12, v7;
	(pc) =	sbr.rel @p1 .LBB2_7-.Ltmp4, $4  }
0xd7: {  	v5 =	vld [tilespmem:s11+$0x3570];
	v0 =	vmov v13  }
0xd8: {  	v10 =	vld [tilespmem:s11+$0x3520];
	v1 =	vmov v14  }
0xd9: {  	v12 =	vld [tilespmem:s11+$0x3530]  }
0xda: {  	s12 =	sadd.s32 $0x400, s12;
	v11 =	vld [tilespmem:s11+$0x3540]  }
0xdb: {  	v13 =	vld [tilespmem:s11+$0x3550]  }
0xdc: {  	v14 =	vld [tilespmem:s11+$0x3580]  }
0xdd: {  	v15 =	vld [tilespmem:s11+$0x3590];
	v6 =	vadd.f32 v10, v6  }
0xde: {  	v10 =	vld [tilespmem:s11+$0x35C0];
	v9 =	vadd.f32 v12, v9  }
0xdf: {  	v12 =	vld [tilespmem:s11+$0x35D0];
	v8 =	vadd.f32 v11, v8;
	v4 =	vadd.f32 v4, v6  }
0xe0: {  	v6 =	vadd.f32 v13, v7;
	v7 =	vld [tilespmem:s11+$0x3600];
	v5 =	vadd.f32 v5, v9  }
0xe1: {  	v9 =	vld [tilespmem:s11+$0x3610];
	v8 =	vadd.f32 v14, v8;
	v2 =	vadd.f32 v2, v4  }
0xe2: {  	v4 =	vadd.f32 v15, v6;
	v3 =	vadd.f32 v3, v5  }
0xe3: {  	v5 =	vadd.f32 v10, v8;
	v0 =	vadd.f32 v0, v2  }
0xe4: {  	v2 =	vadd.f32 v12, v4;
	v1 =	vadd.f32 v1, v3  }
0xe5: {  	v3 =	vadd.f32 v7, v5;
	[tilespmem:s21+$0xCBA0] =	vst v0  }
0xe6: {  	v0 =	vadd.f32 v9, v2;
	[tilespmem:s21+$0xCBB0] =	vst v1  }
0xe7: {  	[tilespmem:s21+$0xCBC0] =	vst v3  }
0xe8: {  	s11 =	simm.s32 @p0 $0x4;
	[tilespmem:s21+$0xCBD0] =	vst v0  }
0xe9: {  	_ =	swait.ge @p0 [sflag:s11], $0x1800  }
0xea: {  	[sflag:s11] =	ssyncset.done @p0 $0x0  }
0xeb: {  	[sflag:s11] =	ssyncadd.s32 @p0 $0xFFFFE800;
	s11 =	simm.s32 @!p0 $0xB  }
0xec: {  	_ =	swait.ge @!p0 [sflag:s11], $0x68  }
0xed: {  	s12 =	simm.s32 @!p0 $0xC8;
	s13 =	simm.s32 @!p0 $0x3520;
	[sflag:s11] =	ssyncset.done @!p0 $0x0  }
0xee: {  	s10 =	smul.u32 @!p0 $0xC8, s10;
	[sflag:s11] =	ssyncadd.s32 @!p0 $0xFFFFFF98;
	s11 =	simm.s32 @!p0 $0x68  }
0xef: {  	[tilespmem:s13], [sflag:$0x3] =	stream.indirect.gather @!p0 [hbm4b:s5+s11], $0x40, s12, s11, $0xb8;
	[tilespmem:$0x10B20] =	vst v63  }
0xf0: {  	s10 =	sadd.s32 @!p0 $0x68, s10;
	s11 =	simm.s32 @!p0 $0x4  }
0xf1: {  	s10 =	sshrl.u32 @!p0 s10, $0x3;
	_ =	swait.ge @!p0 [sflag:s11], $0x1800  }
0xf2: {  	s10 =	sadd.s32 @!p0 s4, s10;
	[sflag:s11] =	ssyncset.done @!p0 $0x0  }
0xf3: {  	s12 =	simm.s32 @!p0 $0x130;
	[sflag:s11] =	ssyncadd.s32 @!p0 $0xFFFFE800;
	s11 =	simm.s32 @!p0 $0x0  }
0xf4: {  	[tilespmem:s12], [sflag:$0xC] =	stream.linear.gather @!p0 [hbm4b:s10+s11], $0x60, $0x38;
	[tilespmem:$0x10B20] =	vst v63  }
0xf5: {  	s10 =	simm.s32 $0x0  }
0xf6: {  	v0 =	vld [tilespmem:s10+$0x4FE0]  }
0xf7: {  	v1 =	vld [tilespmem:s10+$0x4FF0]  }
0xf8: {  	v2 =	vld [tilespmem:s10+$0x4FA0]  }
0xf9: {  	v3 =	vld [tilespmem:s10+$0x4FB0]  }
0xfa: {  	v4 =	vld [tilespmem:s10+$0x4F60]  }
0xfb: {  	v5 =	vld [tilespmem:s10+$0x4F70]  }
0xfc: {  	v10 =	vld [tilespmem:s10+$0x4F20]  }
0xfd: {  	v6 =	vimm.f32 $0.0e+00;
	v12 =	vld [tilespmem:s10+$0x4F30]  }
0xfe: {  	v8 =	vimm.f32 $0.0e+00;
	v7 =	vimm.f32 $0.0e+00;
	v9 =	vimm.f32 $0.0e+00;
	s11 =	simm.s32 $0x400;
	v11 =	vld [tilespmem:s10+$0x4F40]  }
.LBB2_9:
0xff: {  	p1 =	sne.s32 s11, $0x5C00;
	v13 =	vld [tilespmem:s10+$0x4F50]  }
0x100: {  	v14 =	vld [tilespmem:s10+$0x4F80]  }
0x101: {  	v15 =	vld [tilespmem:s10+$0x4F90]  }
0x102: {  	v16 =	vld [tilespmem:s10+$0x4FC0]  }
0x103: {  	v7 =	vadd.f32 v10, v7;
	v9 =	vadd.f32 v12, v9;
	v10 =	vld [tilespmem:s10+$0x4FD0]  }
0x104: {  	v8 =	vadd.f32 v11, v8;
	v6 =	vadd.f32 v13, v6;
	v11 =	vld [tilespmem:s10+$0x5000]  }
0x105: {  	v4 =	vadd.f32 v4, v7;
	v5 =	vadd.f32 v5, v9;
	v12 =	vld [tilespmem:s10+$0x5010];
	s10 =	sshra.s32 s11, $0x2  }
0x106: {  	v7 =	vadd.f32 v14, v8;
	v13 =	vld [tilespmem:s10+$0x4FE0];
	v6 =	vadd.f32 v15, v6  }
0x107: {  	v4 =	vadd.f32 v2, v4;
	v5 =	vadd.f32 v3, v5;
	v14 =	vld [tilespmem:s10+$0x4FF0]  }
0x108: {  	v8 =	vadd.f32 v16, v7;
	v2 =	vld [tilespmem:s10+$0x4FA0];
	v6 =	vadd.f32 v10, v6  }
0x109: {  	v7 =	vadd.f32 v0, v4;
	v9 =	vadd.f32 v1, v5;
	v3 =	vld [tilespmem:s10+$0x4FB0]  }
.Ltmp5:
0x10a: {  	v8 =	vadd.f32 v11, v8;
	v4 =	vld [tilespmem:s10+$0x4F60];
	v6 =	vadd.f32 v12, v6;
	(pc) =	sbr.rel @p1 .LBB2_9-.Ltmp5, $4  }
0x10b: {  	v5 =	vld [tilespmem:s10+$0x4F70];
	v0 =	vmov v13  }
0x10c: {  	v10 =	vld [tilespmem:s10+$0x4F20];
	v1 =	vmov v14  }
0x10d: {  	v12 =	vld [tilespmem:s10+$0x4F30]  }
0x10e: {  	s11 =	sadd.s32 $0x400, s11;
	v11 =	vld [tilespmem:s10+$0x4F40]  }
0x10f: {  	v13 =	vld [tilespmem:s10+$0x4F50]  }
0x110: {  	v14 =	vld [tilespmem:s10+$0x4F80]  }
0x111: {  	v15 =	vld [tilespmem:s10+$0x4F90]  }
0x112: {  	v16 =	vld [tilespmem:s10+$0x4FC0]  }
0x113: {  	v7 =	vadd.f32 v10, v7;
	v10 =	vld [tilespmem:s10+$0x4FD0]  }
0x114: {  	v9 =	vadd.f32 v12, v9;
	v12 =	vld [tilespmem:s10+$0x5000]  }
0x115: {  	v8 =	vadd.f32 v11, v8;
	v4 =	vadd.f32 v4, v7;
	v7 =	vld [tilespmem:s10+$0x5010]  }
0x116: {  	v6 =	vadd.f32 v13, v6;
	v5 =	vadd.f32 v5, v9;
	v9 =	vld [tilespmem:s21+$0xCBA0]  }
0x117: {  	v8 =	vadd.f32 v14, v8;
	v2 =	vadd.f32 v2, v4;
	v4 =	vld [tilespmem:s21+$0xCBB0]  }
0x118: {  	v6 =	vadd.f32 v15, v6;
	v3 =	vadd.f32 v3, v5;
	v5 =	vld [tilespmem:s21+$0xCBC0]  }
0x119: {  	v8 =	vadd.f32 v16, v8;
	v0 =	vadd.f32 v0, v2;
	v2 =	vld [tilespmem:s21+$0xCBD0]  }
0x11a: {  	v6 =	vadd.f32 v10, v6;
	v1 =	vadd.f32 v1, v3  }
0x11b: {  	v3 =	vadd.f32 v12, v8;
	v0 =	vadd.f32 v9, v0  }
0x11c: {  	v6 =	vadd.f32 v7, v6;
	v1 =	vadd.f32 v4, v1  }
0x11d: {  	v0 =	vmul.f32 $4.999999890e-03, v0;
	v3 =	vadd.f32 v5, v3  }
0x11e: {  	v1 =	vmul.f32 $4.999999890e-03, v1;
	v2 =	vadd.f32 v2, v6  }
0x11f: {  	[tilespmem:s21+$0xCBA0] =	vst v0;
	v0 =	vmul.f32 $4.999999890e-03, v3  }
0x120: {  	[tilespmem:s21+$0xCBB0] =	vst v1;
	v1 =	vmul.f32 $4.999999890e-03, v2  }
0x121: {  	[tilespmem:s21+$0xCBC0] =	vst v0  }
0x122: {  	s10 =	simm.s32 @p0 $0x5;
	[tilespmem:s21+$0xCBD0] =	vst v1  }
0x123: {  	_ =	swait.ge @p0 [sflag:s10], $0x1A00  }
0x124: {  	[sflag:s10] =	ssyncset.done @p0 $0x0  }
0x125: {  	[sflag:s10] =	ssyncadd.s32 @p0 $0xFFFFE600;
	s10 =	simm.s32 @!p0 $0xC  }
0x126: {  	_ =	swait.ge @!p0 [sflag:s10], $0x60  }
0x127: {  	s11 =	simm.s32 @!p0 $0x130;
	[sflag:s10] =	ssyncset.done @!p0 $0x0  }
0x128: {  	s12 =	simm.s32 @!p0 $0x4F20;
	[sflag:s10] =	ssyncadd.s32 @!p0 $0xFFFFFFA0;
	s10 =	simm.s32 @!p0 $0x60  }
0x129: {  	[tilespmem:s12], [sflag:$0x4] =	stream.indirect.gather @!p0 [hbm4b:s5+s10], $0x40, s11, s10, $0xb8;
	[tilespmem:$0x10B20] =	vst v63  }
0x12a: {  	s10 =	simm.s32 @!p0 $0x5  }
0x12b: {  	_ =	swait.ge @!p0 [sflag:s10], $0x1A00  }
0x12c: {  	s8 =	sadd.s32 @!p0 $0x96, s8;
	[sflag:s10] =	ssyncset.done @!p0 $0x0  }
0x12d: {  	s11 =	simm.s32 @!p0 $0x190;
	[sflag:s10] =	ssyncadd.s32 @!p0 $0xFFFFE600;
	s10 =	simm.s32 @!p0 $0x0  }
0x12e: {  	[tilespmem:s11], [sflag:$0xD] =	stream.linear.gather @!p0 [hbm4b:s8+s10], $0x68, $0x38;
	[tilespmem:$0x10B20] =	vst v63  }
0x12f: {  	s8 =	simm.s32 $0x0  }
0x130: {  	v0 =	vld [tilespmem:s8+$0x67E0]  }
0x131: {  	v1 =	vld [tilespmem:s8+$0x67F0]  }
0x132: {  	v2 =	vld [tilespmem:s8+$0x67A0]  }
0x133: {  	v3 =	vld [tilespmem:s8+$0x67B0]  }
0x134: {  	v4 =	vld [tilespmem:s8+$0x6760]  }
0x135: {  	v5 =	vld [tilespmem:s8+$0x6770]  }
0x136: {  	v10 =	vld [tilespmem:s8+$0x6720]  }
0x137: {  	v9 =	vimm.f32 $0.0e+00;
	v12 =	vld [tilespmem:s8+$0x6730]  }
0x138: {  	v8 =	vimm.f32 $0.0e+00;
	v7 =	vimm.f32 $0.0e+00;
	v6 =	vimm.f32 $0.0e+00;
	s10 =	simm.s32 $0x400;
	v11 =	vld [tilespmem:s8+$0x6740]  }
.LBB2_11:
0x139: {  	p1 =	sne.s32 s10, $0x6400;
	v13 =	vld [tilespmem:s8+$0x6750]  }
0x13a: {  	v14 =	vld [tilespmem:s8+$0x6780]  }
0x13b: {  	v15 =	vld [tilespmem:s8+$0x6790]  }
0x13c: {  	v16 =	vld [tilespmem:s8+$0x67C0]  }
0x13d: {  	v6 =	vadd.f32 v10, v6;
	v9 =	vadd.f32 v12, v9;
	v10 =	vld [tilespmem:s8+$0x67D0]  }
0x13e: {  	v8 =	vadd.f32 v11, v8;
	v7 =	vadd.f32 v13, v7;
	v11 =	vld [tilespmem:s8+$0x6800]  }
0x13f: {  	v4 =	vadd.f32 v4, v6;
	v5 =	vadd.f32 v5, v9;
	v12 =	vld [tilespmem:s8+$0x6810];
	s8 =	sshra.s32 s10, $0x2  }
0x140: {  	v6 =	vadd.f32 v14, v8;
	v13 =	vld [tilespmem:s8+$0x67E0];
	v7 =	vadd.f32 v15, v7  }
0x141: {  	v4 =	vadd.f32 v2, v4;
	v5 =	vadd.f32 v3, v5;
	v14 =	vld [tilespmem:s8+$0x67F0]  }
0x142: {  	v8 =	vadd.f32 v16, v6;
	v2 =	vld [tilespmem:s8+$0x67A0];
	v7 =	vadd.f32 v10, v7  }
0x143: {  	v6 =	vadd.f32 v0, v4;
	v9 =	vadd.f32 v1, v5;
	v3 =	vld [tilespmem:s8+$0x67B0]  }
.Ltmp6:
0x144: {  	v8 =	vadd.f32 v11, v8;
	v4 =	vld [tilespmem:s8+$0x6760];
	v7 =	vadd.f32 v12, v7;
	(pc) =	sbr.rel @p1 .LBB2_11-.Ltmp6, $4  }
0x145: {  	v5 =	vld [tilespmem:s8+$0x6770];
	v0 =	vmov v13  }
0x146: {  	v10 =	vld [tilespmem:s8+$0x6720];
	v1 =	vmov v14  }
0x147: {  	v12 =	vld [tilespmem:s8+$0x6730]  }
0x148: {  	s10 =	sadd.s32 $0x400, s10;
	v11 =	vld [tilespmem:s8+$0x6740]  }
0x149: {  	v13 =	vld [tilespmem:s8+$0x6750]  }
0x14a: {  	v14 =	vld [tilespmem:s8+$0x6780]  }
0x14b: {  	v15 =	vld [tilespmem:s8+$0x6790];
	v6 =	vadd.f32 v10, v6  }
0x14c: {  	v10 =	vld [tilespmem:s8+$0x67C0];
	v9 =	vadd.f32 v12, v9  }
0x14d: {  	v12 =	vld [tilespmem:s8+$0x67D0];
	v8 =	vadd.f32 v11, v8;
	v4 =	vadd.f32 v4, v6  }
0x14e: {  	v6 =	vadd.f32 v13, v7;
	v7 =	vld [tilespmem:s8+$0x6800];
	v5 =	vadd.f32 v5, v9  }
0x14f: {  	v9 =	vld [tilespmem:s8+$0x6810];
	v8 =	vadd.f32 v14, v8;
	v2 =	vadd.f32 v2, v4  }
0x150: {  	v4 =	vadd.f32 v15, v6;
	v3 =	vadd.f32 v3, v5  }
0x151: {  	v5 =	vadd.f32 v10, v8;
	v0 =	vadd.f32 v0, v2  }
0x152: {  	v2 =	vadd.f32 v12, v4;
	v1 =	vadd.f32 v1, v3  }
0x153: {  	v3 =	vadd.f32 v7, v5;
	[tilespmem:s21+$0xCC20] =	vst v0  }
0x154: {  	v0 =	vadd.f32 v9, v2;
	[tilespmem:s21+$0xCC30] =	vst v1  }
0x155: {  	[tilespmem:s21+$0xCC40] =	vst v3  }
0x156: {  	s8 =	simm.s32 @p0 $0x6;
	[tilespmem:s21+$0xCC50] =	vst v0  }
0x157: {  	_ =	swait.ge @p0 [sflag:s8], $0x1800  }
0x158: {  	[sflag:s8] =	ssyncset.done @p0 $0x0  }
0x159: {  	[sflag:s8] =	ssyncadd.s32 @p0 $0xFFFFE800;
	s8 =	simm.s32 @!p0 $0xD  }
0x15a: {  	_ =	swait.ge @!p0 [sflag:s8], $0x68  }
0x15b: {  	s10 =	simm.s32 @!p0 $0x190;
	[sflag:s8] =	ssyncset.done @!p0 $0x0  }
0x15c: {  	s11 =	simm.s32 @!p0 $0x6720;
	[sflag:s8] =	ssyncadd.s32 @!p0 $0xFFFFFF98;
	s8 =	simm.s32 @!p0 $0x68  }
0x15d: {  	[tilespmem:s11], [sflag:$0x5] =	stream.indirect.gather @!p0 [hbm4b:s5+s8], $0x40, s10, s8, $0xb8;
	[tilespmem:$0x10B20] =	vst v63  }
0x15e: {  	s8 =	simm.s32 @!p0 $0x6  }
0x15f: {  	_ =	swait.ge @!p0 [sflag:s8], $0x1800  }
0x160: {  	s9 =	sadd.s32 @!p0 $0x518, s9;
	[sflag:s8] =	ssyncset.done @!p0 $0x0  }
0x161: {  	[sflag:s8] =	ssyncadd.s32 @!p0 $0xFFFFE800;
	s8 =	sshrl.u32 @!p0 s9, $0x3  }
0x162: {  	s10 =	simm.s32 @!p0 $0x1F8;
	s9 =	simm.s32 @!p0 $0x0;
	s8 =	sadd.s32 @!p0 s4, s8  }
0x163: {  	[tilespmem:s10], [sflag:$0xE] =	stream.linear.gather @!p0 [hbm4b:s8+s9], $0x60, $0x38;
	[tilespmem:$0x10B20] =	vst v63  }
0x164: {  	s8 =	simm.s32 $0x0  }
0x165: {  	v0 =	vld [tilespmem:s8+$0x81E0]  }
0x166: {  	v1 =	vld [tilespmem:s8+$0x81F0]  }
0x167: {  	v2 =	vld [tilespmem:s8+$0x81A0]  }
0x168: {  	v3 =	vld [tilespmem:s8+$0x81B0]  }
0x169: {  	v4 =	vld [tilespmem:s8+$0x8160]  }
0x16a: {  	v5 =	vld [tilespmem:s8+$0x8170]  }
0x16b: {  	v10 =	vld [tilespmem:s8+$0x8120]  }
0x16c: {  	v6 =	vimm.f32 $0.0e+00;
	v12 =	vld [tilespmem:s8+$0x8130]  }
0x16d: {  	v8 =	vimm.f32 $0.0e+00;
	v7 =	vimm.f32 $0.0e+00;
	v9 =	vimm.f32 $0.0e+00;
	s9 =	simm.s32 $0x400;
	v11 =	vld [tilespmem:s8+$0x8140]  }
.LBB2_13:
0x16e: {  	p1 =	sne.s32 s9, $0x5C00;
	v13 =	vld [tilespmem:s8+$0x8150]  }
0x16f: {  	v14 =	vld [tilespmem:s8+$0x8180]  }
0x170: {  	v15 =	vld [tilespmem:s8+$0x8190]  }
0x171: {  	v16 =	vld [tilespmem:s8+$0x81C0]  }
0x172: {  	v7 =	vadd.f32 v10, v7;
	v9 =	vadd.f32 v12, v9;
	v10 =	vld [tilespmem:s8+$0x81D0]  }
0x173: {  	v8 =	vadd.f32 v11, v8;
	v6 =	vadd.f32 v13, v6;
	v11 =	vld [tilespmem:s8+$0x8200]  }
0x174: {  	v4 =	vadd.f32 v4, v7;
	v5 =	vadd.f32 v5, v9;
	v12 =	vld [tilespmem:s8+$0x8210];
	s8 =	sshra.s32 s9, $0x2  }
0x175: {  	v7 =	vadd.f32 v14, v8;
	v13 =	vld [tilespmem:s8+$0x81E0];
	v6 =	vadd.f32 v15, v6  }
0x176: {  	v4 =	vadd.f32 v2, v4;
	v5 =	vadd.f32 v3, v5;
	v14 =	vld [tilespmem:s8+$0x81F0]  }
0x177: {  	v8 =	vadd.f32 v16, v7;
	v2 =	vld [tilespmem:s8+$0x81A0];
	v6 =	vadd.f32 v10, v6  }
0x178: {  	v7 =	vadd.f32 v0, v4;
	v9 =	vadd.f32 v1, v5;
	v3 =	vld [tilespmem:s8+$0x81B0]  }
.Ltmp7:
0x179: {  	v8 =	vadd.f32 v11, v8;
	v4 =	vld [tilespmem:s8+$0x8160];
	v6 =	vadd.f32 v12, v6;
	(pc) =	sbr.rel @p1 .LBB2_13-.Ltmp7, $4  }
0x17a: {  	v5 =	vld [tilespmem:s8+$0x8170];
	v0 =	vmov v13  }
0x17b: {  	v10 =	vld [tilespmem:s8+$0x8120];
	v1 =	vmov v14  }
0x17c: {  	v12 =	vld [tilespmem:s8+$0x8130]  }
0x17d: {  	s9 =	sadd.s32 $0x400, s9;
	v11 =	vld [tilespmem:s8+$0x8140]  }
0x17e: {  	v13 =	vld [tilespmem:s8+$0x8150]  }
0x17f: {  	v14 =	vld [tilespmem:s8+$0x8180]  }
0x180: {  	v15 =	vld [tilespmem:s8+$0x8190]  }
0x181: {  	v16 =	vld [tilespmem:s8+$0x81C0]  }
0x182: {  	v7 =	vadd.f32 v10, v7;
	v10 =	vld [tilespmem:s8+$0x81D0]  }
0x183: {  	v9 =	vadd.f32 v12, v9;
	v12 =	vld [tilespmem:s8+$0x8200]  }
0x184: {  	v8 =	vadd.f32 v11, v8;
	v4 =	vadd.f32 v4, v7;
	v7 =	vld [tilespmem:s8+$0x8210]  }
0x185: {  	v6 =	vadd.f32 v13, v6;
	v5 =	vadd.f32 v5, v9;
	v9 =	vld [tilespmem:s21+$0xCC20]  }
0x186: {  	v8 =	vadd.f32 v14, v8;
	v2 =	vadd.f32 v2, v4;
	v4 =	vld [tilespmem:s21+$0xCC30]  }
0x187: {  	v6 =	vadd.f32 v15, v6;
	v3 =	vadd.f32 v3, v5;
	v5 =	vld [tilespmem:s21+$0xCC40]  }
0x188: {  	v8 =	vadd.f32 v16, v8;
	v0 =	vadd.f32 v0, v2;
	v2 =	vld [tilespmem:s21+$0xCC50]  }
0x189: {  	v6 =	vadd.f32 v10, v6;
	v1 =	vadd.f32 v1, v3  }
0x18a: {  	v3 =	vadd.f32 v12, v8;
	v0 =	vadd.f32 v9, v0  }
0x18b: {  	v6 =	vadd.f32 v7, v6;
	v1 =	vadd.f32 v4, v1  }
0x18c: {  	v0 =	vmul.f32 $4.999999890e-03, v0;
	v3 =	vadd.f32 v5, v3  }
0x18d: {  	v1 =	vmul.f32 $4.999999890e-03, v1;
	v2 =	vadd.f32 v2, v6  }
0x18e: {  	[tilespmem:s21+$0xCC20] =	vst v0;
	v0 =	vmul.f32 $4.999999890e-03, v3  }
0x18f: {  	[tilespmem:s21+$0xCC30] =	vst v1;
	v1 =	vmul.f32 $4.999999890e-03, v2  }
0x190: {  	[tilespmem:s21+$0xCC40] =	vst v0  }
0x191: {  	s8 =	simm.s32 @p0 $0x7;
	[tilespmem:s21+$0xCC50] =	vst v1  }
0x192: {  	_ =	swait.ge @p0 [sflag:s8], $0x1A00  }
0x193: {  	[sflag:s8] =	ssyncset.done @p0 $0x0  }
0x194: {  	[sflag:s8] =	ssyncadd.s32 @p0 $0xFFFFE600;
	s8 =	simm.s32 @!p0 $0xE  }
0x195: {  	s9 =	simm.s32 @!p0 $0x1F8;
	_ =	swait.ge @!p0 [sflag:s8], $0x60  }
0x196: {  	s10 =	simm.s32 @!p0 $0x8120;
	s7 =	sadd.s32 @!p0 $0xE, s7;
	[sflag:s8] =	ssyncset.done @!p0 $0x0  }
0x197: {  	s7 =	sshrl.u32 @!p0 s7, $0x1;
	[sflag:s8] =	ssyncadd.s32 @!p0 $0xFFFFFFA0;
	s8 =	simm.s32 @!p0 $0x60  }
0x198: {  	[tilespmem:s10], [sflag:$0x6] =	stream.indirect.gather @!p0 [hbm4b:s5+s8], $0x40, s9, s8, $0xb8;
	[tilespmem:$0x10B20] =	vst v63  }
0x199: {  	s7 =	sadd.s32 @!p0 s3, s7;
	s8 =	simm.s32 @!p0 $0x7  }
0x19a: {  	s9 =	smul.u32 @!p0 $0x19, s7;
	_ =	swait.ge @!p0 [sflag:s8], $0x1A00  }
0x19b: {  	s10 =	simm.s32 @!p0 $0x258;
	[sflag:s8] =	ssyncset.done @!p0 $0x0  }
0x19c: {  	[sflag:s8] =	ssyncadd.s32 @!p0 $0xFFFFE600;
	s8 =	sadd.s32 @!p0 s4, s9;
	s9 =	simm.s32 @!p0 $0x0  }
0x19d: {  	[tilespmem:s10], [sflag:$0xF] =	stream.linear.gather @!p0 [hbm4b:s8+s9], $0x68, $0x38;
	[tilespmem:$0x10B20] =	vst v63  }
0x19e: {  	s8 =	simm.s32 $0x0  }
0x19f: {  	v0 =	vld [tilespmem:s8+$0x99E0]  }
0x1a0: {  	v1 =	vld [tilespmem:s8+$0x99F0]  }
0x1a1: {  	v2 =	vld [tilespmem:s8+$0x99A0]  }
0x1a2: {  	v3 =	vld [tilespmem:s8+$0x99B0]  }
0x1a3: {  	v4 =	vld [tilespmem:s8+$0x9960]  }
0x1a4: {  	v5 =	vld [tilespmem:s8+$0x9970]  }
0x1a5: {  	v10 =	vld [tilespmem:s8+$0x9920]  }
0x1a6: {  	v9 =	vimm.f32 $0.0e+00;
	v12 =	vld [tilespmem:s8+$0x9930]  }
0x1a7: {  	v8 =	vimm.f32 $0.0e+00;
	v7 =	vimm.f32 $0.0e+00;
	v6 =	vimm.f32 $0.0e+00;
	s9 =	simm.s32 $0x400;
	v11 =	vld [tilespmem:s8+$0x9940]  }
.LBB2_15:
0x1a8: {  	p1 =	sne.s32 s9, $0x6400;
	v13 =	vld [tilespmem:s8+$0x9950]  }
0x1a9: {  	v14 =	vld [tilespmem:s8+$0x9980]  }
0x1aa: {  	v15 =	vld [tilespmem:s8+$0x9990]  }
0x1ab: {  	v16 =	vld [tilespmem:s8+$0x99C0]  }
0x1ac: {  	v6 =	vadd.f32 v10, v6;
	v9 =	vadd.f32 v12, v9;
	v10 =	vld [tilespmem:s8+$0x99D0]  }
0x1ad: {  	v8 =	vadd.f32 v11, v8;
	v7 =	vadd.f32 v13, v7;
	v11 =	vld [tilespmem:s8+$0x9A00]  }
0x1ae: {  	v4 =	vadd.f32 v4, v6;
	v5 =	vadd.f32 v5, v9;
	v12 =	vld [tilespmem:s8+$0x9A10];
	s8 =	sshra.s32 s9, $0x2  }
0x1af: {  	v6 =	vadd.f32 v14, v8;
	v13 =	vld [tilespmem:s8+$0x99E0];
	v7 =	vadd.f32 v15, v7  }
0x1b0: {  	v4 =	vadd.f32 v2, v4;
	v5 =	vadd.f32 v3, v5;
	v14 =	vld [tilespmem:s8+$0x99F0]  }
0x1b1: {  	v8 =	vadd.f32 v16, v6;
	v2 =	vld [tilespmem:s8+$0x99A0];
	v7 =	vadd.f32 v10, v7  }
0x1b2: {  	v6 =	vadd.f32 v0, v4;
	v9 =	vadd.f32 v1, v5;
	v3 =	vld [tilespmem:s8+$0x99B0]  }
.Ltmp8:
0x1b3: {  	v8 =	vadd.f32 v11, v8;
	v4 =	vld [tilespmem:s8+$0x9960];
	v7 =	vadd.f32 v12, v7;
	(pc) =	sbr.rel @p1 .LBB2_15-.Ltmp8, $4  }
0x1b4: {  	v5 =	vld [tilespmem:s8+$0x9970];
	v0 =	vmov v13  }
0x1b5: {  	v10 =	vld [tilespmem:s8+$0x9920];
	v1 =	vmov v14  }
0x1b6: {  	v12 =	vld [tilespmem:s8+$0x9930]  }
0x1b7: {  	s9 =	sadd.s32 $0x400, s9;
	v11 =	vld [tilespmem:s8+$0x9940]  }
0x1b8: {  	v13 =	vld [tilespmem:s8+$0x9950]  }
0x1b9: {  	v14 =	vld [tilespmem:s8+$0x9980]  }
0x1ba: {  	v15 =	vld [tilespmem:s8+$0x9990];
	v6 =	vadd.f32 v10, v6  }
0x1bb: {  	v10 =	vld [tilespmem:s8+$0x99C0];
	v9 =	vadd.f32 v12, v9  }
0x1bc: {  	v12 =	vld [tilespmem:s8+$0x99D0];
	v8 =	vadd.f32 v11, v8;
	v4 =	vadd.f32 v4, v6  }
0x1bd: {  	v6 =	vadd.f32 v13, v7;
	v7 =	vld [tilespmem:s8+$0x9A00];
	v5 =	vadd.f32 v5, v9  }
0x1be: {  	v9 =	vld [tilespmem:s8+$0x9A10];
	v8 =	vadd.f32 v14, v8;
	v2 =	vadd.f32 v2, v4  }
0x1bf: {  	v4 =	vadd.f32 v15, v6;
	v3 =	vadd.f32 v3, v5  }
0x1c0: {  	v5 =	vadd.f32 v10, v8;
	v0 =	vadd.f32 v0, v2  }
0x1c1: {  	v2 =	vadd.f32 v12, v4;
	v1 =	vadd.f32 v1, v3  }
0x1c2: {  	v3 =	vadd.f32 v7, v5;
	[tilespmem:s21+$0xCCA0] =	vst v0  }
0x1c3: {  	v0 =	vadd.f32 v9, v2;
	[tilespmem:s21+$0xCCB0] =	vst v1  }
0x1c4: {  	[tilespmem:s21+$0xCCC0] =	vst v3  }
0x1c5: {  	s8 =	simm.s32 @p0 $0x8;
	[tilespmem:s21+$0xCCD0] =	vst v0  }
0x1c6: {  	_ =	swait.ge @p0 [sflag:s8], $0x1800  }
0x1c7: {  	[sflag:s8] =	ssyncset.done @p0 $0x0  }
0x1c8: {  	[sflag:s8] =	ssyncadd.s32 @p0 $0xFFFFE800;
	s8 =	simm.s32 @!p0 $0xF  }
0x1c9: {  	_ =	swait.ge @!p0 [sflag:s8], $0x68  }
0x1ca: {  	s9 =	simm.s32 @!p0 $0x258;
	s10 =	simm.s32 @!p0 $0x9920;
	[sflag:s8] =	ssyncset.done @!p0 $0x0  }
0x1cb: {  	s7 =	smul.u32 @!p0 $0xC8, s7;
	[sflag:s8] =	ssyncadd.s32 @!p0 $0xFFFFFF98;
	s8 =	simm.s32 @!p0 $0x68  }
0x1cc: {  	[tilespmem:s10], [sflag:$0x7] =	stream.indirect.gather @!p0 [hbm4b:s5+s8], $0x40, s9, s8, $0xb8;
	[tilespmem:$0x10B20] =	vst v63  }
0x1cd: {  	s7 =	sadd.s32 @!p0 $0x68, s7;
	s8 =	simm.s32 @!p0 $0x8  }
0x1ce: {  	s7 =	sshrl.u32 @!p0 s7, $0x3;
	_ =	swait.ge @!p0 [sflag:s8], $0x1800  }
0x1cf: {  	s7 =	sadd.s32 @!p0 s4, s7;
	[sflag:s8] =	ssyncset.done @!p0 $0x0  }
0x1d0: {  	s9 =	simm.s32 @!p0 $0x2C0;
	[sflag:s8] =	ssyncadd.s32 @!p0 $0xFFFFE800;
	s8 =	simm.s32 @!p0 $0x0  }
0x1d1: {  	[tilespmem:s9], [sflag:$0x10] =	stream.linear.gather @!p0 [hbm4b:s7+s8], $0x60, $0x38;
	[tilespmem:$0x10B20] =	vst v63  }
0x1d2: {  	s7 =	simm.s32 $0x0  }
0x1d3: {  	v0 =	vld [tilespmem:s7+$0xB3E0]  }
0x1d4: {  	v1 =	vld [tilespmem:s7+$0xB3F0]  }
0x1d5: {  	v2 =	vld [tilespmem:s7+$0xB3A0]  }
0x1d6: {  	v3 =	vld [tilespmem:s7+$0xB3B0]  }
0x1d7: {  	v4 =	vld [tilespmem:s7+$0xB360]  }
0x1d8: {  	v5 =	vld [tilespmem:s7+$0xB370]  }
0x1d9: {  	v10 =	vld [tilespmem:s7+$0xB320]  }
0x1da: {  	v6 =	vimm.f32 $0.0e+00;
	v12 =	vld [tilespmem:s7+$0xB330]  }
0x1db: {  	v8 =	vimm.f32 $0.0e+00;
	v7 =	vimm.f32 $0.0e+00;
	v9 =	vimm.f32 $0.0e+00;
	s8 =	simm.s32 $0x400;
	v11 =	vld [tilespmem:s7+$0xB340]  }
.LBB2_17:
0x1dc: {  	p1 =	sne.s32 s8, $0x5C00;
	v13 =	vld [tilespmem:s7+$0xB350]  }
0x1dd: {  	v14 =	vld [tilespmem:s7+$0xB380]  }
0x1de: {  	v15 =	vld [tilespmem:s7+$0xB390]  }
0x1df: {  	v16 =	vld [tilespmem:s7+$0xB3C0]  }
0x1e0: {  	v7 =	vadd.f32 v10, v7;
	v9 =	vadd.f32 v12, v9;
	v10 =	vld [tilespmem:s7+$0xB3D0]  }
0x1e1: {  	v8 =	vadd.f32 v11, v8;
	v6 =	vadd.f32 v13, v6;
	v11 =	vld [tilespmem:s7+$0xB400]  }
0x1e2: {  	v4 =	vadd.f32 v4, v7;
	v5 =	vadd.f32 v5, v9;
	v12 =	vld [tilespmem:s7+$0xB410];
	s7 =	sshra.s32 s8, $0x2  }
0x1e3: {  	v7 =	vadd.f32 v14, v8;
	v13 =	vld [tilespmem:s7+$0xB3E0];
	v6 =	vadd.f32 v15, v6  }
0x1e4: {  	v4 =	vadd.f32 v2, v4;
	v5 =	vadd.f32 v3, v5;
	v14 =	vld [tilespmem:s7+$0xB3F0]  }
0x1e5: {  	v8 =	vadd.f32 v16, v7;
	v2 =	vld [tilespmem:s7+$0xB3A0];
	v6 =	vadd.f32 v10, v6  }
0x1e6: {  	v7 =	vadd.f32 v0, v4;
	v9 =	vadd.f32 v1, v5;
	v3 =	vld [tilespmem:s7+$0xB3B0]  }
.Ltmp9:
0x1e7: {  	v8 =	vadd.f32 v11, v8;
	v4 =	vld [tilespmem:s7+$0xB360];
	v6 =	vadd.f32 v12, v6;
	(pc) =	sbr.rel @p1 .LBB2_17-.Ltmp9, $4  }
0x1e8: {  	v5 =	vld [tilespmem:s7+$0xB370];
	v0 =	vmov v13  }
0x1e9: {  	v10 =	vld [tilespmem:s7+$0xB320];
	v1 =	vmov v14  }
0x1ea: {  	v12 =	vld [tilespmem:s7+$0xB330]  }
0x1eb: {  	s8 =	sadd.s32 $0x400, s8;
	v11 =	vld [tilespmem:s7+$0xB340]  }
0x1ec: {  	v13 =	vld [tilespmem:s7+$0xB350]  }
0x1ed: {  	v14 =	vld [tilespmem:s7+$0xB380]  }
0x1ee: {  	v15 =	vld [tilespmem:s7+$0xB390]  }
0x1ef: {  	v16 =	vld [tilespmem:s7+$0xB3C0]  }
0x1f0: {  	v54 =	vld [tilespmem:s7+$0xB3D0];
	v7 =	vadd.f32 v10, v7  }
0x1f1: {  	v55 =	vld [tilespmem:s7+$0xB400];
	v9 =	vadd.f32 v12, v9  }
0x1f2: {  	v56 =	vld [tilespmem:s7+$0xB410];
	v8 =	vadd.f32 v11, v8;
	v4 =	vadd.f32 v4, v7  }
0x1f3: {  	v57 =	vld [tilespmem:s21+$0xCCA0];
	v6 =	vadd.f32 v13, v6;
	v5 =	vadd.f32 v5, v9  }
0x1f4: {  	v58 =	vld [tilespmem:s21+$0xCCB0];
	v8 =	vadd.f32 v14, v8;
	v2 =	vadd.f32 v2, v4  }
0x1f5: {  	v59 =	vld [tilespmem:s21+$0xCCC0];
	v6 =	vadd.f32 v15, v6;
	v3 =	vadd.f32 v3, v5  }
0x1f6: {  	v60 =	vld [tilespmem:s21+$0xCCD0];
	v8 =	vadd.f32 v16, v8;
	v0 =	vadd.f32 v0, v2  }
0x1f7: {  	v6 =	vadd.f32 v54, v6;
	v1 =	vadd.f32 v1, v3  }
0x1f8: {  	v61 =	vadd.f32 v55, v8;
	v0 =	vadd.f32 v57, v0  }
0x1f9: {  	v6 =	vadd.f32 v56, v6;
	v1 =	vadd.f32 v58, v1  }
0x1fa: {  	v0 =	vmul.f32 $4.999999890e-03, v0;
	v3 =	vadd.f32 v59, v61  }
.Ltmp10:
0x1fb: {  	v1 =	vmul.f32 $4.999999890e-03, v1;
	v2 =	vadd.f32 v60, v6;
	(pc) =	sbr.rel @p0 .LBB2_20-.Ltmp10, $4  }
0x1fc: {  	[tilespmem:s21+$0xCCA0] =	vst v0;
	v62 =	vmul.f32 $4.999999890e-03, v3  }
0x1fd: {  	[tilespmem:s21+$0xCCB0] =	vst v1;
	v63 =	vmul.f32 $4.999999890e-03, v2  }
0x1fe: {  	[tilespmem:s21+$0xCCC0] =	vst v62  }
0x1ff: {  	[tilespmem:s21+$0xCCD0] =	vst v63  }
.Ltmp11:
0x200: {  	(pc) =	sbr.rel .LBB2_2-.Ltmp11, $4  }
0x201: {  	_ =	swait.ge [sflag:s30], $0x60  }
0x202: {  	[sflag:s30] =	ssyncset.done $0x0  }
0x203: {  	s20 =	sadd.s32 $0x1, s20;
	[sflag:s30] =	ssyncadd.s32 $0xFFFFFFA0  }
0x204: {  	[tilespmem:s24], [sflag:$0x8] =	stream.indirect.gather [hbm4b:s5+s26], $0x40, s22, s26, $0xb8;
	[tilespmem:$0x10B20] =	vst v63  }
.LBB2_21:
0x205: {  	_ =	sfence.sel $0x180000  }
0x206: {  	[bflag:$0x0] =	sbarrier.arrive $0xFFFF  }
0x207: {  	_ =	strace $0x90000047  }
0x208: {  	s0 =	stileid.u32;
	[bflag:$0x2] =	sbarrier.arrive $0xFFFF  }
0x209: {  	p0 =	sne.s32 s0, $0x0;
	s0 =	rddreg [dreg:$0x2]  }
0x20a: {  	s0 =	sadd.s32 @!p0 $0x100000, s0  }
0x20b: {  	[sflag:s0] =	ssyncadd.tile.s32 @!p0 $0x1;
	_ =	shalt  }
.Lfunc_end2:
_tile_overlayer_lowered:
.L_overlay_start_2:
0x20c: {  	(tag) =	ssettag $0x2  }
0x20d: {  	s0 =	rddreg [dreg:$0x0];
	s2 =	stileid.u32  }
0x20e: {  	s1 =	rddreg [dreg:$0x1];
	p0 =	sne.s32 s2, $0x0  }
0x20f: {  	s3 =	rddreg [dreg:$0x2];
	[bflag:$0x3] =	sbarrier.arrive $0xFFFF;
	s2 =	simm.s32 @!p0 $0x1C11  }
0x210: {  	[timem:s3], [sflag:s2] =	dma.local @!p0 [hbm:s0], s1  }
0x211: {  	s0 =	simm.s32 @!p0 $0x11  }
0x212: {  	_ =	swait.ge @!p0 [sflag:s0], s1  }
0x213: {  	s1 =	ssub.s32 @!p0 $0x0, s1;
	[sflag:s0] =	ssyncset.done @!p0 $0x0  }
0x214: {  	[sflag:s0] =	ssyncadd.s32 @!p0 s1  }
0x215: {  	[bflag:$0x3] =	sbarrier.arrive $0xFFFF  }
0x216: {  	_ =	shalt  }

</sc_bundles>
